<compile_context>
chip_gen: v7x
topology: tpu7x:2x2x1
jax: 0.10.2.dev20260603
libtpu: 0.0.44.dev20260713+nightly
codegen_flags: <defaults>
</compile_context>

<pallas_src>
import jax
import jax.numpy as jnp
from jax import lax
from jax.experimental import pallas as pl
from jax.experimental.pallas import tpu as pltpu
from jax.experimental.pallas import tpu_sc as plsc

NC = 2
NS = 16
NW = NC * NS
L = 16

CHUNK = 48
RCH = 24
NBUF = 4
ZR = 40


def _make_sc_call(n, np_, d, e_pad):
  epw = e_pad // NW
  nch = epw // CHUNK
  nr = nch // RCH
  nquad = RCH // NBUF
  rpt = np_ // NS
  dcol = d // L
  nzc = rpt // ZR

  def body(x_hbm, src_hbm, dst_hbm, w_hbm,
           agg_out, deg_out,
           src_v, dst_v, w_v, deg_v,
           rows0, rows1, rows2, rows3, agg_sh,
           gsem0, gsem1, gsem2, gsem3, ssem0, ssem1, ssem2, ssem3):
    rows = (rows0, rows1, rows2, rows3)
    gsem = (gsem0, gsem1, gsem2, gsem3)
    ssem = (ssem0, ssem1, ssem2, ssem3)
    c = lax.axis_index("c")
    s = lax.axis_index("s")
    wid = c * NS + s

    def zfill(i, _):
      r = i // dcol
      k = i % dcol
      for b in range(NBUF):
        rows[b][r, pl.ds(k * L, L)] = jnp.zeros((L,), jnp.float32)
      return 0

    lax.fori_loop(0, CHUNK * dcol, zfill, 0)

    def dzfill(i, _):
      deg_v[pl.ds(i * L, L)] = jnp.zeros((L,), jnp.float32)
      return 0

    lax.fori_loop(0, np_ // L, dzfill, 0)

    for i in range(nzc):
      pltpu.async_copy(rows[i % NBUF].at[pl.ds(0, ZR)],
                       agg_sh.at[pl.ds(s * rpt + i * ZR, ZR)],
                       gsem[i % NBUF])
    for i in range(nzc):
      pltpu.make_async_copy(
          rows[i % NBUF].at[pl.ds(0, ZR)],
          agg_sh.at[pl.ds(s * rpt + i * ZR, ZR)],
          gsem[i % NBUF]).wait()

    plsc.subcore_barrier()

    ones = jnp.full((L,), 1.0, jnp.float32)

    def wait_g(b):
      pltpu.make_async_copy(x_hbm.at[src_v.at[0]], rows[b], gsem[b]).wait()

    def wait_s(b, j):
      pltpu.make_async_copy(rows[b], agg_sh.at[dst_v.at[j]], ssem[b]).wait()

    def scale(rv, j):
      for g in range(CHUNK // L):
        w16 = w_v[j, pl.ds(g * L, L)]

        def srow(r, _):
          wsp = w16.at[jnp.full((L,), r, jnp.int32)].get(
              mode="promise_in_bounds")
          row = g * L + r
          for k in range(dcol):
            rv[row, pl.ds(k * L, L)] = rv[row, pl.ds(k * L, L)] * wsp
          return 0

        lax.fori_loop(0, L, srow, 0)

    def deg_upd(j):
      def db(m, _):
        plsc.addupdate_scatter(deg_v, [dst_v[j, pl.ds(m * L, L)]], ones)
        return 0

      lax.fori_loop(0, CHUNK // L, db, 0)

    def round_body(q, _):
      pltpu.sync_copy(src_hbm.at[wid].at[q], src_v)
      pltpu.sync_copy(dst_hbm.at[wid].at[q], dst_v)
      pltpu.sync_copy(w_hbm.at[wid].at[q], w_v)
      pltpu.async_copy(x_hbm.at[src_v.at[0]], rows[0], gsem[0])
      pltpu.async_copy(x_hbm.at[src_v.at[1]], rows[1], gsem[1])

      def quad(qi, _):
        for u in range(NBUF):
          k = qi * NBUF + u
          v = (u + 2) % NBUF
          wait_g(u)
          scale(rows[u], k)
          pltpu.async_copy(rows[u], agg_sh.at[dst_v.at[k]], ssem[u],
                           add=True)
          if u < 2:
            @pl.when(qi > 0)
            def _():
              wait_s(v, k)

            pltpu.async_copy(x_hbm.at[src_v.at[k + 2]], rows[v], gsem[v])
          else:
            wait_s(v, k)

            @pl.when(qi < nquad - 1)
            def _():
              pltpu.async_copy(x_hbm.at[src_v.at[k + 2]], rows[v], gsem[v])

          deg_upd(k)
        return 0

      lax.fori_loop(0, nquad, quad, 0)
      wait_s(2, RCH - 2)
      wait_s(3, RCH - 1)
      return 0

    lax.fori_loop(0, nr, round_body, 0)

    plsc.subcore_barrier()

    pltpu.sync_copy(agg_sh.at[pl.ds(s * rpt, rpt)],
                    agg_out.at[c].at[pl.ds(s * rpt, rpt)])
    pltpu.sync_copy(deg_v, deg_out.at[wid])

  return pl.kernel(
      body,
      out_type=(
          jax.ShapeDtypeStruct((NC, np_, d), jnp.float32),
          jax.ShapeDtypeStruct((NW, np_), jnp.float32),
      ),
      mesh=plsc.VectorSubcoreMesh(core_axis_name="c", subcore_axis_name="s"),
      compiler_params=pltpu.CompilerParams(needs_layout_passes=False),
      scratch_types=[
          pltpu.VMEM((RCH, CHUNK), jnp.int32),
          pltpu.VMEM((RCH, CHUNK), jnp.int32),
          pltpu.VMEM((RCH, CHUNK), jnp.float32),
          pltpu.VMEM((np_,), jnp.float32),
          pltpu.VMEM((CHUNK, d), jnp.float32),
          pltpu.VMEM((CHUNK, d), jnp.float32),
          pltpu.VMEM((CHUNK, d), jnp.float32),
          pltpu.VMEM((CHUNK, d), jnp.float32),
          pltpu.VMEM_SHARED((np_, d), jnp.float32),
          pltpu.SemaphoreType.DMA,
          pltpu.SemaphoreType.DMA,
          pltpu.SemaphoreType.DMA,
          pltpu.SemaphoreType.DMA,
          pltpu.SemaphoreType.DMA,
          pltpu.SemaphoreType.DMA,
          pltpu.SemaphoreType.DMA,
          pltpu.SemaphoreType.DMA,
      ],
  )


def _tc_body(agg_ref, deg_ref, x_ref, w_ref, b_ref, g_ref, bt_ref, o_ref):
  agg = agg_ref[0] + agg_ref[1]
  deg = jnp.sum(deg_ref[...], axis=0, keepdims=True)
  h = (agg + x_ref[...]) / (deg.T + 1.0)
  rst = lax.dot_general(h, w_ref[...], (((1,), (1,)), ((), ())),
                        preferred_element_type=jnp.float32) + b_ref[...]
  mean = jnp.mean(rst, axis=1, keepdims=True)
  cen = rst - mean
  var = jnp.mean(cen * cen, axis=1, keepdims=True)
  y = cen * lax.rsqrt(var + 1e-5) * g_ref[...] + bt_ref[...]
  o_ref[...] = jnp.maximum(y, 0.0)


def _make_tc_call(n, d, rblk):
  grid = n // rblk
  return pl.pallas_call(
      _tc_body,
      grid=(grid,),
      in_specs=[
          pl.BlockSpec((NC, rblk, d), lambda i: (0, i, 0)),
          pl.BlockSpec((NW, rblk), lambda i: (0, i)),
          pl.BlockSpec((rblk, d), lambda i: (i, 0)),
          pl.BlockSpec((d, d), lambda i: (0, 0)),
          pl.BlockSpec((1, d), lambda i: (0, 0)),
          pl.BlockSpec((1, d), lambda i: (0, 0)),
          pl.BlockSpec((1, d), lambda i: (0, 0)),
      ],
      out_specs=pl.BlockSpec((rblk, d), lambda i: (i, 0)),
      out_shape=jax.ShapeDtypeStruct((n, d), jnp.float32),
  )


@jax.jit
def kernel(x, edge_index, edge_weight, W_neigh, b_neigh, ln_gamma, ln_beta):
  n, d = x.shape
  e = edge_weight.shape[0]
  np_ = ((n + 2047) // 2048) * 2048

  epw_real = e // NW
  epw = ((epw_real + RCH * CHUNK - 1) // (RCH * CHUNK)) * (RCH * CHUNK)
  padw = epw - epw_real
  nr = epw // (RCH * CHUNK)

  def _padded(arr2d, pad_row):
    return jnp.concatenate(
        [arr2d, jnp.broadcast_to(pad_row, (NW, padw))], axis=1)

  src = _padded(edge_index[0].reshape(NW, epw_real),
                jnp.arange(padw, dtype=jnp.int32) % n)
  dst = _padded(edge_index[1].reshape(NW, epw_real),
                n + jnp.arange(padw, dtype=jnp.int32) % (np_ - n))
  w = _padded(edge_weight.reshape(NW, epw_real),
              jnp.zeros((padw,), jnp.float32))

  src = src.reshape(NW, nr, RCH, CHUNK)
  dst = dst.reshape(NW, nr, RCH, CHUNK)
  w = w.reshape(NW, nr, RCH, CHUNK)

  agg2, deg32 = _make_sc_call(n, np_, d, epw * NW)(x, src, dst, w)

  x_pad = jnp.pad(x, ((0, np_ - n), (0, 0)))
  out = _make_tc_call(np_, d, 2048)(
      agg2, deg32, x_pad, W_neigh,
      b_neigh.reshape(1, d), ln_gamma.reshape(1, d), ln_beta.reshape(1, d))
  return out[:n]

# --- scband reference (transcript-rebuilt; emitter-appended) ---
"""Pipeline reference for scband-sagelayer-53085795779368 (READ-ONLY COPY).

The authoritative reference and input builder live on the scoring server;
editing this copy changes nothing except your own understanding.
"""

import jax, jax.numpy as jnp
import numpy as np

N = 10000
E = 320000
D_IN = 128
D_OUT = 128

def setup_inputs(seed: int = 0) -> dict:
    key = jax.random.key(seed)
    k1, k2, k3, k4 = jax.random.split(key, 4)
    x = jax.random.normal(k1, (N, D_IN), dtype=jnp.float32)
    edge_index = jax.random.randint(k2, (2, E), 0, N, dtype=jnp.int32)
    edge_weight = jax.random.uniform(k3, (E,), dtype=jnp.float32)
    # DGL SAGEConv('gcn') params: fc_neigh (Linear in->out, no bias) + separate bias
    W_neigh = jax.random.normal(k4, (D_OUT, D_IN), dtype=jnp.float32) / np.sqrt(D_IN)
    b_neigh = jnp.zeros((D_OUT,), dtype=jnp.float32)
    # LayerNorm params
    ln_gamma = jnp.ones((D_OUT,), dtype=jnp.float32)
    ln_beta = jnp.zeros((D_OUT,), dtype=jnp.float32)
    return {"x": x, "edge_index": edge_index, "edge_weight": edge_weight,
            "W_neigh": W_neigh, "b_neigh": b_neigh,
            "ln_gamma": ln_gamma, "ln_beta": ln_beta}

def reference(x, edge_index, edge_weight, W_neigh, b_neigh, ln_gamma, ln_beta):
    # DGL SAGEConv, aggregator_type='gcn', edge_weight used (u_mul_e message):
    # h_neigh = (sum_{j in N(i)} w_ij * x_j + x_i) / (in_deg(i) + 1)
    src = edge_index[0]
    dst = edge_index[1]
    msg = x[src] * edge_weight[:, None]                      # gather + scale
    agg = jax.ops.segment_sum(msg, dst, num_segments=N)      # scatter-add
    deg = jax.ops.segment_sum(jnp.ones((E,), dtype=x.dtype), dst, num_segments=N)
    h_neigh = (agg + x) / (deg[:, None] + 1.0)
    # lin_before_mp is False since in_feats == out_feats
    rst = h_neigh @ W_neigh.T + b_neigh
    # activation layer = Sequential(Identity, LayerNorm, ReLU)
    mean = jnp.mean(rst, axis=-1, keepdims=True)
    var = jnp.var(rst, axis=-1, keepdims=True)
    rst = (rst - mean) / jnp.sqrt(var + 1e-5) * ln_gamma + ln_beta
    return jax.nn.relu(rst)

if __name__ == "__main__":
    import jax
    _d = setup_inputs()
    print(jax.jit(kernel)(*tuple(_d.values())))

</pallas_src>

<mosaic_0001>
#map = affine_map<(d0, d1) -> (0, 0)>
#map1 = affine_map<(d0, d1) -> (0, 0, 0, 0)>
#map2 = affine_map<(d0, d1) -> (0, 0, 0)>
module attributes {stable_mosaic.version = 14 : i64} {
  func.func @body(%arg0: i32, %arg1: i32, %arg2: memref<10000x128xf32, #tpu.memory_space<hbm>>, %arg3: memref<32x9x24x48xi32, #tpu.memory_space<hbm>>, %arg4: memref<32x9x24x48xi32, #tpu.memory_space<hbm>>, %arg5: memref<32x9x24x48xf32, #tpu.memory_space<hbm>>, %arg6: memref<2x10240x128xf32, #tpu.memory_space<hbm>>, %arg7: memref<32x10240xf32, #tpu.memory_space<hbm>>, %arg8: memref<24x48xi32, #tpu.memory_space<vmem>>, %arg9: memref<24x48xi32, #tpu.memory_space<vmem>>, %arg10: memref<24x48xf32, #tpu.memory_space<vmem>>, %arg11: memref<10240xf32, #tpu.memory_space<vmem>>, %arg12: memref<48x128xf32, #tpu.memory_space<vmem>>, %arg13: memref<48x128xf32, #tpu.memory_space<vmem>>, %arg14: memref<48x128xf32, #tpu.memory_space<vmem>>, %arg15: memref<48x128xf32, #tpu.memory_space<vmem>>, %arg16: memref<10240x128xf32, #tpu.memory_space<vmem_shared>>, %arg17: memref<!tpu.dma_semaphore, #tpu.memory_space<semaphore_mem>>, %arg18: memref<!tpu.dma_semaphore, #tpu.memory_space<semaphore_mem>>, %arg19: memref<!tpu.dma_semaphore, #tpu.memory_space<semaphore_mem>>, %arg20: memref<!tpu.dma_semaphore, #tpu.memory_space<semaphore_mem>>, %arg21: memref<!tpu.dma_semaphore, #tpu.memory_space<semaphore_mem>>, %arg22: memref<!tpu.dma_semaphore, #tpu.memory_space<semaphore_mem>>, %arg23: memref<!tpu.dma_semaphore, #tpu.memory_space<semaphore_mem>>, %arg24: memref<!tpu.dma_semaphore, #tpu.memory_space<semaphore_mem>>) attributes {dimension_semantics = [#tpu.dimension_semantics<core_parallel>, #tpu.dimension_semantics<subcore_parallel>], iteration_bounds = array<i64: 2, 16>, scalar_prefetch = 0 : i64, scratch_operands = 17 : i64, tpu.core_type = #tpu.core_type<sc_vector_subcore>, window_params = [{transform_indices = #map}, {transform_indices = #map1}, {transform_indices = #map1}, {transform_indices = #map1}, {transform_indices = #map2}, {transform_indices = #map}]} {
    %mul3A = arith.constant 16 : i32
    %mul3A_0 = arith.muli %arg0, %mul3A : i32
    %add3A = arith.addi %mul3A_0, %arg1 : i32
    %scan3A = arith.constant 0 : i32
    %scan3A_1 = arith.constant 0 : i32
    %scan3A_2 = arith.constant 384 : i32
    %scan3A_3 = arith.addi %scan3A_1, %scan3A_2 : i32
    %scan3A_4 = arith.constant 1 : i32
    %scan3A_5 = scf.for %scan3A_473 = %scan3A_1 to %scan3A_3 step %scan3A_4 iter_args(%scan3A_474 = %scan3A) -> (i32)  : i32 {
      %jit3A = arith.constant 8 : i32
      %div3A = arith.divsi %scan3A_473, %jit3A : i32
      %sign3A = arith.constant 0 : i32
      %sign3A_475 = arith.cmpi sgt, %scan3A_473, %sign3A : i32
      %sign3A_476 = arith.extui %sign3A_475 : i1 to i32
      %sign3A_477 = arith.constant 0 : i32
      %sign3A_478 = arith.cmpi slt, %scan3A_473, %sign3A_477 : i32
      %sign3A_479 = arith.extui %sign3A_478 : i1 to i32
      %sign3A_480 = arith.subi %sign3A_476, %sign3A_479 : i32
      %sign3A_481 = arith.constant 0 : i32
      %sign3A_482 = arith.cmpi sgt, %jit3A, %sign3A_481 : i32
      %sign3A_483 = arith.extui %sign3A_482 : i1 to i32
      %sign3A_484 = arith.constant 0 : i32
      %sign3A_485 = arith.cmpi slt, %jit3A, %sign3A_484 : i32
      %sign3A_486 = arith.extui %sign3A_485 : i1 to i32
      %sign3A_487 = arith.subi %sign3A_483, %sign3A_486 : i32
      %ne3A = arith.cmpi ne, %sign3A_480, %sign3A_487 : i32
      %rem3A = arith.remsi %scan3A_473, %jit3A : i32
      %ne3A_488 = arith.constant 0 : i32
      %ne3A_489 = arith.cmpi ne, %rem3A, %ne3A_488 : i32
      %and3A = arith.andi %ne3A, %ne3A_489 : i1
      %sub3A = arith.constant 1 : i32
      %sub3A_490 = arith.subi %div3A, %sub3A : i32
      %select_n3A = arith.select %and3A, %sub3A_490, %div3A : i32
      %jit3A_491 = arith.constant 8 : i32
      %eq3A = arith.constant 0 : i32
      %eq3A_492 = arith.cmpi eq, %jit3A_491, %eq3A : i32
      %jit3A_493 = arith.constant 1 : i32
      %select_n3A_494 = arith.select %eq3A_492, %jit3A_493, %jit3A_491 : i32
      %rem3A_495 = arith.remsi %scan3A_473, %select_n3A_494 : i32
      %ne3A_496 = arith.constant 0 : i32
      %ne3A_497 = arith.cmpi ne, %rem3A_495, %ne3A_496 : i32
      %lt3A = arith.constant 0 : i32
      %lt3A_498 = arith.cmpi slt, %rem3A_495, %lt3A : i32
      %lt3A_499 = arith.constant 0 : i32
      %lt3A_500 = arith.cmpi slt, %select_n3A_494, %lt3A_499 : i32
      %ne3A_501 = arith.xori %lt3A_498, %lt3A_500 : i1
      %and3A_502 = arith.andi %ne3A_501, %ne3A_497 : i1
      %add3A_503 = arith.addi %rem3A_495, %select_n3A_494 : i32
      %select_n3A_504 = arith.select %and3A_502, %add3A_503, %rem3A_495 : i32
      %broadcast_in_dim3A_505 = arith.constant 0.000000e+00 : f32
      %broadcast_in_dim3A_506 = vector.broadcast %broadcast_in_dim3A_505 : f32 to vector<16xf32>
      %mul3A_507 = arith.constant 16 : i32
      %mul3A_508 = arith.muli %select_n3A_504, %mul3A_507 : i32
      %swap3A = arith.index_cast %select_n3A : i32 to index
      %swap3A_509 = arith.index_cast %mul3A_508 : i32 to index
      %swap3A_510 = tpu.vector_load %arg12[%swap3A, %swap3A_509] {strides = array<i32>} : memref<48x128xf32, #tpu.memory_space<vmem>>, vector<16xf32>,
      tpu.vector_store %arg12[%swap3A, %swap3A_509], %broadcast_in_dim3A_506 {strides = array<i32>} : memref<48x128xf32, #tpu.memory_space<vmem>>, vector<16xf32>,
      %broadcast_in_dim3A_511 = arith.constant 0.000000e+00 : f32
      %broadcast_in_dim3A_512 = vector.broadcast %broadcast_in_dim3A_511 : f32 to vector<16xf32>
      %mul3A_513 = arith.constant 16 : i32
      %mul3A_514 = arith.muli %select_n3A_504, %mul3A_513 : i32
      %swap3A_515 = arith.index_cast %select_n3A : i32 to index
      %swap3A_516 = arith.index_cast %mul3A_514 : i32 to index
      %swap3A_517 = tpu.vector_load %arg13[%swap3A_515, %swap3A_516] {strides = array<i32>} : memref<48x128xf32, #tpu.memory_space<vmem>>, vector<16xf32>,
      tpu.vector_store %arg13[%swap3A_515, %swap3A_516], %broadcast_in_dim3A_512 {strides = array<i32>} : memref<48x128xf32, #tpu.memory_space<vmem>>, vector<16xf32>,
      %broadcast_in_dim3A_518 = arith.constant 0.000000e+00 : f32
      %broadcast_in_dim3A_519 = vector.broadcast %broadcast_in_dim3A_518 : f32 to vector<16xf32>
      %mul3A_520 = arith.constant 16 : i32
      %mul3A_521 = arith.muli %select_n3A_504, %mul3A_520 : i32
      %swap3A_522 = arith.index_cast %select_n3A : i32 to index
      %swap3A_523 = arith.index_cast %mul3A_521 : i32 to index
      %swap3A_524 = tpu.vector_load %arg14[%swap3A_522, %swap3A_523] {strides = array<i32>} : memref<48x128xf32, #tpu.memory_space<vmem>>, vector<16xf32>,
      tpu.vector_store %arg14[%swap3A_522, %swap3A_523], %broadcast_in_dim3A_519 {strides = array<i32>} : memref<48x128xf32, #tpu.memory_space<vmem>>, vector<16xf32>,
      %broadcast_in_dim3A_525 = arith.constant 0.000000e+00 : f32
      %broadcast_in_dim3A_526 = vector.broadcast %broadcast_in_dim3A_525 : f32 to vector<16xf32>
      %mul3A_527 = arith.constant 16 : i32
      %mul3A_528 = arith.muli %select_n3A_504, %mul3A_527 : i32
      %swap3A_529 = arith.index_cast %select_n3A : i32 to index
      %swap3A_530 = arith.index_cast %mul3A_528 : i32 to index
      %swap3A_531 = tpu.vector_load %arg15[%swap3A_529, %swap3A_530] {strides = array<i32>} : memref<48x128xf32, #tpu.memory_space<vmem>>, vector<16xf32>,
      tpu.vector_store %arg15[%swap3A_529, %swap3A_530], %broadcast_in_dim3A_526 {strides = array<i32>} : memref<48x128xf32, #tpu.memory_space<vmem>>, vector<16xf32>,
      %scan3A_532 = arith.constant 0 : i32
      scf.yield %scan3A_532 : i32
    }
    %scan3A_6 = arith.constant 384 : i32
    %scan3A_7 = arith.constant 0 : i32
    %scan3A_8 = arith.constant 0 : i32
    %scan3A_9 = arith.constant 640 : i32
    %scan3A_10 = arith.addi %scan3A_8, %scan3A_9 : i32
    %scan3A_11 = arith.constant 1 : i32
    %scan3A_12 = scf.for %scan3A_473 = %scan3A_8 to %scan3A_10 step %scan3A_11 iter_args(%scan3A_474 = %scan3A_7) -> (i32)  : i32 {
      %broadcast_in_dim3A_475 = arith.constant 0.000000e+00 : f32
      %broadcast_in_dim3A_476 = vector.broadcast %broadcast_in_dim3A_475 : f32 to vector<16xf32>
      %mul3A_477 = arith.constant 16 : i32
      %mul3A_478 = arith.muli %scan3A_473, %mul3A_477 : i32
      %swap3A = arith.index_cast %mul3A_478 : i32 to index
      %swap3A_479 = tpu.vector_load %arg11[%swap3A] {strides = array<i32>} : memref<10240xf32, #tpu.memory_space<vmem>>, vector<16xf32>,
      tpu.vector_store %arg11[%swap3A], %broadcast_in_dim3A_476 {strides = array<i32>} : memref<10240xf32, #tpu.memory_space<vmem>>, vector<16xf32>,
      %scan3A_480 = arith.constant 0 : i32
      scf.yield %scan3A_480 : i32
    }
    %scan3A_13 = arith.constant 640 : i32
    %mul3A_14 = arith.constant 640 : i32
    %mul3A_15 = arith.muli %arg1, %mul3A_14 : i32
    %add3A_16 = arith.constant 0 : i32
    %add3A_17 = arith.addi %mul3A_15, %add3A_16 : i32
    %dma_start3A = arith.constant 0 : i32
    %dma_start3A_18 = arith.constant 0 : i32
    %dma_start3A_19 = tpu.memref_slice %arg12[%dma_start3A, %dma_start3A_18] : memref<48x128xf32, #tpu.memory_space<vmem>> -> memref<40x128xf32, #tpu.memory_space<vmem>>
    %dma_start3A_20 = arith.constant 0 : i32
    %dma_start3A_21 = tpu.memref_slice %arg16[%add3A_17, %dma_start3A_20] : memref<10240x128xf32, #tpu.memory_space<vmem_shared>> -> memref<40x128xf32, #tpu.memory_space<vmem_shared>>
    %dma_start3A_22 = arith.constant 0 : i32
    %dma_start3A_23 = tpu.memref_slice %arg16[%add3A_17, %dma_start3A_22] : memref<10240x128xf32, #tpu.memory_space<vmem_shared>> -> memref<40x128xf32, #tpu.memory_space<vmem_shared>>
    %dma_start3A_24 = arith.constant 0 : i32
    %dma_start3A_25 = arith.constant 0 : i32
    %dma_start3A_26 = tpu.memref_slice %arg12[%dma_start3A_24, %dma_start3A_25] : memref<48x128xf32, #tpu.memory_space<vmem>> -> memref<40x128xf32, #tpu.memory_space<vmem>>
    tpu.enqueue_dma source(%dma_start3A_26 : memref<40x128xf32, #tpu.memory_space<vmem>>) target(%dma_start3A_23 : memref<40x128xf32, #tpu.memory_space<vmem_shared>>) target_semaphore(%arg17 : memref<!tpu.dma_semaphore, #tpu.memory_space<semaphore_mem>>)
    %mul3A_27 = arith.constant 640 : i32
    %mul3A_28 = arith.muli %arg1, %mul3A_27 : i32
    %add3A_29 = arith.constant 40 : i32
    %add3A_30 = arith.addi %mul3A_28, %add3A_29 : i32
    %dma_start3A_31 = arith.constant 0 : i32
    %dma_start3A_32 = arith.constant 0 : i32
    %dma_start3A_33 = tpu.memref_slice %arg13[%dma_start3A_31, %dma_start3A_32] : memref<48x128xf32, #tpu.memory_space<vmem>> -> memref<40x128xf32, #tpu.memory_space<vmem>>
    %dma_start3A_34 = arith.constant 0 : i32
    %dma_start3A_35 = tpu.memref_slice %arg16[%add3A_30, %dma_start3A_34] : memref<10240x128xf32, #tpu.memory_space<vmem_shared>> -> memref<40x128xf32, #tpu.memory_space<vmem_shared>>
    %dma_start3A_36 = arith.constant 0 : i32
    %dma_start3A_37 = tpu.memref_slice %arg16[%add3A_30, %dma_start3A_36] : memref<10240x128xf32, #tpu.memory_space<vmem_shared>> -> memref<40x128xf32, #tpu.memory_space<vmem_shared>>
    %dma_start3A_38 = arith.constant 0 : i32
    %dma_start3A_39 = arith.constant 0 : i32
    %dma_start3A_40 = tpu.memref_slice %arg13[%dma_start3A_38, %dma_start3A_39] : memref<48x128xf32, #tpu.memory_space<vmem>> -> memref<40x128xf32, #tpu.memory_space<vmem>>
    tpu.enqueue_dma source(%dma_start3A_40 : memref<40x128xf32, #tpu.memory_space<vmem>>) target(%dma_start3A_37 : memref<40x128xf32, #tpu.memory_space<vmem_shared>>) target_semaphore(%arg18 : memref<!tpu.dma_semaphore, #tpu.memory_space<semaphore_mem>>)
    %mul3A_41 = arith.constant 640 : i32
    %mul3A_42 = arith.muli %arg1, %mul3A_41 : i32
    %add3A_43 = arith.constant 80 : i32
    %add3A_44 = arith.addi %mul3A_42, %add3A_43 : i32
    %dma_start3A_45 = arith.constant 0 : i32
    %dma_start3A_46 = arith.constant 0 : i32
    %dma_start3A_47 = tpu.memref_slice %arg14[%dma_start3A_45, %dma_start3A_46] : memref<48x128xf32, #tpu.memory_space<vmem>> -> memref<40x128xf32, #tpu.memory_space<vmem>>
    %dma_start3A_48 = arith.constant 0 : i32
    %dma_start3A_49 = tpu.memref_slice %arg16[%add3A_44, %dma_start3A_48] : memref<10240x128xf32, #tpu.memory_space<vmem_shared>> -> memref<40x128xf32, #tpu.memory_space<vmem_shared>>
    %dma_start3A_50 = arith.constant 0 : i32
    %dma_start3A_51 = tpu.memref_slice %arg16[%add3A_44, %dma_start3A_50] : memref<10240x128xf32, #tpu.memory_space<vmem_shared>> -> memref<40x128xf32, #tpu.memory_space<vmem_shared>>
    %dma_start3A_52 = arith.constant 0 : i32
    %dma_start3A_53 = arith.constant 0 : i32
    %dma_start3A_54 = tpu.memref_slice %arg14[%dma_start3A_52, %dma_start3A_53] : memref<48x128xf32, #tpu.memory_space<vmem>> -> memref<40x128xf32, #tpu.memory_space<vmem>>
    tpu.enqueue_dma source(%dma_start3A_54 : memref<40x128xf32, #tpu.memory_space<vmem>>) target(%dma_start3A_51 : memref<40x128xf32, #tpu.memory_space<vmem_shared>>) target_semaphore(%arg19 : memref<!tpu.dma_semaphore, #tpu.memory_space<semaphore_mem>>)
    %mul3A_55 = arith.constant 640 : i32
    %mul3A_56 = arith.muli %arg1, %mul3A_55 : i32
    %add3A_57 = arith.constant 120 : i32
    %add3A_58 = arith.addi %mul3A_56, %add3A_57 : i32
    %dma_start3A_59 = arith.constant 0 : i32
    %dma_start3A_60 = arith.constant 0 : i32
    %dma_start3A_61 = tpu.memref_slice %arg15[%dma_start3A_59, %dma_start3A_60] : memref<48x128xf32, #tpu.memory_space<vmem>> -> memref<40x128xf32, #tpu.memory_space<vmem>>
    %dma_start3A_62 = arith.constant 0 : i32
    %dma_start3A_63 = tpu.memref_slice %arg16[%add3A_58, %dma_start3A_62] : memref<10240x128xf32, #tpu.memory_space<vmem_shared>> -> memref<40x128xf32, #tpu.memory_space<vmem_shared>>
    %dma_start3A_64 = arith.constant 0 : i32
    %dma_start3A_65 = tpu.memref_slice %arg16[%add3A_58, %dma_start3A_64] : memref<10240x128xf32, #tpu.memory_space<vmem_shared>> -> memref<40x128xf32, #tpu.memory_space<vmem_shared>>
    %dma_start3A_66 = arith.constant 0 : i32
    %dma_start3A_67 = arith.constant 0 : i32
    %dma_start3A_68 = tpu.memref_slice %arg15[%dma_start3A_66, %dma_start3A_67] : memref<48x128xf32, #tpu.memory_space<vmem>> -> memref<40x128xf32, #tpu.memory_space<vmem>>
    tpu.enqueue_dma source(%dma_start3A_68 : memref<40x128xf32, #tpu.memory_space<vmem>>) target(%dma_start3A_65 : memref<40x128xf32, #tpu.memory_space<vmem_shared>>) target_semaphore(%arg20 : memref<!tpu.dma_semaphore, #tpu.memory_space<semaphore_mem>>)
    %mul3A_69 = arith.constant 640 : i32
    %mul3A_70 = arith.muli %arg1, %mul3A_69 : i32
    %add3A_71 = arith.constant 160 : i32
    %add3A_72 = arith.addi %mul3A_70, %add3A_71 : i32
    %dma_start3A_73 = arith.constant 0 : i32
    %dma_start3A_74 = arith.constant 0 : i32
    %dma_start3A_75 = tpu.memref_slice %arg12[%dma_start3A_73, %dma_start3A_74] : memref<48x128xf32, #tpu.memory_space<vmem>> -> memref<40x128xf32, #tpu.memory_space<vmem>>
    %dma_start3A_76 = arith.constant 0 : i32
    %dma_start3A_77 = tpu.memref_slice %arg16[%add3A_72, %dma_start3A_76] : memref<10240x128xf32, #tpu.memory_space<vmem_shared>> -> memref<40x128xf32, #tpu.memory_space<vmem_shared>>
    %dma_start3A_78 = arith.constant 0 : i32
    %dma_start3A_79 = tpu.memref_slice %arg16[%add3A_72, %dma_start3A_78] : memref<10240x128xf32, #tpu.memory_space<vmem_shared>> -> memref<40x128xf32, #tpu.memory_space<vmem_shared>>
    %dma_start3A_80 = arith.constant 0 : i32
    %dma_start3A_81 = arith.constant 0 : i32
    %dma_start3A_82 = tpu.memref_slice %arg12[%dma_start3A_80, %dma_start3A_81] : memref<48x128xf32, #tpu.memory_space<vmem>> -> memref<40x128xf32, #tpu.memory_space<vmem>>
    tpu.enqueue_dma source(%dma_start3A_82 : memref<40x128xf32, #tpu.memory_space<vmem>>) target(%dma_start3A_79 : memref<40x128xf32, #tpu.memory_space<vmem_shared>>) target_semaphore(%arg17 : memref<!tpu.dma_semaphore, #tpu.memory_space<semaphore_mem>>)
    %mul3A_83 = arith.constant 640 : i32
    %mul3A_84 = arith.muli %arg1, %mul3A_83 : i32
    %add3A_85 = arith.constant 200 : i32
    %add3A_86 = arith.addi %mul3A_84, %add3A_85 : i32
    %dma_start3A_87 = arith.constant 0 : i32
    %dma_start3A_88 = arith.constant 0 : i32
    %dma_start3A_89 = tpu.memref_slice %arg13[%dma_start3A_87, %dma_start3A_88] : memref<48x128xf32, #tpu.memory_space<vmem>> -> memref<40x128xf32, #tpu.memory_space<vmem>>
    %dma_start3A_90 = arith.constant 0 : i32
    %dma_start3A_91 = tpu.memref_slice %arg16[%add3A_86, %dma_start3A_90] : memref<10240x128xf32, #tpu.memory_space<vmem_shared>> -> memref<40x128xf32, #tpu.memory_space<vmem_shared>>
    %dma_start3A_92 = arith.constant 0 : i32
    %dma_start3A_93 = tpu.memref_slice %arg16[%add3A_86, %dma_start3A_92] : memref<10240x128xf32, #tpu.memory_space<vmem_shared>> -> memref<40x128xf32, #tpu.memory_space<vmem_shared>>
    %dma_start3A_94 = arith.constant 0 : i32
    %dma_start3A_95 = arith.constant 0 : i32
    %dma_start3A_96 = tpu.memref_slice %arg13[%dma_start3A_94, %dma_start3A_95] : memref<48x128xf32, #tpu.memory_space<vmem>> -> memref<40x128xf32, #tpu.memory_space<vmem>>
    tpu.enqueue_dma source(%dma_start3A_96 : memref<40x128xf32, #tpu.memory_space<vmem>>) target(%dma_start3A_93 : memref<40x128xf32, #tpu.memory_space<vmem_shared>>) target_semaphore(%arg18 : memref<!tpu.dma_semaphore, #tpu.memory_space<semaphore_mem>>)
    %mul3A_97 = arith.constant 640 : i32
    %mul3A_98 = arith.muli %arg1, %mul3A_97 : i32
    %add3A_99 = arith.constant 240 : i32
    %add3A_100 = arith.addi %mul3A_98, %add3A_99 : i32
    %dma_start3A_101 = arith.constant 0 : i32
    %dma_start3A_102 = arith.constant 0 : i32
    %dma_start3A_103 = tpu.memref_slice %arg14[%dma_start3A_101, %dma_start3A_102] : memref<48x128xf32, #tpu.memory_space<vmem>> -> memref<40x128xf32, #tpu.memory_space<vmem>>
    %dma_start3A_104 = arith.constant 0 : i32
    %dma_start3A_105 = tpu.memref_slice %arg16[%add3A_100, %dma_start3A_104] : memref<10240x128xf32, #tpu.memory_space<vmem_shared>> -> memref<40x128xf32, #tpu.memory_space<vmem_shared>>
    %dma_start3A_106 = arith.constant 0 : i32
    %dma_start3A_107 = tpu.memref_slice %arg16[%add3A_100, %dma_start3A_106] : memref<10240x128xf32, #tpu.memory_space<vmem_shared>> -> memref<40x128xf32, #tpu.memory_space<vmem_shared>>
    %dma_start3A_108 = arith.constant 0 : i32
    %dma_start3A_109 = arith.constant 0 : i32
    %dma_start3A_110 = tpu.memref_slice %arg14[%dma_start3A_108, %dma_start3A_109] : memref<48x128xf32, #tpu.memory_space<vmem>> -> memref<40x128xf32, #tpu.memory_space<vmem>>
    tpu.enqueue_dma source(%dma_start3A_110 : memref<40x128xf32, #tpu.memory_space<vmem>>) target(%dma_start3A_107 : memref<40x128xf32, #tpu.memory_space<vmem_shared>>) target_semaphore(%arg19 : memref<!tpu.dma_semaphore, #tpu.memory_space<semaphore_mem>>)
    %mul3A_111 = arith.constant 640 : i32
    %mul3A_112 = arith.muli %arg1, %mul3A_111 : i32
    %add3A_113 = arith.constant 280 : i32
    %add3A_114 = arith.addi %mul3A_112, %add3A_113 : i32
    %dma_start3A_115 = arith.constant 0 : i32
    %dma_start3A_116 = arith.constant 0 : i32
    %dma_start3A_117 = tpu.memref_slice %arg15[%dma_start3A_115, %dma_start3A_116] : memref<48x128xf32, #tpu.memory_space<vmem>> -> memref<40x128xf32, #tpu.memory_space<vmem>>
    %dma_start3A_118 = arith.constant 0 : i32
    %dma_start3A_119 = tpu.memref_slice %arg16[%add3A_114, %dma_start3A_118] : memref<10240x128xf32, #tpu.memory_space<vmem_shared>> -> memref<40x128xf32, #tpu.memory_space<vmem_shared>>
    %dma_start3A_120 = arith.constant 0 : i32
    %dma_start3A_121 = tpu.memref_slice %arg16[%add3A_114, %dma_start3A_120] : memref<10240x128xf32, #tpu.memory_space<vmem_shared>> -> memref<40x128xf32, #tpu.memory_space<vmem_shared>>
    %dma_start3A_122 = arith.constant 0 : i32
    %dma_start3A_123 = arith.constant 0 : i32
    %dma_start3A_124 = tpu.memref_slice %arg15[%dma_start3A_122, %dma_start3A_123] : memref<48x128xf32, #tpu.memory_space<vmem>> -> memref<40x128xf32, #tpu.memory_space<vmem>>
    tpu.enqueue_dma source(%dma_start3A_124 : memref<40x128xf32, #tpu.memory_space<vmem>>) target(%dma_start3A_121 : memref<40x128xf32, #tpu.memory_space<vmem_shared>>) target_semaphore(%arg20 : memref<!tpu.dma_semaphore, #tpu.memory_space<semaphore_mem>>)
    %mul3A_125 = arith.constant 640 : i32
    %mul3A_126 = arith.muli %arg1, %mul3A_125 : i32
    %add3A_127 = arith.constant 320 : i32
    %add3A_128 = arith.addi %mul3A_126, %add3A_127 : i32
    %dma_start3A_129 = arith.constant 0 : i32
    %dma_start3A_130 = arith.constant 0 : i32
    %dma_start3A_131 = tpu.memref_slice %arg12[%dma_start3A_129, %dma_start3A_130] : memref<48x128xf32, #tpu.memory_space<vmem>> -> memref<40x128xf32, #tpu.memory_space<vmem>>
    %dma_start3A_132 = arith.constant 0 : i32
    %dma_start3A_133 = tpu.memref_slice %arg16[%add3A_128, %dma_start3A_132] : memref<10240x128xf32, #tpu.memory_space<vmem_shared>> -> memref<40x128xf32, #tpu.memory_space<vmem_shared>>
    %dma_start3A_134 = arith.constant 0 : i32
    %dma_start3A_135 = tpu.memref_slice %arg16[%add3A_128, %dma_start3A_134] : memref<10240x128xf32, #tpu.memory_space<vmem_shared>> -> memref<40x128xf32, #tpu.memory_space<vmem_shared>>
    %dma_start3A_136 = arith.constant 0 : i32
    %dma_start3A_137 = arith.constant 0 : i32
    %dma_start3A_138 = tpu.memref_slice %arg12[%dma_start3A_136, %dma_start3A_137] : memref<48x128xf32, #tpu.memory_space<vmem>> -> memref<40x128xf32, #tpu.memory_space<vmem>>
    tpu.enqueue_dma source(%dma_start3A_138 : memref<40x128xf32, #tpu.memory_space<vmem>>) target(%dma_start3A_135 : memref<40x128xf32, #tpu.memory_space<vmem_shared>>) target_semaphore(%arg17 : memref<!tpu.dma_semaphore, #tpu.memory_space<semaphore_mem>>)
    %mul3A_139 = arith.constant 640 : i32
    %mul3A_140 = arith.muli %arg1, %mul3A_139 : i32
    %add3A_141 = arith.constant 360 : i32
    %add3A_142 = arith.addi %mul3A_140, %add3A_141 : i32
    %dma_start3A_143 = arith.constant 0 : i32
    %dma_start3A_144 = arith.constant 0 : i32
    %dma_start3A_145 = tpu.memref_slice %arg13[%dma_start3A_143, %dma_start3A_144] : memref<48x128xf32, #tpu.memory_space<vmem>> -> memref<40x128xf32, #tpu.memory_space<vmem>>
    %dma_start3A_146 = arith.constant 0 : i32
    %dma_start3A_147 = tpu.memref_slice %arg16[%add3A_142, %dma_start3A_146] : memref<10240x128xf32, #tpu.memory_space<vmem_shared>> -> memref<40x128xf32, #tpu.memory_space<vmem_shared>>
    %dma_start3A_148 = arith.constant 0 : i32
    %dma_start3A_149 = tpu.memref_slice %arg16[%add3A_142, %dma_start3A_148] : memref<10240x128xf32, #tpu.memory_space<vmem_shared>> -> memref<40x128xf32, #tpu.memory_space<vmem_shared>>
    %dma_start3A_150 = arith.constant 0 : i32
    %dma_start3A_151 = arith.constant 0 : i32
    %dma_start3A_152 = tpu.memref_slice %arg13[%dma_start3A_150, %dma_start3A_151] : memref<48x128xf32, #tpu.memory_space<vmem>> -> memref<40x128xf32, #tpu.memory_space<vmem>>
    tpu.enqueue_dma source(%dma_start3A_152 : memref<40x128xf32, #tpu.memory_space<vmem>>) target(%dma_start3A_149 : memref<40x128xf32, #tpu.memory_space<vmem_shared>>) target_semaphore(%arg18 : memref<!tpu.dma_semaphore, #tpu.memory_space<semaphore_mem>>)
    %mul3A_153 = arith.constant 640 : i32
    %mul3A_154 = arith.muli %arg1, %mul3A_153 : i32
    %add3A_155 = arith.constant 400 : i32
    %add3A_156 = arith.addi %mul3A_154, %add3A_155 : i32
    %dma_start3A_157 = arith.constant 0 : i32
    %dma_start3A_158 = arith.constant 0 : i32
    %dma_start3A_159 = tpu.memref_slice %arg14[%dma_start3A_157, %dma_start3A_158] : memref<48x128xf32, #tpu.memory_space<vmem>> -> memref<40x128xf32, #tpu.memory_space<vmem>>
    %dma_start3A_160 = arith.constant 0 : i32
    %dma_start3A_161 = tpu.memref_slice %arg16[%add3A_156, %dma_start3A_160] : memref<10240x128xf32, #tpu.memory_space<vmem_shared>> -> memref<40x128xf32, #tpu.memory_space<vmem_shared>>
    %dma_start3A_162 = arith.constant 0 : i32
    %dma_start3A_163 = tpu.memref_slice %arg16[%add3A_156, %dma_start3A_162] : memref<10240x128xf32, #tpu.memory_space<vmem_shared>> -> memref<40x128xf32, #tpu.memory_space<vmem_shared>>
    %dma_start3A_164 = arith.constant 0 : i32
    %dma_start3A_165 = arith.constant 0 : i32
    %dma_start3A_166 = tpu.memref_slice %arg14[%dma_start3A_164, %dma_start3A_165] : memref<48x128xf32, #tpu.memory_space<vmem>> -> memref<40x128xf32, #tpu.memory_space<vmem>>
    tpu.enqueue_dma source(%dma_start3A_166 : memref<40x128xf32, #tpu.memory_space<vmem>>) target(%dma_start3A_163 : memref<40x128xf32, #tpu.memory_space<vmem_shared>>) target_semaphore(%arg19 : memref<!tpu.dma_semaphore, #tpu.memory_space<semaphore_mem>>)
    %mul3A_167 = arith.constant 640 : i32
    %mul3A_168 = arith.muli %arg1, %mul3A_167 : i32
    %add3A_169 = arith.constant 440 : i32
    %add3A_170 = arith.addi %mul3A_168, %add3A_169 : i32
    %dma_start3A_171 = arith.constant 0 : i32
    %dma_start3A_172 = arith.constant 0 : i32
    %dma_start3A_173 = tpu.memref_slice %arg15[%dma_start3A_171, %dma_start3A_172] : memref<48x128xf32, #tpu.memory_space<vmem>> -> memref<40x128xf32, #tpu.memory_space<vmem>>
    %dma_start3A_174 = arith.constant 0 : i32
    %dma_start3A_175 = tpu.memref_slice %arg16[%add3A_170, %dma_start3A_174] : memref<10240x128xf32, #tpu.memory_space<vmem_shared>> -> memref<40x128xf32, #tpu.memory_space<vmem_shared>>
    %dma_start3A_176 = arith.constant 0 : i32
    %dma_start3A_177 = tpu.memref_slice %arg16[%add3A_170, %dma_start3A_176] : memref<10240x128xf32, #tpu.memory_space<vmem_shared>> -> memref<40x128xf32, #tpu.memory_space<vmem_shared>>
    %dma_start3A_178 = arith.constant 0 : i32
    %dma_start3A_179 = arith.constant 0 : i32
    %dma_start3A_180 = tpu.memref_slice %arg15[%dma_start3A_178, %dma_start3A_179] : memref<48x128xf32, #tpu.memory_space<vmem>> -> memref<40x128xf32, #tpu.memory_space<vmem>>
    tpu.enqueue_dma source(%dma_start3A_180 : memref<40x128xf32, #tpu.memory_space<vmem>>) target(%dma_start3A_177 : memref<40x128xf32, #tpu.memory_space<vmem_shared>>) target_semaphore(%arg20 : memref<!tpu.dma_semaphore, #tpu.memory_space<semaphore_mem>>)
    %mul3A_181 = arith.constant 640 : i32
    %mul3A_182 = arith.muli %arg1, %mul3A_181 : i32
    %add3A_183 = arith.constant 480 : i32
    %add3A_184 = arith.addi %mul3A_182, %add3A_183 : i32
    %dma_start3A_185 = arith.constant 0 : i32
    %dma_start3A_186 = arith.constant 0 : i32
    %dma_start3A_187 = tpu.memref_slice %arg12[%dma_start3A_185, %dma_start3A_186] : memref<48x128xf32, #tpu.memory_space<vmem>> -> memref<40x128xf32, #tpu.memory_space<vmem>>
    %dma_start3A_188 = arith.constant 0 : i32
    %dma_start3A_189 = tpu.memref_slice %arg16[%add3A_184, %dma_start3A_188] : memref<10240x128xf32, #tpu.memory_space<vmem_shared>> -> memref<40x128xf32, #tpu.memory_space<vmem_shared>>
    %dma_start3A_190 = arith.constant 0 : i32
    %dma_start3A_191 = tpu.memref_slice %arg16[%add3A_184, %dma_start3A_190] : memref<10240x128xf32, #tpu.memory_space<vmem_shared>> -> memref<40x128xf32, #tpu.memory_space<vmem_shared>>
    %dma_start3A_192 = arith.constant 0 : i32
    %dma_start3A_193 = arith.constant 0 : i32
    %dma_start3A_194 = tpu.memref_slice %arg12[%dma_start3A_192, %dma_start3A_193] : memref<48x128xf32, #tpu.memory_space<vmem>> -> memref<40x128xf32, #tpu.memory_space<vmem>>
    tpu.enqueue_dma source(%dma_start3A_194 : memref<40x128xf32, #tpu.memory_space<vmem>>) target(%dma_start3A_191 : memref<40x128xf32, #tpu.memory_space<vmem_shared>>) target_semaphore(%arg17 : memref<!tpu.dma_semaphore, #tpu.memory_space<semaphore_mem>>)
    %mul3A_195 = arith.constant 640 : i32
    %mul3A_196 = arith.muli %arg1, %mul3A_195 : i32
    %add3A_197 = arith.constant 520 : i32
    %add3A_198 = arith.addi %mul3A_196, %add3A_197 : i32
    %dma_start3A_199 = arith.constant 0 : i32
    %dma_start3A_200 = arith.constant 0 : i32
    %dma_start3A_201 = tpu.memref_slice %arg13[%dma_start3A_199, %dma_start3A_200] : memref<48x128xf32, #tpu.memory_space<vmem>> -> memref<40x128xf32, #tpu.memory_space<vmem>>
    %dma_start3A_202 = arith.constant 0 : i32
    %dma_start3A_203 = tpu.memref_slice %arg16[%add3A_198, %dma_start3A_202] : memref<10240x128xf32, #tpu.memory_space<vmem_shared>> -> memref<40x128xf32, #tpu.memory_space<vmem_shared>>
    %dma_start3A_204 = arith.constant 0 : i32
    %dma_start3A_205 = tpu.memref_slice %arg16[%add3A_198, %dma_start3A_204] : memref<10240x128xf32, #tpu.memory_space<vmem_shared>> -> memref<40x128xf32, #tpu.memory_space<vmem_shared>>
    %dma_start3A_206 = arith.constant 0 : i32
    %dma_start3A_207 = arith.constant 0 : i32
    %dma_start3A_208 = tpu.memref_slice %arg13[%dma_start3A_206, %dma_start3A_207] : memref<48x128xf32, #tpu.memory_space<vmem>> -> memref<40x128xf32, #tpu.memory_space<vmem>>
    tpu.enqueue_dma source(%dma_start3A_208 : memref<40x128xf32, #tpu.memory_space<vmem>>) target(%dma_start3A_205 : memref<40x128xf32, #tpu.memory_space<vmem_shared>>) target_semaphore(%arg18 : memref<!tpu.dma_semaphore, #tpu.memory_space<semaphore_mem>>)
    %mul3A_209 = arith.constant 640 : i32
    %mul3A_210 = arith.muli %arg1, %mul3A_209 : i32
    %add3A_211 = arith.constant 560 : i32
    %add3A_212 = arith.addi %mul3A_210, %add3A_211 : i32
    %dma_start3A_213 = arith.constant 0 : i32
    %dma_start3A_214 = arith.constant 0 : i32
    %dma_start3A_215 = tpu.memref_slice %arg14[%dma_start3A_213, %dma_start3A_214] : memref<48x128xf32, #tpu.memory_space<vmem>> -> memref<40x128xf32, #tpu.memory_space<vmem>>
    %dma_start3A_216 = arith.constant 0 : i32
    %dma_start3A_217 = tpu.memref_slice %arg16[%add3A_212, %dma_start3A_216] : memref<10240x128xf32, #tpu.memory_space<vmem_shared>> -> memref<40x128xf32, #tpu.memory_space<vmem_shared>>
    %dma_start3A_218 = arith.constant 0 : i32
    %dma_start3A_219 = tpu.memref_slice %arg16[%add3A_212, %dma_start3A_218] : memref<10240x128xf32, #tpu.memory_space<vmem_shared>> -> memref<40x128xf32, #tpu.memory_space<vmem_shared>>
    %dma_start3A_220 = arith.constant 0 : i32
    %dma_start3A_221 = arith.constant 0 : i32
    %dma_start3A_222 = tpu.memref_slice %arg14[%dma_start3A_220, %dma_start3A_221] : memref<48x128xf32, #tpu.memory_space<vmem>> -> memref<40x128xf32, #tpu.memory_space<vmem>>
    tpu.enqueue_dma source(%dma_start3A_222 : memref<40x128xf32, #tpu.memory_space<vmem>>) target(%dma_start3A_219 : memref<40x128xf32, #tpu.memory_space<vmem_shared>>) target_semaphore(%arg19 : memref<!tpu.dma_semaphore, #tpu.memory_space<semaphore_mem>>)
    %mul3A_223 = arith.constant 640 : i32
    %mul3A_224 = arith.muli %arg1, %mul3A_223 : i32
    %add3A_225 = arith.constant 600 : i32
    %add3A_226 = arith.addi %mul3A_224, %add3A_225 : i32
    %dma_start3A_227 = arith.constant 0 : i32
    %dma_start3A_228 = arith.constant 0 : i32
    %dma_start3A_229 = tpu.memref_slice %arg15[%dma_start3A_227, %dma_start3A_228] : memref<48x128xf32, #tpu.memory_space<vmem>> -> memref<40x128xf32, #tpu.memory_space<vmem>>
    %dma_start3A_230 = arith.constant 0 : i32
    %dma_start3A_231 = tpu.memref_slice %arg16[%add3A_226, %dma_start3A_230] : memref<10240x128xf32, #tpu.memory_space<vmem_shared>> -> memref<40x128xf32, #tpu.memory_space<vmem_shared>>
    %dma_start3A_232 = arith.constant 0 : i32
    %dma_start3A_233 = tpu.memref_slice %arg16[%add3A_226, %dma_start3A_232] : memref<10240x128xf32, #tpu.memory_space<vmem_shared>> -> memref<40x128xf32, #tpu.memory_space<vmem_shared>>
    %dma_start3A_234 = arith.constant 0 : i32
    %dma_start3A_235 = arith.constant 0 : i32
    %dma_start3A_236 = tpu.memref_slice %arg15[%dma_start3A_234, %dma_start3A_235] : memref<48x128xf32, #tpu.memory_space<vmem>> -> memref<40x128xf32, #tpu.memory_space<vmem>>
    tpu.enqueue_dma source(%dma_start3A_236 : memref<40x128xf32, #tpu.memory_space<vmem>>) target(%dma_start3A_233 : memref<40x128xf32, #tpu.memory_space<vmem_shared>>) target_semaphore(%arg20 : memref<!tpu.dma_semaphore, #tpu.memory_space<semaphore_mem>>)
    %mul3A_237 = arith.constant 640 : i32
    %mul3A_238 = arith.muli %arg1, %mul3A_237 : i32
    %add3A_239 = arith.constant 0 : i32
    %add3A_240 = arith.addi %mul3A_238, %add3A_239 : i32
    %dma_wait3A = arith.constant 0 : i32
    %dma_wait3A_241 = arith.constant 0 : i32
    %dma_wait3A_242 = tpu.memref_slice %arg12[%dma_wait3A, %dma_wait3A_241] : memref<48x128xf32, #tpu.memory_space<vmem>> -> memref<40x128xf32, #tpu.memory_space<vmem>>
    %dma_wait3A_243 = arith.constant 0 : i32
    %dma_wait3A_244 = tpu.memref_slice %arg16[%add3A_240, %dma_wait3A_243] : memref<10240x128xf32, #tpu.memory_space<vmem_shared>> -> memref<40x128xf32, #tpu.memory_space<vmem_shared>>
    %dma_wait3A_245 = arith.constant 0 : i32
    %dma_wait3A_246 = tpu.memref_slice %arg16[%add3A_240, %dma_wait3A_245] : memref<10240x128xf32, #tpu.memory_space<vmem_shared>> -> memref<40x128xf32, #tpu.memory_space<vmem_shared>>
    %dma_wait3A_247 = arith.constant 0 : i32
    %dma_wait3A_248 = arith.constant 0 : i32
    %dma_wait3A_249 = tpu.memref_slice %arg12[%dma_wait3A_247, %dma_wait3A_248] : memref<48x128xf32, #tpu.memory_space<vmem>> -> memref<40x128xf32, #tpu.memory_space<vmem>>
    tpu.wait_dma2 semaphore(%arg17 : memref<!tpu.dma_semaphore, #tpu.memory_space<semaphore_mem>>) src(%dma_wait3A_249 : memref<40x128xf32, #tpu.memory_space<vmem>>) dst(%dma_wait3A_246 : memref<40x128xf32, #tpu.memory_space<vmem_shared>>)
    %mul3A_250 = arith.constant 640 : i32
    %mul3A_251 = arith.muli %arg1, %mul3A_250 : i32
    %add3A_252 = arith.constant 40 : i32
    %add3A_253 = arith.addi %mul3A_251, %add3A_252 : i32
    %dma_wait3A_254 = arith.constant 0 : i32
    %dma_wait3A_255 = arith.constant 0 : i32
    %dma_wait3A_256 = tpu.memref_slice %arg13[%dma_wait3A_254, %dma_wait3A_255] : memref<48x128xf32, #tpu.memory_space<vmem>> -> memref<40x128xf32, #tpu.memory_space<vmem>>
    %dma_wait3A_257 = arith.constant 0 : i32
    %dma_wait3A_258 = tpu.memref_slice %arg16[%add3A_253, %dma_wait3A_257] : memref<10240x128xf32, #tpu.memory_space<vmem_shared>> -> memref<40x128xf32, #tpu.memory_space<vmem_shared>>
    %dma_wait3A_259 = arith.constant 0 : i32
    %dma_wait3A_260 = tpu.memref_slice %arg16[%add3A_253, %dma_wait3A_259] : memref<10240x128xf32, #tpu.memory_space<vmem_shared>> -> memref<40x128xf32, #tpu.memory_space<vmem_shared>>
    %dma_wait3A_261 = arith.constant 0 : i32
    %dma_wait3A_262 = arith.constant 0 : i32
    %dma_wait3A_263 = tpu.memref_slice %arg13[%dma_wait3A_261, %dma_wait3A_262] : memref<48x128xf32, #tpu.memory_space<vmem>> -> memref<40x128xf32, #tpu.memory_space<vmem>>
    tpu.wait_dma2 semaphore(%arg18 : memref<!tpu.dma_semaphore, #tpu.memory_space<semaphore_mem>>) src(%dma_wait3A_263 : memref<40x128xf32, #tpu.memory_space<vmem>>) dst(%dma_wait3A_260 : memref<40x128xf32, #tpu.memory_space<vmem_shared>>)
    %mul3A_264 = arith.constant 640 : i32
    %mul3A_265 = arith.muli %arg1, %mul3A_264 : i32
    %add3A_266 = arith.constant 80 : i32
    %add3A_267 = arith.addi %mul3A_265, %add3A_266 : i32
    %dma_wait3A_268 = arith.constant 0 : i32
    %dma_wait3A_269 = arith.constant 0 : i32
    %dma_wait3A_270 = tpu.memref_slice %arg14[%dma_wait3A_268, %dma_wait3A_269] : memref<48x128xf32, #tpu.memory_space<vmem>> -> memref<40x128xf32, #tpu.memory_space<vmem>>
    %dma_wait3A_271 = arith.constant 0 : i32
    %dma_wait3A_272 = tpu.memref_slice %arg16[%add3A_267, %dma_wait3A_271] : memref<10240x128xf32, #tpu.memory_space<vmem_shared>> -> memref<40x128xf32, #tpu.memory_space<vmem_shared>>
    %dma_wait3A_273 = arith.constant 0 : i32
    %dma_wait3A_274 = tpu.memref_slice %arg16[%add3A_267, %dma_wait3A_273] : memref<10240x128xf32, #tpu.memory_space<vmem_shared>> -> memref<40x128xf32, #tpu.memory_space<vmem_shared>>
    %dma_wait3A_275 = arith.constant 0 : i32
    %dma_wait3A_276 = arith.constant 0 : i32
    %dma_wait3A_277 = tpu.memref_slice %arg14[%dma_wait3A_275, %dma_wait3A_276] : memref<48x128xf32, #tpu.memory_space<vmem>> -> memref<40x128xf32, #tpu.memory_space<vmem>>
    tpu.wait_dma2 semaphore(%arg19 : memref<!tpu.dma_semaphore, #tpu.memory_space<semaphore_mem>>) src(%dma_wait3A_277 : memref<40x128xf32, #tpu.memory_space<vmem>>) dst(%dma_wait3A_274 : memref<40x128xf32, #tpu.memory_space<vmem_shared>>)
    %mul3A_278 = arith.constant 640 : i32
    %mul3A_279 = arith.muli %arg1, %mul3A_278 : i32
    %add3A_280 = arith.constant 120 : i32
    %add3A_281 = arith.addi %mul3A_279, %add3A_280 : i32
    %dma_wait3A_282 = arith.constant 0 : i32
    %dma_wait3A_283 = arith.constant 0 : i32
    %dma_wait3A_284 = tpu.memref_slice %arg15[%dma_wait3A_282, %dma_wait3A_283] : memref<48x128xf32, #tpu.memory_space<vmem>> -> memref<40x128xf32, #tpu.memory_space<vmem>>
    %dma_wait3A_285 = arith.constant 0 : i32
    %dma_wait3A_286 = tpu.memref_slice %arg16[%add3A_281, %dma_wait3A_285] : memref<10240x128xf32, #tpu.memory_space<vmem_shared>> -> memref<40x128xf32, #tpu.memory_space<vmem_shared>>
    %dma_wait3A_287 = arith.constant 0 : i32
    %dma_wait3A_288 = tpu.memref_slice %arg16[%add3A_281, %dma_wait3A_287] : memref<10240x128xf32, #tpu.memory_space<vmem_shared>> -> memref<40x128xf32, #tpu.memory_space<vmem_shared>>
    %dma_wait3A_289 = arith.constant 0 : i32
    %dma_wait3A_290 = arith.constant 0 : i32
    %dma_wait3A_291 = tpu.memref_slice %arg15[%dma_wait3A_289, %dma_wait3A_290] : memref<48x128xf32, #tpu.memory_space<vmem>> -> memref<40x128xf32, #tpu.memory_space<vmem>>
    tpu.wait_dma2 semaphore(%arg20 : memref<!tpu.dma_semaphore, #tpu.memory_space<semaphore_mem>>) src(%dma_wait3A_291 : memref<40x128xf32, #tpu.memory_space<vmem>>) dst(%dma_wait3A_288 : memref<40x128xf32, #tpu.memory_space<vmem_shared>>)
    %mul3A_292 = arith.constant 640 : i32
    %mul3A_293 = arith.muli %arg1, %mul3A_292 : i32
    %add3A_294 = arith.constant 160 : i32
    %add3A_295 = arith.addi %mul3A_293, %add3A_294 : i32
    %dma_wait3A_296 = arith.constant 0 : i32
    %dma_wait3A_297 = arith.constant 0 : i32
    %dma_wait3A_298 = tpu.memref_slice %arg12[%dma_wait3A_296, %dma_wait3A_297] : memref<48x128xf32, #tpu.memory_space<vmem>> -> memref<40x128xf32, #tpu.memory_space<vmem>>
    %dma_wait3A_299 = arith.constant 0 : i32
    %dma_wait3A_300 = tpu.memref_slice %arg16[%add3A_295, %dma_wait3A_299] : memref<10240x128xf32, #tpu.memory_space<vmem_shared>> -> memref<40x128xf32, #tpu.memory_space<vmem_shared>>
    %dma_wait3A_301 = arith.constant 0 : i32
    %dma_wait3A_302 = tpu.memref_slice %arg16[%add3A_295, %dma_wait3A_301] : memref<10240x128xf32, #tpu.memory_space<vmem_shared>> -> memref<40x128xf32, #tpu.memory_space<vmem_shared>>
    %dma_wait3A_303 = arith.constant 0 : i32
    %dma_wait3A_304 = arith.constant 0 : i32
    %dma_wait3A_305 = tpu.memref_slice %arg12[%dma_wait3A_303, %dma_wait3A_304] : memref<48x128xf32, #tpu.memory_space<vmem>> -> memref<40x128xf32, #tpu.memory_space<vmem>>
    tpu.wait_dma2 semaphore(%arg17 : memref<!tpu.dma_semaphore, #tpu.memory_space<semaphore_mem>>) src(%dma_wait3A_305 : memref<40x128xf32, #tpu.memory_space<vmem>>) dst(%dma_wait3A_302 : memref<40x128xf32, #tpu.memory_space<vmem_shared>>)
    %mul3A_306 = arith.constant 640 : i32
    %mul3A_307 = arith.muli %arg1, %mul3A_306 : i32
    %add3A_308 = arith.constant 200 : i32
    %add3A_309 = arith.addi %mul3A_307, %add3A_308 : i32
    %dma_wait3A_310 = arith.constant 0 : i32
    %dma_wait3A_311 = arith.constant 0 : i32
    %dma_wait3A_312 = tpu.memref_slice %arg13[%dma_wait3A_310, %dma_wait3A_311] : memref<48x128xf32, #tpu.memory_space<vmem>> -> memref<40x128xf32, #tpu.memory_space<vmem>>
    %dma_wait3A_313 = arith.constant 0 : i32
    %dma_wait3A_314 = tpu.memref_slice %arg16[%add3A_309, %dma_wait3A_313] : memref<10240x128xf32, #tpu.memory_space<vmem_shared>> -> memref<40x128xf32, #tpu.memory_space<vmem_shared>>
    %dma_wait3A_315 = arith.constant 0 : i32
    %dma_wait3A_316 = tpu.memref_slice %arg16[%add3A_309, %dma_wait3A_315] : memref<10240x128xf32, #tpu.memory_space<vmem_shared>> -> memref<40x128xf32, #tpu.memory_space<vmem_shared>>
    %dma_wait3A_317 = arith.constant 0 : i32
    %dma_wait3A_318 = arith.constant 0 : i32
    %dma_wait3A_319 = tpu.memref_slice %arg13[%dma_wait3A_317, %dma_wait3A_318] : memref<48x128xf32, #tpu.memory_space<vmem>> -> memref<40x128xf32, #tpu.memory_space<vmem>>
    tpu.wait_dma2 semaphore(%arg18 : memref<!tpu.dma_semaphore, #tpu.memory_space<semaphore_mem>>) src(%dma_wait3A_319 : memref<40x128xf32, #tpu.memory_space<vmem>>) dst(%dma_wait3A_316 : memref<40x128xf32, #tpu.memory_space<vmem_shared>>)
    %mul3A_320 = arith.constant 640 : i32
    %mul3A_321 = arith.muli %arg1, %mul3A_320 : i32
    %add3A_322 = arith.constant 240 : i32
    %add3A_323 = arith.addi %mul3A_321, %add3A_322 : i32
    %dma_wait3A_324 = arith.constant 0 : i32
    %dma_wait3A_325 = arith.constant 0 : i32
    %dma_wait3A_326 = tpu.memref_slice %arg14[%dma_wait3A_324, %dma_wait3A_325] : memref<48x128xf32, #tpu.memory_space<vmem>> -> memref<40x128xf32, #tpu.memory_space<vmem>>
    %dma_wait3A_327 = arith.constant 0 : i32
    %dma_wait3A_328 = tpu.memref_slice %arg16[%add3A_323, %dma_wait3A_327] : memref<10240x128xf32, #tpu.memory_space<vmem_shared>> -> memref<40x128xf32, #tpu.memory_space<vmem_shared>>
    %dma_wait3A_329 = arith.constant 0 : i32
    %dma_wait3A_330 = tpu.memref_slice %arg16[%add3A_323, %dma_wait3A_329] : memref<10240x128xf32, #tpu.memory_space<vmem_shared>> -> memref<40x128xf32, #tpu.memory_space<vmem_shared>>
    %dma_wait3A_331 = arith.constant 0 : i32
    %dma_wait3A_332 = arith.constant 0 : i32
    %dma_wait3A_333 = tpu.memref_slice %arg14[%dma_wait3A_331, %dma_wait3A_332] : memref<48x128xf32, #tpu.memory_space<vmem>> -> memref<40x128xf32, #tpu.memory_space<vmem>>
    tpu.wait_dma2 semaphore(%arg19 : memref<!tpu.dma_semaphore, #tpu.memory_space<semaphore_mem>>) src(%dma_wait3A_333 : memref<40x128xf32, #tpu.memory_space<vmem>>) dst(%dma_wait3A_330 : memref<40x128xf32, #tpu.memory_space<vmem_shared>>)
    %mul3A_334 = arith.constant 640 : i32
    %mul3A_335 = arith.muli %arg1, %mul3A_334 : i32
    %add3A_336 = arith.constant 280 : i32
    %add3A_337 = arith.addi %mul3A_335, %add3A_336 : i32
    %dma_wait3A_338 = arith.constant 0 : i32
    %dma_wait3A_339 = arith.constant 0 : i32
    %dma_wait3A_340 = tpu.memref_slice %arg15[%dma_wait3A_338, %dma_wait3A_339] : memref<48x128xf32, #tpu.memory_space<vmem>> -> memref<40x128xf32, #tpu.memory_space<vmem>>
    %dma_wait3A_341 = arith.constant 0 : i32
    %dma_wait3A_342 = tpu.memref_slice %arg16[%add3A_337, %dma_wait3A_341] : memref<10240x128xf32, #tpu.memory_space<vmem_shared>> -> memref<40x128xf32, #tpu.memory_space<vmem_shared>>
    %dma_wait3A_343 = arith.constant 0 : i32
    %dma_wait3A_344 = tpu.memref_slice %arg16[%add3A_337, %dma_wait3A_343] : memref<10240x128xf32, #tpu.memory_space<vmem_shared>> -> memref<40x128xf32, #tpu.memory_space<vmem_shared>>
    %dma_wait3A_345 = arith.constant 0 : i32
    %dma_wait3A_346 = arith.constant 0 : i32
    %dma_wait3A_347 = tpu.memref_slice %arg15[%dma_wait3A_345, %dma_wait3A_346] : memref<48x128xf32, #tpu.memory_space<vmem>> -> memref<40x128xf32, #tpu.memory_space<vmem>>
    tpu.wait_dma2 semaphore(%arg20 : memref<!tpu.dma_semaphore, #tpu.memory_space<semaphore_mem>>) src(%dma_wait3A_347 : memref<40x128xf32, #tpu.memory_space<vmem>>) dst(%dma_wait3A_344 : memref<40x128xf32, #tpu.memory_space<vmem_shared>>)
    %mul3A_348 = arith.constant 640 : i32
    %mul3A_349 = arith.muli %arg1, %mul3A_348 : i32
    %add3A_350 = arith.constant 320 : i32
    %add3A_351 = arith.addi %mul3A_349, %add3A_350 : i32
    %dma_wait3A_352 = arith.constant 0 : i32
    %dma_wait3A_353 = arith.constant 0 : i32
    %dma_wait3A_354 = tpu.memref_slice %arg12[%dma_wait3A_352, %dma_wait3A_353] : memref<48x128xf32, #tpu.memory_space<vmem>> -> memref<40x128xf32, #tpu.memory_space<vmem>>
    %dma_wait3A_355 = arith.constant 0 : i32
    %dma_wait3A_356 = tpu.memref_slice %arg16[%add3A_351, %dma_wait3A_355] : memref<10240x128xf32, #tpu.memory_space<vmem_shared>> -> memref<40x128xf32, #tpu.memory_space<vmem_shared>>
    %dma_wait3A_357 = arith.constant 0 : i32
    %dma_wait3A_358 = tpu.memref_slice %arg16[%add3A_351, %dma_wait3A_357] : memref<10240x128xf32, #tpu.memory_space<vmem_shared>> -> memref<40x128xf32, #tpu.memory_space<vmem_shared>>
    %dma_wait3A_359 = arith.constant 0 : i32
    %dma_wait3A_360 = arith.constant 0 : i32
    %dma_wait3A_361 = tpu.memref_slice %arg12[%dma_wait3A_359, %dma_wait3A_360] : memref<48x128xf32, #tpu.memory_space<vmem>> -> memref<40x128xf32, #tpu.memory_space<vmem>>
    tpu.wait_dma2 semaphore(%arg17 : memref<!tpu.dma_semaphore, #tpu.memory_space<semaphore_mem>>) src(%dma_wait3A_361 : memref<40x128xf32, #tpu.memory_space<vmem>>) dst(%dma_wait3A_358 : memref<40x128xf32, #tpu.memory_space<vmem_shared>>)
    %mul3A_362 = arith.constant 640 : i32
    %mul3A_363 = arith.muli %arg1, %mul3A_362 : i32
    %add3A_364 = arith.constant 360 : i32
    %add3A_365 = arith.addi %mul3A_363, %add3A_364 : i32
    %dma_wait3A_366 = arith.constant 0 : i32
    %dma_wait3A_367 = arith.constant 0 : i32
    %dma_wait3A_368 = tpu.memref_slice %arg13[%dma_wait3A_366, %dma_wait3A_367] : memref<48x128xf32, #tpu.memory_space<vmem>> -> memref<40x128xf32, #tpu.memory_space<vmem>>
    %dma_wait3A_369 = arith.constant 0 : i32
    %dma_wait3A_370 = tpu.memref_slice %arg16[%add3A_365, %dma_wait3A_369] : memref<10240x128xf32, #tpu.memory_space<vmem_shared>> -> memref<40x128xf32, #tpu.memory_space<vmem_shared>>
    %dma_wait3A_371 = arith.constant 0 : i32
    %dma_wait3A_372 = tpu.memref_slice %arg16[%add3A_365, %dma_wait3A_371] : memref<10240x128xf32, #tpu.memory_space<vmem_shared>> -> memref<40x128xf32, #tpu.memory_space<vmem_shared>>
    %dma_wait3A_373 = arith.constant 0 : i32
    %dma_wait3A_374 = arith.constant 0 : i32
    %dma_wait3A_375 = tpu.memref_slice %arg13[%dma_wait3A_373, %dma_wait3A_374] : memref<48x128xf32, #tpu.memory_space<vmem>> -> memref<40x128xf32, #tpu.memory_space<vmem>>
    tpu.wait_dma2 semaphore(%arg18 : memref<!tpu.dma_semaphore, #tpu.memory_space<semaphore_mem>>) src(%dma_wait3A_375 : memref<40x128xf32, #tpu.memory_space<vmem>>) dst(%dma_wait3A_372 : memref<40x128xf32, #tpu.memory_space<vmem_shared>>)
    %mul3A_376 = arith.constant 640 : i32
    %mul3A_377 = arith.muli %arg1, %mul3A_376 : i32
    %add3A_378 = arith.constant 400 : i32
    %add3A_379 = arith.addi %mul3A_377, %add3A_378 : i32
    %dma_wait3A_380 = arith.constant 0 : i32
    %dma_wait3A_381 = arith.constant 0 : i32
    %dma_wait3A_382 = tpu.memref_slice %arg14[%dma_wait3A_380, %dma_wait3A_381] : memref<48x128xf32, #tpu.memory_space<vmem>> -> memref<40x128xf32, #tpu.memory_space<vmem>>
    %dma_wait3A_383 = arith.constant 0 : i32
    %dma_wait3A_384 = tpu.memref_slice %arg16[%add3A_379, %dma_wait3A_383] : memref<10240x128xf32, #tpu.memory_space<vmem_shared>> -> memref<40x128xf32, #tpu.memory_space<vmem_shared>>
    %dma_wait3A_385 = arith.constant 0 : i32
    %dma_wait3A_386 = tpu.memref_slice %arg16[%add3A_379, %dma_wait3A_385] : memref<10240x128xf32, #tpu.memory_space<vmem_shared>> -> memref<40x128xf32, #tpu.memory_space<vmem_shared>>
    %dma_wait3A_387 = arith.constant 0 : i32
    %dma_wait3A_388 = arith.constant 0 : i32
    %dma_wait3A_389 = tpu.memref_slice %arg14[%dma_wait3A_387, %dma_wait3A_388] : memref<48x128xf32, #tpu.memory_space<vmem>> -> memref<40x128xf32, #tpu.memory_space<vmem>>
    tpu.wait_dma2 semaphore(%arg19 : memref<!tpu.dma_semaphore, #tpu.memory_space<semaphore_mem>>) src(%dma_wait3A_389 : memref<40x128xf32, #tpu.memory_space<vmem>>) dst(%dma_wait3A_386 : memref<40x128xf32, #tpu.memory_space<vmem_shared>>)
    %mul3A_390 = arith.constant 640 : i32
    %mul3A_391 = arith.muli %arg1, %mul3A_390 : i32
    %add3A_392 = arith.constant 440 : i32
    %add3A_393 = arith.addi %mul3A_391, %add3A_392 : i32
    %dma_wait3A_394 = arith.constant 0 : i32
    %dma_wait3A_395 = arith.constant 0 : i32
    %dma_wait3A_396 = tpu.memref_slice %arg15[%dma_wait3A_394, %dma_wait3A_395] : memref<48x128xf32, #tpu.memory_space<vmem>> -> memref<40x128xf32, #tpu.memory_space<vmem>>
    %dma_wait3A_397 = arith.constant 0 : i32
    %dma_wait3A_398 = tpu.memref_slice %arg16[%add3A_393, %dma_wait3A_397] : memref<10240x128xf32, #tpu.memory_space<vmem_shared>> -> memref<40x128xf32, #tpu.memory_space<vmem_shared>>
    %dma_wait3A_399 = arith.constant 0 : i32
    %dma_wait3A_400 = tpu.memref_slice %arg16[%add3A_393, %dma_wait3A_399] : memref<10240x128xf32, #tpu.memory_space<vmem_shared>> -> memref<40x128xf32, #tpu.memory_space<vmem_shared>>
    %dma_wait3A_401 = arith.constant 0 : i32
    %dma_wait3A_402 = arith.constant 0 : i32
    %dma_wait3A_403 = tpu.memref_slice %arg15[%dma_wait3A_401, %dma_wait3A_402] : memref<48x128xf32, #tpu.memory_space<vmem>> -> memref<40x128xf32, #tpu.memory_space<vmem>>
    tpu.wait_dma2 semaphore(%arg20 : memref<!tpu.dma_semaphore, #tpu.memory_space<semaphore_mem>>) src(%dma_wait3A_403 : memref<40x128xf32, #tpu.memory_space<vmem>>) dst(%dma_wait3A_400 : memref<40x128xf32, #tpu.memory_space<vmem_shared>>)
    %mul3A_404 = arith.constant 640 : i32
    %mul3A_405 = arith.muli %arg1, %mul3A_404 : i32
    %add3A_406 = arith.constant 480 : i32
    %add3A_407 = arith.addi %mul3A_405, %add3A_406 : i32
    %dma_wait3A_408 = arith.constant 0 : i32
    %dma_wait3A_409 = arith.constant 0 : i32
    %dma_wait3A_410 = tpu.memref_slice %arg12[%dma_wait3A_408, %dma_wait3A_409] : memref<48x128xf32, #tpu.memory_space<vmem>> -> memref<40x128xf32, #tpu.memory_space<vmem>>
    %dma_wait3A_411 = arith.constant 0 : i32
    %dma_wait3A_412 = tpu.memref_slice %arg16[%add3A_407, %dma_wait3A_411] : memref<10240x128xf32, #tpu.memory_space<vmem_shared>> -> memref<40x128xf32, #tpu.memory_space<vmem_shared>>
    %dma_wait3A_413 = arith.constant 0 : i32
    %dma_wait3A_414 = tpu.memref_slice %arg16[%add3A_407, %dma_wait3A_413] : memref<10240x128xf32, #tpu.memory_space<vmem_shared>> -> memref<40x128xf32, #tpu.memory_space<vmem_shared>>
    %dma_wait3A_415 = arith.constant 0 : i32
    %dma_wait3A_416 = arith.constant 0 : i32
    %dma_wait3A_417 = tpu.memref_slice %arg12[%dma_wait3A_415, %dma_wait3A_416] : memref<48x128xf32, #tpu.memory_space<vmem>> -> memref<40x128xf32, #tpu.memory_space<vmem>>
    tpu.wait_dma2 semaphore(%arg17 : memref<!tpu.dma_semaphore, #tpu.memory_space<semaphore_mem>>) src(%dma_wait3A_417 : memref<40x128xf32, #tpu.memory_space<vmem>>) dst(%dma_wait3A_414 : memref<40x128xf32, #tpu.memory_space<vmem_shared>>)
    %mul3A_418 = arith.constant 640 : i32
    %mul3A_419 = arith.muli %arg1, %mul3A_418 : i32
    %add3A_420 = arith.constant 520 : i32
    %add3A_421 = arith.addi %mul3A_419, %add3A_420 : i32
    %dma_wait3A_422 = arith.constant 0 : i32
    %dma_wait3A_423 = arith.constant 0 : i32
    %dma_wait3A_424 = tpu.memref_slice %arg13[%dma_wait3A_422, %dma_wait3A_423] : memref<48x128xf32, #tpu.memory_space<vmem>> -> memref<40x128xf32, #tpu.memory_space<vmem>>
    %dma_wait3A_425 = arith.constant 0 : i32
    %dma_wait3A_426 = tpu.memref_slice %arg16[%add3A_421, %dma_wait3A_425] : memref<10240x128xf32, #tpu.memory_space<vmem_shared>> -> memref<40x128xf32, #tpu.memory_space<vmem_shared>>
    %dma_wait3A_427 = arith.constant 0 : i32
    %dma_wait3A_428 = tpu.memref_slice %arg16[%add3A_421, %dma_wait3A_427] : memref<10240x128xf32, #tpu.memory_space<vmem_shared>> -> memref<40x128xf32, #tpu.memory_space<vmem_shared>>
    %dma_wait3A_429 = arith.constant 0 : i32
    %dma_wait3A_430 = arith.constant 0 : i32
    %dma_wait3A_431 = tpu.memref_slice %arg13[%dma_wait3A_429, %dma_wait3A_430] : memref<48x128xf32, #tpu.memory_space<vmem>> -> memref<40x128xf32, #tpu.memory_space<vmem>>
    tpu.wait_dma2 semaphore(%arg18 : memref<!tpu.dma_semaphore, #tpu.memory_space<semaphore_mem>>) src(%dma_wait3A_431 : memref<40x128xf32, #tpu.memory_space<vmem>>) dst(%dma_wait3A_428 : memref<40x128xf32, #tpu.memory_space<vmem_shared>>)
    %mul3A_432 = arith.constant 640 : i32
    %mul3A_433 = arith.muli %arg1, %mul3A_432 : i32
    %add3A_434 = arith.constant 560 : i32
    %add3A_435 = arith.addi %mul3A_433, %add3A_434 : i32
    %dma_wait3A_436 = arith.constant 0 : i32
    %dma_wait3A_437 = arith.constant 0 : i32
    %dma_wait3A_438 = tpu.memref_slice %arg14[%dma_wait3A_436, %dma_wait3A_437] : memref<48x128xf32, #tpu.memory_space<vmem>> -> memref<40x128xf32, #tpu.memory_space<vmem>>
    %dma_wait3A_439 = arith.constant 0 : i32
    %dma_wait3A_440 = tpu.memref_slice %arg16[%add3A_435, %dma_wait3A_439] : memref<10240x128xf32, #tpu.memory_space<vmem_shared>> -> memref<40x128xf32, #tpu.memory_space<vmem_shared>>
    %dma_wait3A_441 = arith.constant 0 : i32
    %dma_wait3A_442 = tpu.memref_slice %arg16[%add3A_435, %dma_wait3A_441] : memref<10240x128xf32, #tpu.memory_space<vmem_shared>> -> memref<40x128xf32, #tpu.memory_space<vmem_shared>>
    %dma_wait3A_443 = arith.constant 0 : i32
    %dma_wait3A_444 = arith.constant 0 : i32
    %dma_wait3A_445 = tpu.memref_slice %arg14[%dma_wait3A_443, %dma_wait3A_444] : memref<48x128xf32, #tpu.memory_space<vmem>> -> memref<40x128xf32, #tpu.memory_space<vmem>>
    tpu.wait_dma2 semaphore(%arg19 : memref<!tpu.dma_semaphore, #tpu.memory_space<semaphore_mem>>) src(%dma_wait3A_445 : memref<40x128xf32, #tpu.memory_space<vmem>>) dst(%dma_wait3A_442 : memref<40x128xf32, #tpu.memory_space<vmem_shared>>)
    %mul3A_446 = arith.constant 640 : i32
    %mul3A_447 = arith.muli %arg1, %mul3A_446 : i32
    %add3A_448 = arith.constant 600 : i32
    %add3A_449 = arith.addi %mul3A_447, %add3A_448 : i32
    %dma_wait3A_450 = arith.constant 0 : i32
    %dma_wait3A_451 = arith.constant 0 : i32
    %dma_wait3A_452 = tpu.memref_slice %arg15[%dma_wait3A_450, %dma_wait3A_451] : memref<48x128xf32, #tpu.memory_space<vmem>> -> memref<40x128xf32, #tpu.memory_space<vmem>>
    %dma_wait3A_453 = arith.constant 0 : i32
    %dma_wait3A_454 = tpu.memref_slice %arg16[%add3A_449, %dma_wait3A_453] : memref<10240x128xf32, #tpu.memory_space<vmem_shared>> -> memref<40x128xf32, #tpu.memory_space<vmem_shared>>
    %dma_wait3A_455 = arith.constant 0 : i32
    %dma_wait3A_456 = tpu.memref_slice %arg16[%add3A_449, %dma_wait3A_455] : memref<10240x128xf32, #tpu.memory_space<vmem_shared>> -> memref<40x128xf32, #tpu.memory_space<vmem_shared>>
    %dma_wait3A_457 = arith.constant 0 : i32
    %dma_wait3A_458 = arith.constant 0 : i32
    %dma_wait3A_459 = tpu.memref_slice %arg15[%dma_wait3A_457, %dma_wait3A_458] : memref<48x128xf32, #tpu.memory_space<vmem>> -> memref<40x128xf32, #tpu.memory_space<vmem>>
    tpu.wait_dma2 semaphore(%arg20 : memref<!tpu.dma_semaphore, #tpu.memory_space<semaphore_mem>>) src(%dma_wait3A_459 : memref<40x128xf32, #tpu.memory_space<vmem>>) dst(%dma_wait3A_456 : memref<40x128xf32, #tpu.memory_space<vmem_shared>>)
    %barrier3A = arith.constant 0 : index
    tpu.barrier barrier_id(%barrier3A)
    %broadcast_in_dim3A = arith.constant 1.000000e+00 : f32
    %broadcast_in_dim3A_460 = vector.broadcast %broadcast_in_dim3A : f32 to vector<16xf32>
    %scan3A_461 = arith.constant 0 : i32
    %scan3A_462 = arith.constant 0 : i32
    %scan3A_463 = arith.constant 9 : i32
    %scan3A_464 = arith.addi %scan3A_462, %scan3A_463 : i32
    %scan3A_465 = arith.constant 1 : i32
    %scan3A_466 = scf.for %scan3A_473 = %scan3A_462 to %scan3A_464 step %scan3A_465 iter_args(%scan3A_474 = %scan3A_461) -> (i32)  : i32 {
      "tpu.region"() ({
        %run_scoped3A = tpu.sem_alloc : memref<!tpu.dma_semaphore, #tpu.memory_space<semaphore_mem>>
        %dma_start3A_511 = arith.constant 0 : i32
        %dma_start3A_512 = arith.constant 0 : i32
        %dma_start3A_513 = arith.constant 0 : i32
        %dma_start3A_514 = tpu.memref_slice %arg3[%add3A, %dma_start3A_511, %dma_start3A_512, %dma_start3A_513] : memref<32x9x24x48xi32, #tpu.memory_space<hbm>> -> memref<1x9x24x48xi32, #tpu.memory_space<hbm>>
        %dma_start3A_515 = tpu.memref_squeeze %dma_start3A_514 : memref<1x9x24x48xi32, #tpu.memory_space<hbm>> -> memref<9x24x48xi32, #tpu.memory_space<hbm>>
        %dma_start3A_516 = arith.constant 0 : i32
        %dma_start3A_517 = arith.constant 0 : i32
        %dma_start3A_518 = tpu.memref_slice %dma_start3A_515[%scan3A_473, %dma_start3A_516, %dma_start3A_517] : memref<9x24x48xi32, #tpu.memory_space<hbm>> -> memref<1x24x48xi32, #tpu.memory_space<hbm>>
        %dma_start3A_519 = tpu.memref_squeeze %dma_start3A_518 : memref<1x24x48xi32, #tpu.memory_space<hbm>> -> memref<24x48xi32, #tpu.memory_space<hbm>>
        %dma_start3A_520 = arith.constant 0 : i32
        %dma_start3A_521 = arith.constant 0 : i32
        %dma_start3A_522 = arith.constant 0 : i32
        %dma_start3A_523 = tpu.memref_slice %arg3[%add3A, %dma_start3A_520, %dma_start3A_521, %dma_start3A_522] : memref<32x9x24x48xi32, #tpu.memory_space<hbm>> -> memref<1x9x24x48xi32, #tpu.memory_space<hbm>>
        %dma_start3A_524 = tpu.memref_squeeze %dma_start3A_523 : memref<1x9x24x48xi32, #tpu.memory_space<hbm>> -> memref<9x24x48xi32, #tpu.memory_space<hbm>>
        %dma_start3A_525 = arith.constant 0 : i32
        %dma_start3A_526 = arith.constant 0 : i32
        %dma_start3A_527 = tpu.memref_slice %dma_start3A_524[%scan3A_473, %dma_start3A_525, %dma_start3A_526] : memref<9x24x48xi32, #tpu.memory_space<hbm>> -> memref<1x24x48xi32, #tpu.memory_space<hbm>>
        %dma_start3A_528 = tpu.memref_squeeze %dma_start3A_527 : memref<1x24x48xi32, #tpu.memory_space<hbm>> -> memref<24x48xi32, #tpu.memory_space<hbm>>
        tpu.enqueue_dma source(%dma_start3A_528 : memref<24x48xi32, #tpu.memory_space<hbm>>) target(%arg8 : memref<24x48xi32, #tpu.memory_space<vmem>>) target_semaphore(%run_scoped3A : memref<!tpu.dma_semaphore, #tpu.memory_space<semaphore_mem>>)
        %dma_wait3A_529 = arith.constant 0 : i32
        %dma_wait3A_530 = arith.constant 0 : i32
        %dma_wait3A_531 = arith.constant 0 : i32
        %dma_wait3A_532 = tpu.memref_slice %arg3[%add3A, %dma_wait3A_529, %dma_wait3A_530, %dma_wait3A_531] : memref<32x9x24x48xi32, #tpu.memory_space<hbm>> -> memref<1x9x24x48xi32, #tpu.memory_space<hbm>>
        %dma_wait3A_533 = tpu.memref_squeeze %dma_wait3A_532 : memref<1x9x24x48xi32, #tpu.memory_space<hbm>> -> memref<9x24x48xi32, #tpu.memory_space<hbm>>
        %dma_wait3A_534 = arith.constant 0 : i32
        %dma_wait3A_535 = arith.constant 0 : i32
        %dma_wait3A_536 = tpu.memref_slice %dma_wait3A_533[%scan3A_473, %dma_wait3A_534, %dma_wait3A_535] : memref<9x24x48xi32, #tpu.memory_space<hbm>> -> memref<1x24x48xi32, #tpu.memory_space<hbm>>
        %dma_wait3A_537 = tpu.memref_squeeze %dma_wait3A_536 : memref<1x24x48xi32, #tpu.memory_space<hbm>> -> memref<24x48xi32, #tpu.memory_space<hbm>>
        %dma_wait3A_538 = arith.constant 0 : i32
        %dma_wait3A_539 = arith.constant 0 : i32
        %dma_wait3A_540 = arith.constant 0 : i32
        %dma_wait3A_541 = tpu.memref_slice %arg3[%add3A, %dma_wait3A_538, %dma_wait3A_539, %dma_wait3A_540] : memref<32x9x24x48xi32, #tpu.memory_space<hbm>> -> memref<1x9x24x48xi32, #tpu.memory_space<hbm>>
        %dma_wait3A_542 = tpu.memref_squeeze %dma_wait3A_541 : memref<1x9x24x48xi32, #tpu.memory_space<hbm>> -> memref<9x24x48xi32, #tpu.memory_space<hbm>>
        %dma_wait3A_543 = arith.constant 0 : i32
        %dma_wait3A_544 = arith.constant 0 : i32
        %dma_wait3A_545 = tpu.memref_slice %dma_wait3A_542[%scan3A_473, %dma_wait3A_543, %dma_wait3A_544] : memref<9x24x48xi32, #tpu.memory_space<hbm>> -> memref<1x24x48xi32, #tpu.memory_space<hbm>>
        %dma_wait3A_546 = tpu.memref_squeeze %dma_wait3A_545 : memref<1x24x48xi32, #tpu.memory_space<hbm>> -> memref<24x48xi32, #tpu.memory_space<hbm>>
        tpu.wait_dma2 semaphore(%run_scoped3A : memref<!tpu.dma_semaphore, #tpu.memory_space<semaphore_mem>>) src(%dma_wait3A_546 : memref<24x48xi32, #tpu.memory_space<hbm>>) dst(%arg8 : memref<24x48xi32, #tpu.memory_space<vmem>>)
        tpu.yield
      }) : () -> ()
      "tpu.region"() ({
        %run_scoped3A = tpu.sem_alloc : memref<!tpu.dma_semaphore, #tpu.memory_space<semaphore_mem>>
        %dma_start3A_511 = arith.constant 0 : i32
        %dma_start3A_512 = arith.constant 0 : i32
        %dma_start3A_513 = arith.constant 0 : i32
        %dma_start3A_514 = tpu.memref_slice %arg4[%add3A, %dma_start3A_511, %dma_start3A_512, %dma_start3A_513] : memref<32x9x24x48xi32, #tpu.memory_space<hbm>> -> memref<1x9x24x48xi32, #tpu.memory_space<hbm>>
        %dma_start3A_515 = tpu.memref_squeeze %dma_start3A_514 : memref<1x9x24x48xi32, #tpu.memory_space<hbm>> -> memref<9x24x48xi32, #tpu.memory_space<hbm>>
        %dma_start3A_516 = arith.constant 0 : i32
        %dma_start3A_517 = arith.constant 0 : i32
        %dma_start3A_518 = tpu.memref_slice %dma_start3A_515[%scan3A_473, %dma_start3A_516, %dma_start3A_517] : memref<9x24x48xi32, #tpu.memory_space<hbm>> -> memref<1x24x48xi32, #tpu.memory_space<hbm>>
        %dma_start3A_519 = tpu.memref_squeeze %dma_start3A_518 : memref<1x24x48xi32, #tpu.memory_space<hbm>> -> memref<24x48xi32, #tpu.memory_space<hbm>>
        %dma_start3A_520 = arith.constant 0 : i32
        %dma_start3A_521 = arith.constant 0 : i32
        %dma_start3A_522 = arith.constant 0 : i32
        %dma_start3A_523 = tpu.memref_slice %arg4[%add3A, %dma_start3A_520, %dma_start3A_521, %dma_start3A_522] : memref<32x9x24x48xi32, #tpu.memory_space<hbm>> -> memref<1x9x24x48xi32, #tpu.memory_space<hbm>>
        %dma_start3A_524 = tpu.memref_squeeze %dma_start3A_523 : memref<1x9x24x48xi32, #tpu.memory_space<hbm>> -> memref<9x24x48xi32, #tpu.memory_space<hbm>>
        %dma_start3A_525 = arith.constant 0 : i32
        %dma_start3A_526 = arith.constant 0 : i32
        %dma_start3A_527 = tpu.memref_slice %dma_start3A_524[%scan3A_473, %dma_start3A_525, %dma_start3A_526] : memref<9x24x48xi32, #tpu.memory_space<hbm>> -> memref<1x24x48xi32, #tpu.memory_space<hbm>>
        %dma_start3A_528 = tpu.memref_squeeze %dma_start3A_527 : memref<1x24x48xi32, #tpu.memory_space<hbm>> -> memref<24x48xi32, #tpu.memory_space<hbm>>
        tpu.enqueue_dma source(%dma_start3A_528 : memref<24x48xi32, #tpu.memory_space<hbm>>) target(%arg9 : memref<24x48xi32, #tpu.memory_space<vmem>>) target_semaphore(%run_scoped3A : memref<!tpu.dma_semaphore, #tpu.memory_space<semaphore_mem>>)
        %dma_wait3A_529 = arith.constant 0 : i32
        %dma_wait3A_530 = arith.constant 0 : i32
        %dma_wait3A_531 = arith.constant 0 : i32
        %dma_wait3A_532 = tpu.memref_slice %arg4[%add3A, %dma_wait3A_529, %dma_wait3A_530, %dma_wait3A_531] : memref<32x9x24x48xi32, #tpu.memory_space<hbm>> -> memref<1x9x24x48xi32, #tpu.memory_space<hbm>>
        %dma_wait3A_533 = tpu.memref_squeeze %dma_wait3A_532 : memref<1x9x24x48xi32, #tpu.memory_space<hbm>> -> memref<9x24x48xi32, #tpu.memory_space<hbm>>
        %dma_wait3A_534 = arith.constant 0 : i32
        %dma_wait3A_535 = arith.constant 0 : i32
        %dma_wait3A_536 = tpu.memref_slice %dma_wait3A_533[%scan3A_473, %dma_wait3A_534, %dma_wait3A_535] : memref<9x24x48xi32, #tpu.memory_space<hbm>> -> memref<1x24x48xi32, #tpu.memory_space<hbm>>
        %dma_wait3A_537 = tpu.memref_squeeze %dma_wait3A_536 : memref<1x24x48xi32, #tpu.memory_space<hbm>> -> memref<24x48xi32, #tpu.memory_space<hbm>>
        %dma_wait3A_538 = arith.constant 0 : i32
        %dma_wait3A_539 = arith.constant 0 : i32
        %dma_wait3A_540 = arith.constant 0 : i32
        %dma_wait3A_541 = tpu.memref_slice %arg4[%add3A, %dma_wait3A_538, %dma_wait3A_539, %dma_wait3A_540] : memref<32x9x24x48xi32, #tpu.memory_space<hbm>> -> memref<1x9x24x48xi32, #tpu.memory_space<hbm>>
        %dma_wait3A_542 = tpu.memref_squeeze %dma_wait3A_541 : memref<1x9x24x48xi32, #tpu.memory_space<hbm>> -> memref<9x24x48xi32, #tpu.memory_space<hbm>>
        %dma_wait3A_543 = arith.constant 0 : i32
        %dma_wait3A_544 = arith.constant 0 : i32
        %dma_wait3A_545 = tpu.memref_slice %dma_wait3A_542[%scan3A_473, %dma_wait3A_543, %dma_wait3A_544] : memref<9x24x48xi32, #tpu.memory_space<hbm>> -> memref<1x24x48xi32, #tpu.memory_space<hbm>>
        %dma_wait3A_546 = tpu.memref_squeeze %dma_wait3A_545 : memref<1x24x48xi32, #tpu.memory_space<hbm>> -> memref<24x48xi32, #tpu.memory_space<hbm>>
        tpu.wait_dma2 semaphore(%run_scoped3A : memref<!tpu.dma_semaphore, #tpu.memory_space<semaphore_mem>>) src(%dma_wait3A_546 : memref<24x48xi32, #tpu.memory_space<hbm>>) dst(%arg9 : memref<24x48xi32, #tpu.memory_space<vmem>>)
        tpu.yield
      }) : () -> ()
      "tpu.region"() ({
        %run_scoped3A = tpu.sem_alloc : memref<!tpu.dma_semaphore, #tpu.memory_space<semaphore_mem>>
        %dma_start3A_511 = arith.constant 0 : i32
        %dma_start3A_512 = arith.constant 0 : i32
        %dma_start3A_513 = arith.constant 0 : i32
        %dma_start3A_514 = tpu.memref_slice %arg5[%add3A, %dma_start3A_511, %dma_start3A_512, %dma_start3A_513] : memref<32x9x24x48xf32, #tpu.memory_space<hbm>> -> memref<1x9x24x48xf32, #tpu.memory_space<hbm>>
        %dma_start3A_515 = tpu.memref_squeeze %dma_start3A_514 : memref<1x9x24x48xf32, #tpu.memory_space<hbm>> -> memref<9x24x48xf32, #tpu.memory_space<hbm>>
        %dma_start3A_516 = arith.constant 0 : i32
        %dma_start3A_517 = arith.constant 0 : i32
        %dma_start3A_518 = tpu.memref_slice %dma_start3A_515[%scan3A_473, %dma_start3A_516, %dma_start3A_517] : memref<9x24x48xf32, #tpu.memory_space<hbm>> -> memref<1x24x48xf32, #tpu.memory_space<hbm>>
        %dma_start3A_519 = tpu.memref_squeeze %dma_start3A_518 : memref<1x24x48xf32, #tpu.memory_space<hbm>> -> memref<24x48xf32, #tpu.memory_space<hbm>>
        %dma_start3A_520 = arith.constant 0 : i32
        %dma_start3A_521 = arith.constant 0 : i32
        %dma_start3A_522 = arith.constant 0 : i32
        %dma_start3A_523 = tpu.memref_slice %arg5[%add3A, %dma_start3A_520, %dma_start3A_521, %dma_start3A_522] : memref<32x9x24x48xf32, #tpu.memory_space<hbm>> -> memref<1x9x24x48xf32, #tpu.memory_space<hbm>>
        %dma_start3A_524 = tpu.memref_squeeze %dma_start3A_523 : memref<1x9x24x48xf32, #tpu.memory_space<hbm>> -> memref<9x24x48xf32, #tpu.memory_space<hbm>>
        %dma_start3A_525 = arith.constant 0 : i32
        %dma_start3A_526 = arith.constant 0 : i32
        %dma_start3A_527 = tpu.memref_slice %dma_start3A_524[%scan3A_473, %dma_start3A_525, %dma_start3A_526] : memref<9x24x48xf32, #tpu.memory_space<hbm>> -> memref<1x24x48xf32, #tpu.memory_space<hbm>>
        %dma_start3A_528 = tpu.memref_squeeze %dma_start3A_527 : memref<1x24x48xf32, #tpu.memory_space<hbm>> -> memref<24x48xf32, #tpu.memory_space<hbm>>
        tpu.enqueue_dma source(%dma_start3A_528 : memref<24x48xf32, #tpu.memory_space<hbm>>) target(%arg10 : memref<24x48xf32, #tpu.memory_space<vmem>>) target_semaphore(%run_scoped3A : memref<!tpu.dma_semaphore, #tpu.memory_space<semaphore_mem>>)
        %dma_wait3A_529 = arith.constant 0 : i32
        %dma_wait3A_530 = arith.constant 0 : i32
        %dma_wait3A_531 = arith.constant 0 : i32
        %dma_wait3A_532 = tpu.memref_slice %arg5[%add3A, %dma_wait3A_529, %dma_wait3A_530, %dma_wait3A_531] : memref<32x9x24x48xf32, #tpu.memory_space<hbm>> -> memref<1x9x24x48xf32, #tpu.memory_space<hbm>>
        %dma_wait3A_533 = tpu.memref_squeeze %dma_wait3A_532 : memref<1x9x24x48xf32, #tpu.memory_space<hbm>> -> memref<9x24x48xf32, #tpu.memory_space<hbm>>
        %dma_wait3A_534 = arith.constant 0 : i32
        %dma_wait3A_535 = arith.constant 0 : i32
        %dma_wait3A_536 = tpu.memref_slice %dma_wait3A_533[%scan3A_473, %dma_wait3A_534, %dma_wait3A_535] : memref<9x24x48xf32, #tpu.memory_space<hbm>> -> memref<1x24x48xf32, #tpu.memory_space<hbm>>
        %dma_wait3A_537 = tpu.memref_squeeze %dma_wait3A_536 : memref<1x24x48xf32, #tpu.memory_space<hbm>> -> memref<24x48xf32, #tpu.memory_space<hbm>>
        %dma_wait3A_538 = arith.constant 0 : i32
        %dma_wait3A_539 = arith.constant 0 : i32
        %dma_wait3A_540 = arith.constant 0 : i32
        %dma_wait3A_541 = tpu.memref_slice %arg5[%add3A, %dma_wait3A_538, %dma_wait3A_539, %dma_wait3A_540] : memref<32x9x24x48xf32, #tpu.memory_space<hbm>> -> memref<1x9x24x48xf32, #tpu.memory_space<hbm>>
        %dma_wait3A_542 = tpu.memref_squeeze %dma_wait3A_541 : memref<1x9x24x48xf32, #tpu.memory_space<hbm>> -> memref<9x24x48xf32, #tpu.memory_space<hbm>>
        %dma_wait3A_543 = arith.constant 0 : i32
        %dma_wait3A_544 = arith.constant 0 : i32
        %dma_wait3A_545 = tpu.memref_slice %dma_wait3A_542[%scan3A_473, %dma_wait3A_543, %dma_wait3A_544] : memref<9x24x48xf32, #tpu.memory_space<hbm>> -> memref<1x24x48xf32, #tpu.memory_space<hbm>>
        %dma_wait3A_546 = tpu.memref_squeeze %dma_wait3A_545 : memref<1x24x48xf32, #tpu.memory_space<hbm>> -> memref<24x48xf32, #tpu.memory_space<hbm>>
        tpu.wait_dma2 semaphore(%run_scoped3A : memref<!tpu.dma_semaphore, #tpu.memory_space<semaphore_mem>>) src(%dma_wait3A_546 : memref<24x48xf32, #tpu.memory_space<hbm>>) dst(%arg10 : memref<24x48xf32, #tpu.memory_space<vmem>>)
        tpu.yield
      }) : () -> ()
      %dma_start3A_475 = arith.constant 0 : i32
      %dma_start3A_476 = arith.constant 0 : i32
      %dma_start3A_477 = tpu.memref_slice %arg8[%dma_start3A_475, %dma_start3A_476] : memref<24x48xi32, #tpu.memory_space<vmem>> -> memref<1x48xi32, #tpu.memory_space<vmem>>
      %dma_start3A_478 = tpu.memref_squeeze %dma_start3A_477 : memref<1x48xi32, #tpu.memory_space<vmem>> -> memref<48xi32, #tpu.memory_space<vmem>>
      %dma_start3A_479 = arith.constant 0 : i32
      %dma_start3A_480 = arith.constant 0 : i32
      %dma_start3A_481 = tpu.memref_slice %arg2[%dma_start3A_479, %dma_start3A_480] : memref<10000x128xf32, #tpu.memory_space<hbm>> -> memref<10000x128xf32, #tpu.memory_space<hbm>>
      tpu.enqueue_indirect_dma source(%dma_start3A_481 : memref<10000x128xf32, #tpu.memory_space<hbm>>) target(%arg12 : memref<48x128xf32, #tpu.memory_space<vmem>>) offsets(%dma_start3A_478 : memref<48xi32, #tpu.memory_space<vmem>>) semaphore(%arg17 : memref<!tpu.dma_semaphore, #tpu.memory_space<semaphore_mem>>)
      %dma_start3A_482 = arith.constant 1 : i32
      %dma_start3A_483 = arith.constant 0 : i32
      %dma_start3A_484 = tpu.memref_slice %arg8[%dma_start3A_482, %dma_start3A_483] : memref<24x48xi32, #tpu.memory_space<vmem>> -> memref<1x48xi32, #tpu.memory_space<vmem>>
      %dma_start3A_485 = tpu.memref_squeeze %dma_start3A_484 : memref<1x48xi32, #tpu.memory_space<vmem>> -> memref<48xi32, #tpu.memory_space<vmem>>
      %dma_start3A_486 = arith.constant 0 : i32
      %dma_start3A_487 = arith.constant 0 : i32
      %dma_start3A_488 = tpu.memref_slice %arg2[%dma_start3A_486, %dma_start3A_487] : memref<10000x128xf32, #tpu.memory_space<hbm>> -> memref<10000x128xf32, #tpu.memory_space<hbm>>
      tpu.enqueue_indirect_dma source(%dma_start3A_488 : memref<10000x128xf32, #tpu.memory_space<hbm>>) target(%arg13 : memref<48x128xf32, #tpu.memory_space<vmem>>) offsets(%dma_start3A_485 : memref<48xi32, #tpu.memory_space<vmem>>) semaphore(%arg18 : memref<!tpu.dma_semaphore, #tpu.memory_space<semaphore_mem>>)
      %scan3A_489 = arith.constant 0 : i32
      %scan3A_490 = arith.constant 0 : i32
      %scan3A_491 = arith.constant 6 : i32
      %scan3A_492 = arith.addi %scan3A_490, %scan3A_491 : i32
      %scan3A_493 = arith.constant 1 : i32
      %scan3A_494 = scf.for %scan3A_511 = %scan3A_490 to %scan3A_492 step %scan3A_493 iter_args(%scan3A_512 = %scan3A_489) -> (i32)  : i32 {
        %mul3A_513 = arith.constant 4 : i32
        %mul3A_514 = arith.muli %scan3A_511, %mul3A_513 : i32
        %add3A_515 = arith.constant 0 : i32
        %add3A_516 = arith.addi %mul3A_514, %add3A_515 : i32
        %dma_wait3A_517 = arith.constant 0 : i32
        %dma_wait3A_518 = arith.constant 0 : i32
        %dma_wait3A_519 = tpu.memref_slice %arg8[%dma_wait3A_517, %dma_wait3A_518] : memref<24x48xi32, #tpu.memory_space<vmem>> -> memref<1x48xi32, #tpu.memory_space<vmem>>
        %dma_wait3A_520 = tpu.memref_squeeze %dma_wait3A_519 : memref<1x48xi32, #tpu.memory_space<vmem>> -> memref<48xi32, #tpu.memory_space<vmem>>
        %dma_wait3A_521 = arith.constant 0 : i32
        %dma_wait3A_522 = arith.constant 0 : i32
        %dma_wait3A_523 = tpu.memref_slice %arg2[%dma_wait3A_521, %dma_wait3A_522] : memref<10000x128xf32, #tpu.memory_space<hbm>> -> memref<10000x128xf32, #tpu.memory_space<hbm>>
        tpu.wait_indirect_dma semaphore(%arg17 : memref<!tpu.dma_semaphore, #tpu.memory_space<semaphore_mem>>) src(%dma_wait3A_523 : memref<10000x128xf32, #tpu.memory_space<hbm>>) dst(%arg12 : memref<48x128xf32, #tpu.memory_space<vmem>>)
        %get3A = arith.index_cast %add3A_516 : i32 to index
        %get3A_524 = arith.constant 0 : index
        %get3A_525 = tpu.vector_load %arg10[%get3A, %get3A_524] {strides = array<i32>} : memref<24x48xf32, #tpu.memory_space<vmem>>, vector<16xf32>,
        %scan3A_526 = arith.constant 0 : i32
        %scan3A_527 = arith.constant 0 : i32
        %scan3A_528 = arith.constant 16 : i32
        %scan3A_529 = arith.addi %scan3A_527, %scan3A_528 : i32
        %scan3A_530 = arith.constant 1 : i32
        %scan3A_531 = scf.for %scan3A_773 = %scan3A_527 to %scan3A_529 step %scan3A_530 iter_args(%scan3A_774 = %scan3A_526) -> (i32)  : i32 {
          %broadcast_in_dim3A_775 = vector.broadcast %scan3A_773 : i32 to vector<16xi32>
          %lt3A_776 = arith.constant 0 : i32
          %lt3A_777 = vector.broadcast %lt3A_776 : i32 to vector<16xi32>
          %lt3A_778 = arith.cmpi slt, %broadcast_in_dim3A_775, %lt3A_777 : vector<16xi32>
          %add3A_779 = arith.constant 16 : i32
          %add3A_780 = vector.broadcast %add3A_779 : i32 to vector<16xi32>
          %add3A_781 = arith.addi %broadcast_in_dim3A_775, %add3A_780 : vector<16xi32>
          %select_n3A = arith.select %lt3A_778, %add3A_781, %broadcast_in_dim3A_775 : vector<16xi1>, vector<16xi32>
          %broadcast_in_dim3A_782 = vector.shape_cast %select_n3A : vector<16xi32> to vector<16x1xi32>
          %gather3A = vector.shape_cast %broadcast_in_dim3A_782 : vector<16x1xi32> to vector<16xi32>
          %gather3A_783 = tpu.dynamic_gather %get3A_525[%gather3A] in [0] : vector<16xf32>, vector<16xi32> -> vector<16xf32>
          %add3A_784 = arith.constant 0 : i32
          %add3A_785 = arith.addi %add3A_784, %scan3A_773 : i32
          %get3A_786 = arith.index_cast %add3A_785 : i32 to index
          %get3A_787 = arith.constant 0 : index
          %get3A_788 = tpu.vector_load %arg12[%get3A_786, %get3A_787] {strides = array<i32>} : memref<48x128xf32, #tpu.memory_space<vmem>>, vector<16xf32>,
          %mul3A_789 = arith.mulf %get3A_788, %gather3A_783 : vector<16xf32>
          %swap3A = arith.index_cast %add3A_785 : i32 to index
          %swap3A_790 = arith.constant 0 : index
          %swap3A_791 = tpu.vector_load %arg12[%swap3A, %swap3A_790] {strides = array<i32>} : memref<48x128xf32, #tpu.memory_space<vmem>>, vector<16xf32>,
          tpu.vector_store %arg12[%swap3A, %swap3A_790], %mul3A_789 {strides = array<i32>} : memref<48x128xf32, #tpu.memory_space<vmem>>, vector<16xf32>,
          %get3A_792 = arith.index_cast %add3A_785 : i32 to index
          %get3A_793 = arith.constant 16 : index
          %get3A_794 = tpu.vector_load %arg12[%get3A_792, %get3A_793] {strides = array<i32>} : memref<48x128xf32, #tpu.memory_space<vmem>>, vector<16xf32>,
          %mul3A_795 = arith.mulf %get3A_794, %gather3A_783 : vector<16xf32>
          %swap3A_796 = arith.index_cast %add3A_785 : i32 to index
          %swap3A_797 = arith.constant 16 : index
          %swap3A_798 = tpu.vector_load %arg12[%swap3A_796, %swap3A_797] {strides = array<i32>} : memref<48x128xf32, #tpu.memory_space<vmem>>, vector<16xf32>,
          tpu.vector_store %arg12[%swap3A_796, %swap3A_797], %mul3A_795 {strides = array<i32>} : memref<48x128xf32, #tpu.memory_space<vmem>>, vector<16xf32>,
          %get3A_799 = arith.index_cast %add3A_785 : i32 to index
          %get3A_800 = arith.constant 32 : index
          %get3A_801 = tpu.vector_load %arg12[%get3A_799, %get3A_800] {strides = array<i32>} : memref<48x128xf32, #tpu.memory_space<vmem>>, vector<16xf32>,
          %mul3A_802 = arith.mulf %get3A_801, %gather3A_783 : vector<16xf32>
          %swap3A_803 = arith.index_cast %add3A_785 : i32 to index
          %swap3A_804 = arith.constant 32 : index
          %swap3A_805 = tpu.vector_load %arg12[%swap3A_803, %swap3A_804] {strides = array<i32>} : memref<48x128xf32, #tpu.memory_space<vmem>>, vector<16xf32>,
          tpu.vector_store %arg12[%swap3A_803, %swap3A_804], %mul3A_802 {strides = array<i32>} : memref<48x128xf32, #tpu.memory_space<vmem>>, vector<16xf32>,
          %get3A_806 = arith.index_cast %add3A_785 : i32 to index
          %get3A_807 = arith.constant 48 : index
          %get3A_808 = tpu.vector_load %arg12[%get3A_806, %get3A_807] {strides = array<i32>} : memref<48x128xf32, #tpu.memory_space<vmem>>, vector<16xf32>,
          %mul3A_809 = arith.mulf %get3A_808, %gather3A_783 : vector<16xf32>
          %swap3A_810 = arith.index_cast %add3A_785 : i32 to index
          %swap3A_811 = arith.constant 48 : index
          %swap3A_812 = tpu.vector_load %arg12[%swap3A_810, %swap3A_811] {strides = array<i32>} : memref<48x128xf32, #tpu.memory_space<vmem>>, vector<16xf32>,
          tpu.vector_store %arg12[%swap3A_810, %swap3A_811], %mul3A_809 {strides = array<i32>} : memref<48x128xf32, #tpu.memory_space<vmem>>, vector<16xf32>,
          %get3A_813 = arith.index_cast %add3A_785 : i32 to index
          %get3A_814 = arith.constant 64 : index
          %get3A_815 = tpu.vector_load %arg12[%get3A_813, %get3A_814] {strides = array<i32>} : memref<48x128xf32, #tpu.memory_space<vmem>>, vector<16xf32>,
          %mul3A_816 = arith.mulf %get3A_815, %gather3A_783 : vector<16xf32>
          %swap3A_817 = arith.index_cast %add3A_785 : i32 to index
          %swap3A_818 = arith.constant 64 : index
          %swap3A_819 = tpu.vector_load %arg12[%swap3A_817, %swap3A_818] {strides = array<i32>} : memref<48x128xf32, #tpu.memory_space<vmem>>, vector<16xf32>,
          tpu.vector_store %arg12[%swap3A_817, %swap3A_818], %mul3A_816 {strides = array<i32>} : memref<48x128xf32, #tpu.memory_space<vmem>>, vector<16xf32>,
          %get3A_820 = arith.index_cast %add3A_785 : i32 to index
          %get3A_821 = arith.constant 80 : index
          %get3A_822 = tpu.vector_load %arg12[%get3A_820, %get3A_821] {strides = array<i32>} : memref<48x128xf32, #tpu.memory_space<vmem>>, vector<16xf32>,
          %mul3A_823 = arith.mulf %get3A_822, %gather3A_783 : vector<16xf32>
          %swap3A_824 = arith.index_cast %add3A_785 : i32 to index
          %swap3A_825 = arith.constant 80 : index
          %swap3A_826 = tpu.vector_load %arg12[%swap3A_824, %swap3A_825] {strides = array<i32>} : memref<48x128xf32, #tpu.memory_space<vmem>>, vector<16xf32>,
          tpu.vector_store %arg12[%swap3A_824, %swap3A_825], %mul3A_823 {strides = array<i32>} : memref<48x128xf32, #tpu.memory_space<vmem>>, vector<16xf32>,
          %get3A_827 = arith.index_cast %add3A_785 : i32 to index
          %get3A_828 = arith.constant 96 : index
          %get3A_829 = tpu.vector_load %arg12[%get3A_827, %get3A_828] {strides = array<i32>} : memref<48x128xf32, #tpu.memory_space<vmem>>, vector<16xf32>,
          %mul3A_830 = arith.mulf %get3A_829, %gather3A_783 : vector<16xf32>
          %swap3A_831 = arith.index_cast %add3A_785 : i32 to index
          %swap3A_832 = arith.constant 96 : index
          %swap3A_833 = tpu.vector_load %arg12[%swap3A_831, %swap3A_832] {strides = array<i32>} : memref<48x128xf32, #tpu.memory_space<vmem>>, vector<16xf32>,
          tpu.vector_store %arg12[%swap3A_831, %swap3A_832], %mul3A_830 {strides = array<i32>} : memref<48x128xf32, #tpu.memory_space<vmem>>, vector<16xf32>,
          %get3A_834 = arith.index_cast %add3A_785 : i32 to index
          %get3A_835 = arith.constant 112 : index
          %get3A_836 = tpu.vector_load %arg12[%get3A_834, %get3A_835] {strides = array<i32>} : memref<48x128xf32, #tpu.memory_space<vmem>>, vector<16xf32>,
          %mul3A_837 = arith.mulf %get3A_836, %gather3A_783 : vector<16xf32>
          %swap3A_838 = arith.index_cast %add3A_785 : i32 to index
          %swap3A_839 = arith.constant 112 : index
          %swap3A_840 = tpu.vector_load %arg12[%swap3A_838, %swap3A_839] {strides = array<i32>} : memref<48x128xf32, #tpu.memory_space<vmem>>, vector<16xf32>,
          tpu.vector_store %arg12[%swap3A_838, %swap3A_839], %mul3A_837 {strides = array<i32>} : memref<48x128xf32, #tpu.memory_space<vmem>>, vector<16xf32>,
          %scan3A_841 = arith.constant 0 : i32
          scf.yield %scan3A_841 : i32
        }
        %scan3A_532 = arith.constant 16 : i32
        %get3A_533 = arith.index_cast %add3A_516 : i32 to index
        %get3A_534 = arith.constant 16 : index
        %get3A_535 = tpu.vector_load %arg10[%get3A_533, %get3A_534] {strides = array<i32>} : memref<24x48xf32, #tpu.memory_space<vmem>>, vector<16xf32>,
        %scan3A_536 = arith.constant 0 : i32
        %scan3A_537 = arith.constant 0 : i32
        %scan3A_538 = arith.constant 16 : i32
        %scan3A_539 = arith.addi %scan3A_537, %scan3A_538 : i32
        %scan3A_540 = arith.constant 1 : i32
        %scan3A_541 = scf.for %scan3A_773 = %scan3A_537 to %scan3A_539 step %scan3A_540 iter_args(%scan3A_774 = %scan3A_536) -> (i32)  : i32 {
          %broadcast_in_dim3A_775 = vector.broadcast %scan3A_773 : i32 to vector<16xi32>
          %lt3A_776 = arith.constant 0 : i32
          %lt3A_777 = vector.broadcast %lt3A_776 : i32 to vector<16xi32>
          %lt3A_778 = arith.cmpi slt, %broadcast_in_dim3A_775, %lt3A_777 : vector<16xi32>
          %add3A_779 = arith.constant 16 : i32
          %add3A_780 = vector.broadcast %add3A_779 : i32 to vector<16xi32>
          %add3A_781 = arith.addi %broadcast_in_dim3A_775, %add3A_780 : vector<16xi32>
          %select_n3A = arith.select %lt3A_778, %add3A_781, %broadcast_in_dim3A_775 : vector<16xi1>, vector<16xi32>
          %broadcast_in_dim3A_782 = vector.shape_cast %select_n3A : vector<16xi32> to vector<16x1xi32>
          %gather3A = vector.shape_cast %broadcast_in_dim3A_782 : vector<16x1xi32> to vector<16xi32>
          %gather3A_783 = tpu.dynamic_gather %get3A_535[%gather3A] in [0] : vector<16xf32>, vector<16xi32> -> vector<16xf32>
          %add3A_784 = arith.constant 16 : i32
          %add3A_785 = arith.addi %add3A_784, %scan3A_773 : i32
          %get3A_786 = arith.index_cast %add3A_785 : i32 to index
          %get3A_787 = arith.constant 0 : index
          %get3A_788 = tpu.vector_load %arg12[%get3A_786, %get3A_787] {strides = array<i32>} : memref<48x128xf32, #tpu.memory_space<vmem>>, vector<16xf32>,
          %mul3A_789 = arith.mulf %get3A_788, %gather3A_783 : vector<16xf32>
          %swap3A = arith.index_cast %add3A_785 : i32 to index
          %swap3A_790 = arith.constant 0 : index
          %swap3A_791 = tpu.vector_load %arg12[%swap3A, %swap3A_790] {strides = array<i32>} : memref<48x128xf32, #tpu.memory_space<vmem>>, vector<16xf32>,
          tpu.vector_store %arg12[%swap3A, %swap3A_790], %mul3A_789 {strides = array<i32>} : memref<48x128xf32, #tpu.memory_space<vmem>>, vector<16xf32>,
          %get3A_792 = arith.index_cast %add3A_785 : i32 to index
          %get3A_793 = arith.constant 16 : index
          %get3A_794 = tpu.vector_load %arg12[%get3A_792, %get3A_793] {strides = array<i32>} : memref<48x128xf32, #tpu.memory_space<vmem>>, vector<16xf32>,
          %mul3A_795 = arith.mulf %get3A_794, %gather3A_783 : vector<16xf32>
          %swap3A_796 = arith.index_cast %add3A_785 : i32 to index
          %swap3A_797 = arith.constant 16 : index
          %swap3A_798 = tpu.vector_load %arg12[%swap3A_796, %swap3A_797] {strides = array<i32>} : memref<48x128xf32, #tpu.memory_space<vmem>>, vector<16xf32>,
          tpu.vector_store %arg12[%swap3A_796, %swap3A_797], %mul3A_795 {strides = array<i32>} : memref<48x128xf32, #tpu.memory_space<vmem>>, vector<16xf32>,
          %get3A_799 = arith.index_cast %add3A_785 : i32 to index
          %get3A_800 = arith.constant 32 : index
          %get3A_801 = tpu.vector_load %arg12[%get3A_799, %get3A_800] {strides = array<i32>} : memref<48x128xf32, #tpu.memory_space<vmem>>, vector<16xf32>,
          %mul3A_802 = arith.mulf %get3A_801, %gather3A_783 : vector<16xf32>
          %swap3A_803 = arith.index_cast %add3A_785 : i32 to index
          %swap3A_804 = arith.constant 32 : index
          %swap3A_805 = tpu.vector_load %arg12[%swap3A_803, %swap3A_804] {strides = array<i32>} : memref<48x128xf32, #tpu.memory_space<vmem>>, vector<16xf32>,
          tpu.vector_store %arg12[%swap3A_803, %swap3A_804], %mul3A_802 {strides = array<i32>} : memref<48x128xf32, #tpu.memory_space<vmem>>, vector<16xf32>,
          %get3A_806 = arith.index_cast %add3A_785 : i32 to index
          %get3A_807 = arith.constant 48 : index
          %get3A_808 = tpu.vector_load %arg12[%get3A_806, %get3A_807] {strides = array<i32>} : memref<48x128xf32, #tpu.memory_space<vmem>>, vector<16xf32>,
          %mul3A_809 = arith.mulf %get3A_808, %gather3A_783 : vector<16xf32>
          %swap3A_810 = arith.index_cast %add3A_785 : i32 to index
          %swap3A_811 = arith.constant 48 : index
          %swap3A_812 = tpu.vector_load %arg12[%swap3A_810, %swap3A_811] {strides = array<i32>} : memref<48x128xf32, #tpu.memory_space<vmem>>, vector<16xf32>,
          tpu.vector_store %arg12[%swap3A_810, %swap3A_811], %mul3A_809 {strides = array<i32>} : memref<48x128xf32, #tpu.memory_space<vmem>>, vector<16xf32>,
          %get3A_813 = arith.index_cast %add3A_785 : i32 to index
          %get3A_814 = arith.constant 64 : index
          %get3A_815 = tpu.vector_load %arg12[%get3A_813, %get3A_814] {strides = array<i32>} : memref<48x128xf32, #tpu.memory_space<vmem>>, vector<16xf32>,
          %mul3A_816 = arith.mulf %get3A_815, %gather3A_783 : vector<16xf32>
          %swap3A_817 = arith.index_cast %add3A_785 : i32 to index
          %swap3A_818 = arith.constant 64 : index
          %swap3A_819 = tpu.vector_load %arg12[%swap3A_817, %swap3A_818] {strides = array<i32>} : memref<48x128xf32, #tpu.memory_space<vmem>>, vector<16xf32>,
          tpu.vector_store %arg12[%swap3A_817, %swap3A_818], %mul3A_816 {strides = array<i32>} : memref<48x128xf32, #tpu.memory_space<vmem>>, vector<16xf32>,
          %get3A_820 = arith.index_cast %add3A_785 : i32 to index
          %get3A_821 = arith.constant 80 : index
          %get3A_822 = tpu.vector_load %arg12[%get3A_820, %get3A_821] {strides = array<i32>} : memref<48x128xf32, #tpu.memory_space<vmem>>, vector<16xf32>,
          %mul3A_823 = arith.mulf %get3A_822, %gather3A_783 : vector<16xf32>
          %swap3A_824 = arith.index_cast %add3A_785 : i32 to index
          %swap3A_825 = arith.constant 80 : index
          %swap3A_826 = tpu.vector_load %arg12[%swap3A_824, %swap3A_825] {strides = array<i32>} : memref<48x128xf32, #tpu.memory_space<vmem>>, vector<16xf32>,
          tpu.vector_store %arg12[%swap3A_824, %swap3A_825], %mul3A_823 {strides = array<i32>} : memref<48x128xf32, #tpu.memory_space<vmem>>, vector<16xf32>,
          %get3A_827 = arith.index_cast %add3A_785 : i32 to index
          %get3A_828 = arith.constant 96 : index
          %get3A_829 = tpu.vector_load %arg12[%get3A_827, %get3A_828] {strides = array<i32>} : memref<48x128xf32, #tpu.memory_space<vmem>>, vector<16xf32>,
          %mul3A_830 = arith.mulf %get3A_829, %gather3A_783 : vector<16xf32>
          %swap3A_831 = arith.index_cast %add3A_785 : i32 to index
          %swap3A_832 = arith.constant 96 : index
          %swap3A_833 = tpu.vector_load %arg12[%swap3A_831, %swap3A_832] {strides = array<i32>} : memref<48x128xf32, #tpu.memory_space<vmem>>, vector<16xf32>,
          tpu.vector_store %arg12[%swap3A_831, %swap3A_832], %mul3A_830 {strides = array<i32>} : memref<48x128xf32, #tpu.memory_space<vmem>>, vector<16xf32>,
          %get3A_834 = arith.index_cast %add3A_785 : i32 to index
          %get3A_835 = arith.constant 112 : index
          %get3A_836 = tpu.vector_load %arg12[%get3A_834, %get3A_835] {strides = array<i32>} : memref<48x128xf32, #tpu.memory_space<vmem>>, vector<16xf32>,
          %mul3A_837 = arith.mulf %get3A_836, %gather3A_783 : vector<16xf32>
          %swap3A_838 = arith.index_cast %add3A_785 : i32 to index
          %swap3A_839 = arith.constant 112 : index
          %swap3A_840 = tpu.vector_load %arg12[%swap3A_838, %swap3A_839] {strides = array<i32>} : memref<48x128xf32, #tpu.memory_space<vmem>>, vector<16xf32>,
          tpu.vector_store %arg12[%swap3A_838, %swap3A_839], %mul3A_837 {strides = array<i32>} : memref<48x128xf32, #tpu.memory_space<vmem>>, vector<16xf32>,
          %scan3A_841 = arith.constant 0 : i32
          scf.yield %scan3A_841 : i32
        }
        %scan3A_542 = arith.constant 16 : i32
        %get3A_543 = arith.index_cast %add3A_516 : i32 to index
        %get3A_544 = arith.constant 32 : index
        %get3A_545 = tpu.vector_load %arg10[%get3A_543, %get3A_544] {strides = array<i32>} : memref<24x48xf32, #tpu.memory_space<vmem>>, vector<16xf32>,
        %scan3A_546 = arith.constant 0 : i32
        %scan3A_547 = arith.constant 0 : i32
        %scan3A_548 = arith.constant 16 : i32
        %scan3A_549 = arith.addi %scan3A_547, %scan3A_548 : i32
        %scan3A_550 = arith.constant 1 : i32
        %scan3A_551 = scf.for %scan3A_773 = %scan3A_547 to %scan3A_549 step %scan3A_550 iter_args(%scan3A_774 = %scan3A_546) -> (i32)  : i32 {
          %broadcast_in_dim3A_775 = vector.broadcast %scan3A_773 : i32 to vector<16xi32>
          %lt3A_776 = arith.constant 0 : i32
          %lt3A_777 = vector.broadcast %lt3A_776 : i32 to vector<16xi32>
          %lt3A_778 = arith.cmpi slt, %broadcast_in_dim3A_775, %lt3A_777 : vector<16xi32>
          %add3A_779 = arith.constant 16 : i32
          %add3A_780 = vector.broadcast %add3A_779 : i32 to vector<16xi32>
          %add3A_781 = arith.addi %broadcast_in_dim3A_775, %add3A_780 : vector<16xi32>
          %select_n3A = arith.select %lt3A_778, %add3A_781, %broadcast_in_dim3A_775 : vector<16xi1>, vector<16xi32>
          %broadcast_in_dim3A_782 = vector.shape_cast %select_n3A : vector<16xi32> to vector<16x1xi32>
          %gather3A = vector.shape_cast %broadcast_in_dim3A_782 : vector<16x1xi32> to vector<16xi32>
          %gather3A_783 = tpu.dynamic_gather %get3A_545[%gather3A] in [0] : vector<16xf32>, vector<16xi32> -> vector<16xf32>
          %add3A_784 = arith.constant 32 : i32
          %add3A_785 = arith.addi %add3A_784, %scan3A_773 : i32
          %get3A_786 = arith.index_cast %add3A_785 : i32 to index
          %get3A_787 = arith.constant 0 : index
          %get3A_788 = tpu.vector_load %arg12[%get3A_786, %get3A_787] {strides = array<i32>} : memref<48x128xf32, #tpu.memory_space<vmem>>, vector<16xf32>,
          %mul3A_789 = arith.mulf %get3A_788, %gather3A_783 : vector<16xf32>
          %swap3A = arith.index_cast %add3A_785 : i32 to index
          %swap3A_790 = arith.constant 0 : index
          %swap3A_791 = tpu.vector_load %arg12[%swap3A, %swap3A_790] {strides = array<i32>} : memref<48x128xf32, #tpu.memory_space<vmem>>, vector<16xf32>,
          tpu.vector_store %arg12[%swap3A, %swap3A_790], %mul3A_789 {strides = array<i32>} : memref<48x128xf32, #tpu.memory_space<vmem>>, vector<16xf32>,
          %get3A_792 = arith.index_cast %add3A_785 : i32 to index
          %get3A_793 = arith.constant 16 : index
          %get3A_794 = tpu.vector_load %arg12[%get3A_792, %get3A_793] {strides = array<i32>} : memref<48x128xf32, #tpu.memory_space<vmem>>, vector<16xf32>,
          %mul3A_795 = arith.mulf %get3A_794, %gather3A_783 : vector<16xf32>
          %swap3A_796 = arith.index_cast %add3A_785 : i32 to index
          %swap3A_797 = arith.constant 16 : index
          %swap3A_798 = tpu.vector_load %arg12[%swap3A_796, %swap3A_797] {strides = array<i32>} : memref<48x128xf32, #tpu.memory_space<vmem>>, vector<16xf32>,
          tpu.vector_store %arg12[%swap3A_796, %swap3A_797], %mul3A_795 {strides = array<i32>} : memref<48x128xf32, #tpu.memory_space<vmem>>, vector<16xf32>,
          %get3A_799 = arith.index_cast %add3A_785 : i32 to index
          %get3A_800 = arith.constant 32 : index
          %get3A_801 = tpu.vector_load %arg12[%get3A_799, %get3A_800] {strides = array<i32>} : memref<48x128xf32, #tpu.memory_space<vmem>>, vector<16xf32>,
          %mul3A_802 = arith.mulf %get3A_801, %gather3A_783 : vector<16xf32>
          %swap3A_803 = arith.index_cast %add3A_785 : i32 to index
          %swap3A_804 = arith.constant 32 : index
          %swap3A_805 = tpu.vector_load %arg12[%swap3A_803, %swap3A_804] {strides = array<i32>} : memref<48x128xf32, #tpu.memory_space<vmem>>, vector<16xf32>,
          tpu.vector_store %arg12[%swap3A_803, %swap3A_804], %mul3A_802 {strides = array<i32>} : memref<48x128xf32, #tpu.memory_space<vmem>>, vector<16xf32>,
          %get3A_806 = arith.index_cast %add3A_785 : i32 to index
          %get3A_807 = arith.constant 48 : index
          %get3A_808 = tpu.vector_load %arg12[%get3A_806, %get3A_807] {strides = array<i32>} : memref<48x128xf32, #tpu.memory_space<vmem>>, vector<16xf32>,
          %mul3A_809 = arith.mulf %get3A_808, %gather3A_783 : vector<16xf32>
          %swap3A_810 = arith.index_cast %add3A_785 : i32 to index
          %swap3A_811 = arith.constant 48 : index
          %swap3A_812 = tpu.vector_load %arg12[%swap3A_810, %swap3A_811] {strides = array<i32>} : memref<48x128xf32, #tpu.memory_space<vmem>>, vector<16xf32>,
          tpu.vector_store %arg12[%swap3A_810, %swap3A_811], %mul3A_809 {strides = array<i32>} : memref<48x128xf32, #tpu.memory_space<vmem>>, vector<16xf32>,
          %get3A_813 = arith.index_cast %add3A_785 : i32 to index
          %get3A_814 = arith.constant 64 : index
          %get3A_815 = tpu.vector_load %arg12[%get3A_813, %get3A_814] {strides = array<i32>} : memref<48x128xf32, #tpu.memory_space<vmem>>, vector<16xf32>,
          %mul3A_816 = arith.mulf %get3A_815, %gather3A_783 : vector<16xf32>
          %swap3A_817 = arith.index_cast %add3A_785 : i32 to index
          %swap3A_818 = arith.constant 64 : index
          %swap3A_819 = tpu.vector_load %arg12[%swap3A_817, %swap3A_818] {strides = array<i32>} : memref<48x128xf32, #tpu.memory_space<vmem>>, vector<16xf32>,
          tpu.vector_store %arg12[%swap3A_817, %swap3A_818], %mul3A_816 {strides = array<i32>} : memref<48x128xf32, #tpu.memory_space<vmem>>, vector<16xf32>,
          %get3A_820 = arith.index_cast %add3A_785 : i32 to index
          %get3A_821 = arith.constant 80 : index
          %get3A_822 = tpu.vector_load %arg12[%get3A_820, %get3A_821] {strides = array<i32>} : memref<48x128xf32, #tpu.memory_space<vmem>>, vector<16xf32>,
          %mul3A_823 = arith.mulf %get3A_822, %gather3A_783 : vector<16xf32>
          %swap3A_824 = arith.index_cast %add3A_785 : i32 to index
          %swap3A_825 = arith.constant 80 : index
          %swap3A_826 = tpu.vector_load %arg12[%swap3A_824, %swap3A_825] {strides = array<i32>} : memref<48x128xf32, #tpu.memory_space<vmem>>, vector<16xf32>,
          tpu.vector_store %arg12[%swap3A_824, %swap3A_825], %mul3A_823 {strides = array<i32>} : memref<48x128xf32, #tpu.memory_space<vmem>>, vector<16xf32>,
          %get3A_827 = arith.index_cast %add3A_785 : i32 to index
          %get3A_828 = arith.constant 96 : index
          %get3A_829 = tpu.vector_load %arg12[%get3A_827, %get3A_828] {strides = array<i32>} : memref<48x128xf32, #tpu.memory_space<vmem>>, vector<16xf32>,
          %mul3A_830 = arith.mulf %get3A_829, %gather3A_783 : vector<16xf32>
          %swap3A_831 = arith.index_cast %add3A_785 : i32 to index
          %swap3A_832 = arith.constant 96 : index
          %swap3A_833 = tpu.vector_load %arg12[%swap3A_831, %swap3A_832] {strides = array<i32>} : memref<48x128xf32, #tpu.memory_space<vmem>>, vector<16xf32>,
          tpu.vector_store %arg12[%swap3A_831, %swap3A_832], %mul3A_830 {strides = array<i32>} : memref<48x128xf32, #tpu.memory_space<vmem>>, vector<16xf32>,
          %get3A_834 = arith.index_cast %add3A_785 : i32 to index
          %get3A_835 = arith.constant 112 : index
          %get3A_836 = tpu.vector_load %arg12[%get3A_834, %get3A_835] {strides = array<i32>} : memref<48x128xf32, #tpu.memory_space<vmem>>, vector<16xf32>,
          %mul3A_837 = arith.mulf %get3A_836, %gather3A_783 : vector<16xf32>
          %swap3A_838 = arith.index_cast %add3A_785 : i32 to index
          %swap3A_839 = arith.constant 112 : index
          %swap3A_840 = tpu.vector_load %arg12[%swap3A_838, %swap3A_839] {strides = array<i32>} : memref<48x128xf32, #tpu.memory_space<vmem>>, vector<16xf32>,
          tpu.vector_store %arg12[%swap3A_838, %swap3A_839], %mul3A_837 {strides = array<i32>} : memref<48x128xf32, #tpu.memory_space<vmem>>, vector<16xf32>,
          %scan3A_841 = arith.constant 0 : i32
          scf.yield %scan3A_841 : i32
        }
        %scan3A_552 = arith.constant 16 : i32
        %dma_start3A_553 = arith.constant 0 : i32
        %dma_start3A_554 = tpu.memref_slice %arg9[%add3A_516, %dma_start3A_553] : memref<24x48xi32, #tpu.memory_space<vmem>> -> memref<1x48xi32, #tpu.memory_space<vmem>>
        %dma_start3A_555 = tpu.memref_squeeze %dma_start3A_554 : memref<1x48xi32, #tpu.memory_space<vmem>> -> memref<48xi32, #tpu.memory_space<vmem>>
        %dma_start3A_556 = arith.constant 0 : i32
        %dma_start3A_557 = arith.constant 0 : i32
        %dma_start3A_558 = tpu.memref_slice %arg16[%dma_start3A_556, %dma_start3A_557] : memref<10240x128xf32, #tpu.memory_space<vmem_shared>> -> memref<10240x128xf32, #tpu.memory_space<vmem_shared>>
        tpu.enqueue_indirect_dma source(%arg12 : memref<48x128xf32, #tpu.memory_space<vmem>>) target(%dma_start3A_558 : memref<10240x128xf32, #tpu.memory_space<vmem_shared>>) offsets(%dma_start3A_555 : memref<48xi32, #tpu.memory_space<vmem>>) semaphore(%arg21 : memref<!tpu.dma_semaphore, #tpu.memory_space<semaphore_mem>>) {add = true}
        %gt3A = arith.constant 0 : i32
        %gt3A_559 = arith.cmpi sgt, %scan3A_511, %gt3A : i32
        %convert_element_type3A = arith.extui %gt3A_559 : i1 to i32
        %cond3A = arith.constant 0 : i32
        %cond3A_560 = arith.cmpi ne, %convert_element_type3A, %cond3A : i32
        scf.if %cond3A_560 {
          %dma_wait3A_773 = arith.constant 0 : i32
          %dma_wait3A_774 = tpu.memref_slice %arg9[%add3A_516, %dma_wait3A_773] : memref<24x48xi32, #tpu.memory_space<vmem>> -> memref<1x48xi32, #tpu.memory_space<vmem>>
          %dma_wait3A_775 = tpu.memref_squeeze %dma_wait3A_774 : memref<1x48xi32, #tpu.memory_space<vmem>> -> memref<48xi32, #tpu.memory_space<vmem>>
          %dma_wait3A_776 = arith.constant 0 : i32
          %dma_wait3A_777 = arith.constant 0 : i32
          %dma_wait3A_778 = tpu.memref_slice %arg16[%dma_wait3A_776, %dma_wait3A_777] : memref<10240x128xf32, #tpu.memory_space<vmem_shared>> -> memref<10240x128xf32, #tpu.memory_space<vmem_shared>>
          tpu.wait_indirect_dma semaphore(%arg23 : memref<!tpu.dma_semaphore, #tpu.memory_space<semaphore_mem>>) src(%arg14 : memref<48x128xf32, #tpu.memory_space<vmem>>) dst(%dma_wait3A_778 : memref<10240x128xf32, #tpu.memory_space<vmem_shared>>)
        } else {
        }
        %add3A_561 = arith.constant 2 : i32
        %add3A_562 = arith.addi %add3A_516, %add3A_561 : i32
        %dma_start3A_563 = arith.constant 0 : i32
        %dma_start3A_564 = tpu.memref_slice %arg8[%add3A_562, %dma_start3A_563] : memref<24x48xi32, #tpu.memory_space<vmem>> -> memref<1x48xi32, #tpu.memory_space<vmem>>
        %dma_start3A_565 = tpu.memref_squeeze %dma_start3A_564 : memref<1x48xi32, #tpu.memory_space<vmem>> -> memref<48xi32, #tpu.memory_space<vmem>>
        %dma_start3A_566 = arith.constant 0 : i32
        %dma_start3A_567 = arith.constant 0 : i32
        %dma_start3A_568 = tpu.memref_slice %arg2[%dma_start3A_566, %dma_start3A_567] : memref<10000x128xf32, #tpu.memory_space<hbm>> -> memref<10000x128xf32, #tpu.memory_space<hbm>>
        tpu.enqueue_indirect_dma source(%dma_start3A_568 : memref<10000x128xf32, #tpu.memory_space<hbm>>) target(%arg14 : memref<48x128xf32, #tpu.memory_space<vmem>>) offsets(%dma_start3A_565 : memref<48xi32, #tpu.memory_space<vmem>>) semaphore(%arg19 : memref<!tpu.dma_semaphore, #tpu.memory_space<semaphore_mem>>)
        %scan3A_569 = arith.constant 0 : i32
        %scan3A_570 = arith.constant 0 : i32
        %scan3A_571 = arith.constant 3 : i32
        %scan3A_572 = arith.addi %scan3A_570, %scan3A_571 : i32
        %scan3A_573 = arith.constant 1 : i32
        %scan3A_574 = scf.for %scan3A_773 = %scan3A_570 to %scan3A_572 step %scan3A_573 iter_args(%scan3A_774 = %scan3A_569) -> (i32)  : i32 {
          %mul3A_775 = arith.constant 16 : i32
          %mul3A_776 = arith.muli %scan3A_773, %mul3A_775 : i32
          %get3A_777 = arith.index_cast %add3A_516 : i32 to index
          %get3A_778 = arith.index_cast %mul3A_776 : i32 to index
          %get3A_779 = tpu.vector_load %arg9[%get3A_777, %get3A_778] {strides = array<i32>} : memref<24x48xi32, #tpu.memory_space<vmem>>, vector<16xi32>,
          tpu.vector_store_idx %arg11[%get3A_779], %broadcast_in_dim3A_460 {add = true} : memref<10240xf32, #tpu.memory_space<vmem>>[vector<16xi32>], vector<16xf32>,
          %scan3A_780 = arith.constant 0 : i32
          scf.yield %scan3A_780 : i32
        }
        %scan3A_575 = arith.constant 3 : i32
        %mul3A_576 = arith.constant 4 : i32
        %mul3A_577 = arith.muli %scan3A_511, %mul3A_576 : i32
        %add3A_578 = arith.constant 1 : i32
        %add3A_579 = arith.addi %mul3A_577, %add3A_578 : i32
        %dma_wait3A_580 = arith.constant 0 : i32
        %dma_wait3A_581 = arith.constant 0 : i32
        %dma_wait3A_582 = tpu.memref_slice %arg8[%dma_wait3A_580, %dma_wait3A_581] : memref<24x48xi32, #tpu.memory_space<vmem>> -> memref<1x48xi32, #tpu.memory_space<vmem>>
        %dma_wait3A_583 = tpu.memref_squeeze %dma_wait3A_582 : memref<1x48xi32, #tpu.memory_space<vmem>> -> memref<48xi32, #tpu.memory_space<vmem>>
        %dma_wait3A_584 = arith.constant 0 : i32
        %dma_wait3A_585 = arith.constant 0 : i32
        %dma_wait3A_586 = tpu.memref_slice %arg2[%dma_wait3A_584, %dma_wait3A_585] : memref<10000x128xf32, #tpu.memory_space<hbm>> -> memref<10000x128xf32, #tpu.memory_space<hbm>>
        tpu.wait_indirect_dma semaphore(%arg18 : memref<!tpu.dma_semaphore, #tpu.memory_space<semaphore_mem>>) src(%dma_wait3A_586 : memref<10000x128xf32, #tpu.memory_space<hbm>>) dst(%arg13 : memref<48x128xf32, #tpu.memory_space<vmem>>)
        %get3A_587 = arith.index_cast %add3A_579 : i32 to index
        %get3A_588 = arith.constant 0 : index
        %get3A_589 = tpu.vector_load %arg10[%get3A_587, %get3A_588] {strides = array<i32>} : memref<24x48xf32, #tpu.memory_space<vmem>>, vector<16xf32>,
        %scan3A_590 = arith.constant 0 : i32
        %scan3A_591 = arith.constant 0 : i32
        %scan3A_592 = arith.constant 16 : i32
        %scan3A_593 = arith.addi %scan3A_591, %scan3A_592 : i32
        %scan3A_594 = arith.constant 1 : i32
        %scan3A_595 = scf.for %scan3A_773 = %scan3A_591 to %scan3A_593 step %scan3A_594 iter_args(%scan3A_774 = %scan3A_590) -> (i32)  : i32 {
          %broadcast_in_dim3A_775 = vector.broadcast %scan3A_773 : i32 to vector<16xi32>
          %lt3A_776 = arith.constant 0 : i32
          %lt3A_777 = vector.broadcast %lt3A_776 : i32 to vector<16xi32>
          %lt3A_778 = arith.cmpi slt, %broadcast_in_dim3A_775, %lt3A_777 : vector<16xi32>
          %add3A_779 = arith.constant 16 : i32
          %add3A_780 = vector.broadcast %add3A_779 : i32 to vector<16xi32>
          %add3A_781 = arith.addi %broadcast_in_dim3A_775, %add3A_780 : vector<16xi32>
          %select_n3A = arith.select %lt3A_778, %add3A_781, %broadcast_in_dim3A_775 : vector<16xi1>, vector<16xi32>
          %broadcast_in_dim3A_782 = vector.shape_cast %select_n3A : vector<16xi32> to vector<16x1xi32>
          %gather3A = vector.shape_cast %broadcast_in_dim3A_782 : vector<16x1xi32> to vector<16xi32>
          %gather3A_783 = tpu.dynamic_gather %get3A_589[%gather3A] in [0] : vector<16xf32>, vector<16xi32> -> vector<16xf32>
          %add3A_784 = arith.constant 0 : i32
          %add3A_785 = arith.addi %add3A_784, %scan3A_773 : i32
          %get3A_786 = arith.index_cast %add3A_785 : i32 to index
          %get3A_787 = arith.constant 0 : index
          %get3A_788 = tpu.vector_load %arg13[%get3A_786, %get3A_787] {strides = array<i32>} : memref<48x128xf32, #tpu.memory_space<vmem>>, vector<16xf32>,
          %mul3A_789 = arith.mulf %get3A_788, %gather3A_783 : vector<16xf32>
          %swap3A = arith.index_cast %add3A_785 : i32 to index
          %swap3A_790 = arith.constant 0 : index
          %swap3A_791 = tpu.vector_load %arg13[%swap3A, %swap3A_790] {strides = array<i32>} : memref<48x128xf32, #tpu.memory_space<vmem>>, vector<16xf32>,
          tpu.vector_store %arg13[%swap3A, %swap3A_790], %mul3A_789 {strides = array<i32>} : memref<48x128xf32, #tpu.memory_space<vmem>>, vector<16xf32>,
          %get3A_792 = arith.index_cast %add3A_785 : i32 to index
          %get3A_793 = arith.constant 16 : index
          %get3A_794 = tpu.vector_load %arg13[%get3A_792, %get3A_793] {strides = array<i32>} : memref<48x128xf32, #tpu.memory_space<vmem>>, vector<16xf32>,
          %mul3A_795 = arith.mulf %get3A_794, %gather3A_783 : vector<16xf32>
          %swap3A_796 = arith.index_cast %add3A_785 : i32 to index
          %swap3A_797 = arith.constant 16 : index
          %swap3A_798 = tpu.vector_load %arg13[%swap3A_796, %swap3A_797] {strides = array<i32>} : memref<48x128xf32, #tpu.memory_space<vmem>>, vector<16xf32>,
          tpu.vector_store %arg13[%swap3A_796, %swap3A_797], %mul3A_795 {strides = array<i32>} : memref<48x128xf32, #tpu.memory_space<vmem>>, vector<16xf32>,
          %get3A_799 = arith.index_cast %add3A_785 : i32 to index
          %get3A_800 = arith.constant 32 : index
          %get3A_801 = tpu.vector_load %arg13[%get3A_799, %get3A_800] {strides = array<i32>} : memref<48x128xf32, #tpu.memory_space<vmem>>, vector<16xf32>,
          %mul3A_802 = arith.mulf %get3A_801, %gather3A_783 : vector<16xf32>
          %swap3A_803 = arith.index_cast %add3A_785 : i32 to index
          %swap3A_804 = arith.constant 32 : index
          %swap3A_805 = tpu.vector_load %arg13[%swap3A_803, %swap3A_804] {strides = array<i32>} : memref<48x128xf32, #tpu.memory_space<vmem>>, vector<16xf32>,
          tpu.vector_store %arg13[%swap3A_803, %swap3A_804], %mul3A_802 {strides = array<i32>} : memref<48x128xf32, #tpu.memory_space<vmem>>, vector<16xf32>,
          %get3A_806 = arith.index_cast %add3A_785 : i32 to index
          %get3A_807 = arith.constant 48 : index
          %get3A_808 = tpu.vector_load %arg13[%get3A_806, %get3A_807] {strides = array<i32>} : memref<48x128xf32, #tpu.memory_space<vmem>>, vector<16xf32>,
          %mul3A_809 = arith.mulf %get3A_808, %gather3A_783 : vector<16xf32>
          %swap3A_810 = arith.index_cast %add3A_785 : i32 to index
          %swap3A_811 = arith.constant 48 : index
          %swap3A_812 = tpu.vector_load %arg13[%swap3A_810, %swap3A_811] {strides = array<i32>} : memref<48x128xf32, #tpu.memory_space<vmem>>, vector<16xf32>,
          tpu.vector_store %arg13[%swap3A_810, %swap3A_811], %mul3A_809 {strides = array<i32>} : memref<48x128xf32, #tpu.memory_space<vmem>>, vector<16xf32>,
          %get3A_813 = arith.index_cast %add3A_785 : i32 to index
          %get3A_814 = arith.constant 64 : index
          %get3A_815 = tpu.vector_load %arg13[%get3A_813, %get3A_814] {strides = array<i32>} : memref<48x128xf32, #tpu.memory_space<vmem>>, vector<16xf32>,
          %mul3A_816 = arith.mulf %get3A_815, %gather3A_783 : vector<16xf32>
          %swap3A_817 = arith.index_cast %add3A_785 : i32 to index
          %swap3A_818 = arith.constant 64 : index
          %swap3A_819 = tpu.vector_load %arg13[%swap3A_817, %swap3A_818] {strides = array<i32>} : memref<48x128xf32, #tpu.memory_space<vmem>>, vector<16xf32>,
          tpu.vector_store %arg13[%swap3A_817, %swap3A_818], %mul3A_816 {strides = array<i32>} : memref<48x128xf32, #tpu.memory_space<vmem>>, vector<16xf32>,
          %get3A_820 = arith.index_cast %add3A_785 : i32 to index
          %get3A_821 = arith.constant 80 : index
          %get3A_822 = tpu.vector_load %arg13[%get3A_820, %get3A_821] {strides = array<i32>} : memref<48x128xf32, #tpu.memory_space<vmem>>, vector<16xf32>,
          %mul3A_823 = arith.mulf %get3A_822, %gather3A_783 : vector<16xf32>
          %swap3A_824 = arith.index_cast %add3A_785 : i32 to index
          %swap3A_825 = arith.constant 80 : index
          %swap3A_826 = tpu.vector_load %arg13[%swap3A_824, %swap3A_825] {strides = array<i32>} : memref<48x128xf32, #tpu.memory_space<vmem>>, vector<16xf32>,
          tpu.vector_store %arg13[%swap3A_824, %swap3A_825], %mul3A_823 {strides = array<i32>} : memref<48x128xf32, #tpu.memory_space<vmem>>, vector<16xf32>,
          %get3A_827 = arith.index_cast %add3A_785 : i32 to index
          %get3A_828 = arith.constant 96 : index
          %get3A_829 = tpu.vector_load %arg13[%get3A_827, %get3A_828] {strides = array<i32>} : memref<48x128xf32, #tpu.memory_space<vmem>>, vector<16xf32>,
          %mul3A_830 = arith.mulf %get3A_829, %gather3A_783 : vector<16xf32>
          %swap3A_831 = arith.index_cast %add3A_785 : i32 to index
          %swap3A_832 = arith.constant 96 : index
          %swap3A_833 = tpu.vector_load %arg13[%swap3A_831, %swap3A_832] {strides = array<i32>} : memref<48x128xf32, #tpu.memory_space<vmem>>, vector<16xf32>,
          tpu.vector_store %arg13[%swap3A_831, %swap3A_832], %mul3A_830 {strides = array<i32>} : memref<48x128xf32, #tpu.memory_space<vmem>>, vector<16xf32>,
          %get3A_834 = arith.index_cast %add3A_785 : i32 to index
          %get3A_835 = arith.constant 112 : index
          %get3A_836 = tpu.vector_load %arg13[%get3A_834, %get3A_835] {strides = array<i32>} : memref<48x128xf32, #tpu.memory_space<vmem>>, vector<16xf32>,
          %mul3A_837 = arith.mulf %get3A_836, %gather3A_783 : vector<16xf32>
          %swap3A_838 = arith.index_cast %add3A_785 : i32 to index
          %swap3A_839 = arith.constant 112 : index
          %swap3A_840 = tpu.vector_load %arg13[%swap3A_838, %swap3A_839] {strides = array<i32>} : memref<48x128xf32, #tpu.memory_space<vmem>>, vector<16xf32>,
          tpu.vector_store %arg13[%swap3A_838, %swap3A_839], %mul3A_837 {strides = array<i32>} : memref<48x128xf32, #tpu.memory_space<vmem>>, vector<16xf32>,
          %scan3A_841 = arith.constant 0 : i32
          scf.yield %scan3A_841 : i32
        }
        %scan3A_596 = arith.constant 16 : i32
        %get3A_597 = arith.index_cast %add3A_579 : i32 to index
        %get3A_598 = arith.constant 16 : index
        %get3A_599 = tpu.vector_load %arg10[%get3A_597, %get3A_598] {strides = array<i32>} : memref<24x48xf32, #tpu.memory_space<vmem>>, vector<16xf32>,
        %scan3A_600 = arith.constant 0 : i32
        %scan3A_601 = arith.constant 0 : i32
        %scan3A_602 = arith.constant 16 : i32
        %scan3A_603 = arith.addi %scan3A_601, %scan3A_602 : i32
        %scan3A_604 = arith.constant 1 : i32
        %scan3A_605 = scf.for %scan3A_773 = %scan3A_601 to %scan3A_603 step %scan3A_604 iter_args(%scan3A_774 = %scan3A_600) -> (i32)  : i32 {
          %broadcast_in_dim3A_775 = vector.broadcast %scan3A_773 : i32 to vector<16xi32>
          %lt3A_776 = arith.constant 0 : i32
          %lt3A_777 = vector.broadcast %lt3A_776 : i32 to vector<16xi32>
          %lt3A_778 = arith.cmpi slt, %broadcast_in_dim3A_775, %lt3A_777 : vector<16xi32>
          %add3A_779 = arith.constant 16 : i32
          %add3A_780 = vector.broadcast %add3A_779 : i32 to vector<16xi32>
          %add3A_781 = arith.addi %broadcast_in_dim3A_775, %add3A_780 : vector<16xi32>
          %select_n3A = arith.select %lt3A_778, %add3A_781, %broadcast_in_dim3A_775 : vector<16xi1>, vector<16xi32>
          %broadcast_in_dim3A_782 = vector.shape_cast %select_n3A : vector<16xi32> to vector<16x1xi32>
          %gather3A = vector.shape_cast %broadcast_in_dim3A_782 : vector<16x1xi32> to vector<16xi32>
          %gather3A_783 = tpu.dynamic_gather %get3A_599[%gather3A] in [0] : vector<16xf32>, vector<16xi32> -> vector<16xf32>
          %add3A_784 = arith.constant 16 : i32
          %add3A_785 = arith.addi %add3A_784, %scan3A_773 : i32
          %get3A_786 = arith.index_cast %add3A_785 : i32 to index
          %get3A_787 = arith.constant 0 : index
          %get3A_788 = tpu.vector_load %arg13[%get3A_786, %get3A_787] {strides = array<i32>} : memref<48x128xf32, #tpu.memory_space<vmem>>, vector<16xf32>,
          %mul3A_789 = arith.mulf %get3A_788, %gather3A_783 : vector<16xf32>
          %swap3A = arith.index_cast %add3A_785 : i32 to index
          %swap3A_790 = arith.constant 0 : index
          %swap3A_791 = tpu.vector_load %arg13[%swap3A, %swap3A_790] {strides = array<i32>} : memref<48x128xf32, #tpu.memory_space<vmem>>, vector<16xf32>,
          tpu.vector_store %arg13[%swap3A, %swap3A_790], %mul3A_789 {strides = array<i32>} : memref<48x128xf32, #tpu.memory_space<vmem>>, vector<16xf32>,
          %get3A_792 = arith.index_cast %add3A_785 : i32 to index
          %get3A_793 = arith.constant 16 : index
          %get3A_794 = tpu.vector_load %arg13[%get3A_792, %get3A_793] {strides = array<i32>} : memref<48x128xf32, #tpu.memory_space<vmem>>, vector<16xf32>,
          %mul3A_795 = arith.mulf %get3A_794, %gather3A_783 : vector<16xf32>
          %swap3A_796 = arith.index_cast %add3A_785 : i32 to index
          %swap3A_797 = arith.constant 16 : index
          %swap3A_798 = tpu.vector_load %arg13[%swap3A_796, %swap3A_797] {strides = array<i32>} : memref<48x128xf32, #tpu.memory_space<vmem>>, vector<16xf32>,
          tpu.vector_store %arg13[%swap3A_796, %swap3A_797], %mul3A_795 {strides = array<i32>} : memref<48x128xf32, #tpu.memory_space<vmem>>, vector<16xf32>,
          %get3A_799 = arith.index_cast %add3A_785 : i32 to index
          %get3A_800 = arith.constant 32 : index
          %get3A_801 = tpu.vector_load %arg13[%get3A_799, %get3A_800] {strides = array<i32>} : memref<48x128xf32, #tpu.memory_space<vmem>>, vector<16xf32>,
          %mul3A_802 = arith.mulf %get3A_801, %gather3A_783 : vector<16xf32>
          %swap3A_803 = arith.index_cast %add3A_785 : i32 to index
          %swap3A_804 = arith.constant 32 : index
          %swap3A_805 = tpu.vector_load %arg13[%swap3A_803, %swap3A_804] {strides = array<i32>} : memref<48x128xf32, #tpu.memory_space<vmem>>, vector<16xf32>,
          tpu.vector_store %arg13[%swap3A_803, %swap3A_804], %mul3A_802 {strides = array<i32>} : memref<48x128xf32, #tpu.memory_space<vmem>>, vector<16xf32>,
          %get3A_806 = arith.index_cast %add3A_785 : i32 to index
          %get3A_807 = arith.constant 48 : index
          %get3A_808 = tpu.vector_load %arg13[%get3A_806, %get3A_807] {strides = array<i32>} : memref<48x128xf32, #tpu.memory_space<vmem>>, vector<16xf32>,
          %mul3A_809 = arith.mulf %get3A_808, %gather3A_783 : vector<16xf32>
          %swap3A_810 = arith.index_cast %add3A_785 : i32 to index
          %swap3A_811 = arith.constant 48 : index
          %swap3A_812 = tpu.vector_load %arg13[%swap3A_810, %swap3A_811] {strides = array<i32>} : memref<48x128xf32, #tpu.memory_space<vmem>>, vector<16xf32>,
          tpu.vector_store %arg13[%swap3A_810, %swap3A_811], %mul3A_809 {strides = array<i32>} : memref<48x128xf32, #tpu.memory_space<vmem>>, vector<16xf32>,
          %get3A_813 = arith.index_cast %add3A_785 : i32 to index
          %get3A_814 = arith.constant 64 : index
          %get3A_815 = tpu.vector_load %arg13[%get3A_813, %get3A_814] {strides = array<i32>} : memref<48x128xf32, #tpu.memory_space<vmem>>, vector<16xf32>,
          %mul3A_816 = arith.mulf %get3A_815, %gather3A_783 : vector<16xf32>
          %swap3A_817 = arith.index_cast %add3A_785 : i32 to index
          %swap3A_818 = arith.constant 64 : index
          %swap3A_819 = tpu.vector_load %arg13[%swap3A_817, %swap3A_818] {strides = array<i32>} : memref<48x128xf32, #tpu.memory_space<vmem>>, vector<16xf32>,
          tpu.vector_store %arg13[%swap3A_817, %swap3A_818], %mul3A_816 {strides = array<i32>} : memref<48x128xf32, #tpu.memory_space<vmem>>, vector<16xf32>,
          %get3A_820 = arith.index_cast %add3A_785 : i32 to index
          %get3A_821 = arith.constant 80 : index
          %get3A_822 = tpu.vector_load %arg13[%get3A_820, %get3A_821] {strides = array<i32>} : memref<48x128xf32, #tpu.memory_space<vmem>>, vector<16xf32>,
          %mul3A_823 = arith.mulf %get3A_822, %gather3A_783 : vector<16xf32>
          %swap3A_824 = arith.index_cast %add3A_785 : i32 to index
          %swap3A_825 = arith.constant 80 : index
          %swap3A_826 = tpu.vector_load %arg13[%swap3A_824, %swap3A_825] {strides = array<i32>} : memref<48x128xf32, #tpu.memory_space<vmem>>, vector<16xf32>,
          tpu.vector_store %arg13[%swap3A_824, %swap3A_825], %mul3A_823 {strides = array<i32>} : memref<48x128xf32, #tpu.memory_space<vmem>>, vector<16xf32>,
          %get3A_827 = arith.index_cast %add3A_785 : i32 to index
          %get3A_828 = arith.constant 96 : index
          %get3A_829 = tpu.vector_load %arg13[%get3A_827, %get3A_828] {strides = array<i32>} : memref<48x128xf32, #tpu.memory_space<vmem>>, vector<16xf32>,
          %mul3A_830 = arith.mulf %get3A_829, %gather3A_783 : vector<16xf32>
          %swap3A_831 = arith.index_cast %add3A_785 : i32 to index
          %swap3A_832 = arith.constant 96 : index
          %swap3A_833 = tpu.vector_load %arg13[%swap3A_831, %swap3A_832] {strides = array<i32>} : memref<48x128xf32, #tpu.memory_space<vmem>>, vector<16xf32>,
          tpu.vector_store %arg13[%swap3A_831, %swap3A_832], %mul3A_830 {strides = array<i32>} : memref<48x128xf32, #tpu.memory_space<vmem>>, vector<16xf32>,
          %get3A_834 = arith.index_cast %add3A_785 : i32 to index
          %get3A_835 = arith.constant 112 : index
          %get3A_836 = tpu.vector_load %arg13[%get3A_834, %get3A_835] {strides = array<i32>} : memref<48x128xf32, #tpu.memory_space<vmem>>, vector<16xf32>,
          %mul3A_837 = arith.mulf %get3A_836, %gather3A_783 : vector<16xf32>
          %swap3A_838 = arith.index_cast %add3A_785 : i32 to index
          %swap3A_839 = arith.constant 112 : index
          %swap3A_840 = tpu.vector_load %arg13[%swap3A_838, %swap3A_839] {strides = array<i32>} : memref<48x128xf32, #tpu.memory_space<vmem>>, vector<16xf32>,
          tpu.vector_store %arg13[%swap3A_838, %swap3A_839], %mul3A_837 {strides = array<i32>} : memref<48x128xf32, #tpu.memory_space<vmem>>, vector<16xf32>,
          %scan3A_841 = arith.constant 0 : i32
          scf.yield %scan3A_841 : i32
        }
        %scan3A_606 = arith.constant 16 : i32
        %get3A_607 = arith.index_cast %add3A_579 : i32 to index
        %get3A_608 = arith.constant 32 : index
        %get3A_609 = tpu.vector_load %arg10[%get3A_607, %get3A_608] {strides = array<i32>} : memref<24x48xf32, #tpu.memory_space<vmem>>, vector<16xf32>,
        %scan3A_610 = arith.constant 0 : i32
        %scan3A_611 = arith.constant 0 : i32
        %scan3A_612 = arith.constant 16 : i32
        %scan3A_613 = arith.addi %scan3A_611, %scan3A_612 : i32
        %scan3A_614 = arith.constant 1 : i32
        %scan3A_615 = scf.for %scan3A_773 = %scan3A_611 to %scan3A_613 step %scan3A_614 iter_args(%scan3A_774 = %scan3A_610) -> (i32)  : i32 {
          %broadcast_in_dim3A_775 = vector.broadcast %scan3A_773 : i32 to vector<16xi32>
          %lt3A_776 = arith.constant 0 : i32
          %lt3A_777 = vector.broadcast %lt3A_776 : i32 to vector<16xi32>
          %lt3A_778 = arith.cmpi slt, %broadcast_in_dim3A_775, %lt3A_777 : vector<16xi32>
          %add3A_779 = arith.constant 16 : i32
          %add3A_780 = vector.broadcast %add3A_779 : i32 to vector<16xi32>
          %add3A_781 = arith.addi %broadcast_in_dim3A_775, %add3A_780 : vector<16xi32>
          %select_n3A = arith.select %lt3A_778, %add3A_781, %broadcast_in_dim3A_775 : vector<16xi1>, vector<16xi32>
          %broadcast_in_dim3A_782 = vector.shape_cast %select_n3A : vector<16xi32> to vector<16x1xi32>
          %gather3A = vector.shape_cast %broadcast_in_dim3A_782 : vector<16x1xi32> to vector<16xi32>
          %gather3A_783 = tpu.dynamic_gather %get3A_609[%gather3A] in [0] : vector<16xf32>, vector<16xi32> -> vector<16xf32>
          %add3A_784 = arith.constant 32 : i32
          %add3A_785 = arith.addi %add3A_784, %scan3A_773 : i32
          %get3A_786 = arith.index_cast %add3A_785 : i32 to index
          %get3A_787 = arith.constant 0 : index
          %get3A_788 = tpu.vector_load %arg13[%get3A_786, %get3A_787] {strides = array<i32>} : memref<48x128xf32, #tpu.memory_space<vmem>>, vector<16xf32>,
          %mul3A_789 = arith.mulf %get3A_788, %gather3A_783 : vector<16xf32>
          %swap3A = arith.index_cast %add3A_785 : i32 to index
          %swap3A_790 = arith.constant 0 : index
          %swap3A_791 = tpu.vector_load %arg13[%swap3A, %swap3A_790] {strides = array<i32>} : memref<48x128xf32, #tpu.memory_space<vmem>>, vector<16xf32>,
          tpu.vector_store %arg13[%swap3A, %swap3A_790], %mul3A_789 {strides = array<i32>} : memref<48x128xf32, #tpu.memory_space<vmem>>, vector<16xf32>,
          %get3A_792 = arith.index_cast %add3A_785 : i32 to index
          %get3A_793 = arith.constant 16 : index
          %get3A_794 = tpu.vector_load %arg13[%get3A_792, %get3A_793] {strides = array<i32>} : memref<48x128xf32, #tpu.memory_space<vmem>>, vector<16xf32>,
          %mul3A_795 = arith.mulf %get3A_794, %gather3A_783 : vector<16xf32>
          %swap3A_796 = arith.index_cast %add3A_785 : i32 to index
          %swap3A_797 = arith.constant 16 : index
          %swap3A_798 = tpu.vector_load %arg13[%swap3A_796, %swap3A_797] {strides = array<i32>} : memref<48x128xf32, #tpu.memory_space<vmem>>, vector<16xf32>,
          tpu.vector_store %arg13[%swap3A_796, %swap3A_797], %mul3A_795 {strides = array<i32>} : memref<48x128xf32, #tpu.memory_space<vmem>>, vector<16xf32>,
          %get3A_799 = arith.index_cast %add3A_785 : i32 to index
          %get3A_800 = arith.constant 32 : index
          %get3A_801 = tpu.vector_load %arg13[%get3A_799, %get3A_800] {strides = array<i32>} : memref<48x128xf32, #tpu.memory_space<vmem>>, vector<16xf32>,
          %mul3A_802 = arith.mulf %get3A_801, %gather3A_783 : vector<16xf32>
          %swap3A_803 = arith.index_cast %add3A_785 : i32 to index
          %swap3A_804 = arith.constant 32 : index
          %swap3A_805 = tpu.vector_load %arg13[%swap3A_803, %swap3A_804] {strides = array<i32>} : memref<48x128xf32, #tpu.memory_space<vmem>>, vector<16xf32>,
          tpu.vector_store %arg13[%swap3A_803, %swap3A_804], %mul3A_802 {strides = array<i32>} : memref<48x128xf32, #tpu.memory_space<vmem>>, vector<16xf32>,
          %get3A_806 = arith.index_cast %add3A_785 : i32 to index
          %get3A_807 = arith.constant 48 : index
          %get3A_808 = tpu.vector_load %arg13[%get3A_806, %get3A_807] {strides = array<i32>} : memref<48x128xf32, #tpu.memory_space<vmem>>, vector<16xf32>,
          %mul3A_809 = arith.mulf %get3A_808, %gather3A_783 : vector<16xf32>
          %swap3A_810 = arith.index_cast %add3A_785 : i32 to index
          %swap3A_811 = arith.constant 48 : index
          %swap3A_812 = tpu.vector_load %arg13[%swap3A_810, %swap3A_811] {strides = array<i32>} : memref<48x128xf32, #tpu.memory_space<vmem>>, vector<16xf32>,
          tpu.vector_store %arg13[%swap3A_810, %swap3A_811], %mul3A_809 {strides = array<i32>} : memref<48x128xf32, #tpu.memory_space<vmem>>, vector<16xf32>,
          %get3A_813 = arith.index_cast %add3A_785 : i32 to index
          %get3A_814 = arith.constant 64 : index
          %get3A_815 = tpu.vector_load %arg13[%get3A_813, %get3A_814] {strides = array<i32>} : memref<48x128xf32, #tpu.memory_space<vmem>>, vector<16xf32>,
          %mul3A_816 = arith.mulf %get3A_815, %gather3A_783 : vector<16xf32>
          %swap3A_817 = arith.index_cast %add3A_785 : i32 to index
          %swap3A_818 = arith.constant 64 : index
          %swap3A_819 = tpu.vector_load %arg13[%swap3A_817, %swap3A_818] {strides = array<i32>} : memref<48x128xf32, #tpu.memory_space<vmem>>, vector<16xf32>,
          tpu.vector_store %arg13[%swap3A_817, %swap3A_818], %mul3A_816 {strides = array<i32>} : memref<48x128xf32, #tpu.memory_space<vmem>>, vector<16xf32>,
          %get3A_820 = arith.index_cast %add3A_785 : i32 to index
          %get3A_821 = arith.constant 80 : index
          %get3A_822 = tpu.vector_load %arg13[%get3A_820, %get3A_821] {strides = array<i32>} : memref<48x128xf32, #tpu.memory_space<vmem>>, vector<16xf32>,
          %mul3A_823 = arith.mulf %get3A_822, %gather3A_783 : vector<16xf32>
          %swap3A_824 = arith.index_cast %add3A_785 : i32 to index
          %swap3A_825 = arith.constant 80 : index
          %swap3A_826 = tpu.vector_load %arg13[%swap3A_824, %swap3A_825] {strides = array<i32>} : memref<48x128xf32, #tpu.memory_space<vmem>>, vector<16xf32>,
          tpu.vector_store %arg13[%swap3A_824, %swap3A_825], %mul3A_823 {strides = array<i32>} : memref<48x128xf32, #tpu.memory_space<vmem>>, vector<16xf32>,
          %get3A_827 = arith.index_cast %add3A_785 : i32 to index
          %get3A_828 = arith.constant 96 : index
          %get3A_829 = tpu.vector_load %arg13[%get3A_827, %get3A_828] {strides = array<i32>} : memref<48x128xf32, #tpu.memory_space<vmem>>, vector<16xf32>,
          %mul3A_830 = arith.mulf %get3A_829, %gather3A_783 : vector<16xf32>
          %swap3A_831 = arith.index_cast %add3A_785 : i32 to index
          %swap3A_832 = arith.constant 96 : index
          %swap3A_833 = tpu.vector_load %arg13[%swap3A_831, %swap3A_832] {strides = array<i32>} : memref<48x128xf32, #tpu.memory_space<vmem>>, vector<16xf32>,
          tpu.vector_store %arg13[%swap3A_831, %swap3A_832], %mul3A_830 {strides = array<i32>} : memref<48x128xf32, #tpu.memory_space<vmem>>, vector<16xf32>,
          %get3A_834 = arith.index_cast %add3A_785 : i32 to index
          %get3A_835 = arith.constant 112 : index
          %get3A_836 = tpu.vector_load %arg13[%get3A_834, %get3A_835] {strides = array<i32>} : memref<48x128xf32, #tpu.memory_space<vmem>>, vector<16xf32>,
          %mul3A_837 = arith.mulf %get3A_836, %gather3A_783 : vector<16xf32>
          %swap3A_838 = arith.index_cast %add3A_785 : i32 to index
          %swap3A_839 = arith.constant 112 : index
          %swap3A_840 = tpu.vector_load %arg13[%swap3A_838, %swap3A_839] {strides = array<i32>} : memref<48x128xf32, #tpu.memory_space<vmem>>, vector<16xf32>,
          tpu.vector_store %arg13[%swap3A_838, %swap3A_839], %mul3A_837 {strides = array<i32>} : memref<48x128xf32, #tpu.memory_space<vmem>>, vector<16xf32>,
          %scan3A_841 = arith.constant 0 : i32
          scf.yield %scan3A_841 : i32
        }
        %scan3A_616 = arith.constant 16 : i32
        %dma_start3A_617 = arith.constant 0 : i32
        %dma_start3A_618 = tpu.memref_slice %arg9[%add3A_579, %dma_start3A_617] : memref<24x48xi32, #tpu.memory_space<vmem>> -> memref<1x48xi32, #tpu.memory_space<vmem>>
        %dma_start3A_619 = tpu.memref_squeeze %dma_start3A_618 : memref<1x48xi32, #tpu.memory_space<vmem>> -> memref<48xi32, #tpu.memory_space<vmem>>
        %dma_start3A_620 = arith.constant 0 : i32
        %dma_start3A_621 = arith.constant 0 : i32
        %dma_start3A_622 = tpu.memref_slice %arg16[%dma_start3A_620, %dma_start3A_621] : memref<10240x128xf32, #tpu.memory_space<vmem_shared>> -> memref<10240x128xf32, #tpu.memory_space<vmem_shared>>
        tpu.enqueue_indirect_dma source(%arg13 : memref<48x128xf32, #tpu.memory_space<vmem>>) target(%dma_start3A_622 : memref<10240x128xf32, #tpu.memory_space<vmem_shared>>) offsets(%dma_start3A_619 : memref<48xi32, #tpu.memory_space<vmem>>) semaphore(%arg22 : memref<!tpu.dma_semaphore, #tpu.memory_space<semaphore_mem>>) {add = true}
        %gt3A_623 = arith.constant 0 : i32
        %gt3A_624 = arith.cmpi sgt, %scan3A_511, %gt3A_623 : i32
        %convert_element_type3A_625 = arith.extui %gt3A_624 : i1 to i32
        %cond3A_626 = arith.constant 0 : i32
        %cond3A_627 = arith.cmpi ne, %convert_element_type3A_625, %cond3A_626 : i32
        scf.if %cond3A_627 {
          %dma_wait3A_773 = arith.constant 0 : i32
          %dma_wait3A_774 = tpu.memref_slice %arg9[%add3A_579, %dma_wait3A_773] : memref<24x48xi32, #tpu.memory_space<vmem>> -> memref<1x48xi32, #tpu.memory_space<vmem>>
          %dma_wait3A_775 = tpu.memref_squeeze %dma_wait3A_774 : memref<1x48xi32, #tpu.memory_space<vmem>> -> memref<48xi32, #tpu.memory_space<vmem>>
          %dma_wait3A_776 = arith.constant 0 : i32
          %dma_wait3A_777 = arith.constant 0 : i32
          %dma_wait3A_778 = tpu.memref_slice %arg16[%dma_wait3A_776, %dma_wait3A_777] : memref<10240x128xf32, #tpu.memory_space<vmem_shared>> -> memref<10240x128xf32, #tpu.memory_space<vmem_shared>>
          tpu.wait_indirect_dma semaphore(%arg24 : memref<!tpu.dma_semaphore, #tpu.memory_space<semaphore_mem>>) src(%arg15 : memref<48x128xf32, #tpu.memory_space<vmem>>) dst(%dma_wait3A_778 : memref<10240x128xf32, #tpu.memory_space<vmem_shared>>)
        } else {
        }
        %add3A_628 = arith.constant 2 : i32
        %add3A_629 = arith.addi %add3A_579, %add3A_628 : i32
        %dma_start3A_630 = arith.constant 0 : i32
        %dma_start3A_631 = tpu.memref_slice %arg8[%add3A_629, %dma_start3A_630] : memref<24x48xi32, #tpu.memory_space<vmem>> -> memref<1x48xi32, #tpu.memory_space<vmem>>
        %dma_start3A_632 = tpu.memref_squeeze %dma_start3A_631 : memref<1x48xi32, #tpu.memory_space<vmem>> -> memref<48xi32, #tpu.memory_space<vmem>>
        %dma_start3A_633 = arith.constant 0 : i32
        %dma_start3A_634 = arith.constant 0 : i32
        %dma_start3A_635 = tpu.memref_slice %arg2[%dma_start3A_633, %dma_start3A_634] : memref<10000x128xf32, #tpu.memory_space<hbm>> -> memref<10000x128xf32, #tpu.memory_space<hbm>>
        tpu.enqueue_indirect_dma source(%dma_start3A_635 : memref<10000x128xf32, #tpu.memory_space<hbm>>) target(%arg15 : memref<48x128xf32, #tpu.memory_space<vmem>>) offsets(%dma_start3A_632 : memref<48xi32, #tpu.memory_space<vmem>>) semaphore(%arg20 : memref<!tpu.dma_semaphore, #tpu.memory_space<semaphore_mem>>)
        %scan3A_636 = arith.constant 0 : i32
        %scan3A_637 = arith.constant 0 : i32
        %scan3A_638 = arith.constant 3 : i32
        %scan3A_639 = arith.addi %scan3A_637, %scan3A_638 : i32
        %scan3A_640 = arith.constant 1 : i32
        %scan3A_641 = scf.for %scan3A_773 = %scan3A_637 to %scan3A_639 step %scan3A_640 iter_args(%scan3A_774 = %scan3A_636) -> (i32)  : i32 {
          %mul3A_775 = arith.constant 16 : i32
          %mul3A_776 = arith.muli %scan3A_773, %mul3A_775 : i32
          %get3A_777 = arith.index_cast %add3A_579 : i32 to index
          %get3A_778 = arith.index_cast %mul3A_776 : i32 to index
          %get3A_779 = tpu.vector_load %arg9[%get3A_777, %get3A_778] {strides = array<i32>} : memref<24x48xi32, #tpu.memory_space<vmem>>, vector<16xi32>,
          tpu.vector_store_idx %arg11[%get3A_779], %broadcast_in_dim3A_460 {add = true} : memref<10240xf32, #tpu.memory_space<vmem>>[vector<16xi32>], vector<16xf32>,
          %scan3A_780 = arith.constant 0 : i32
          scf.yield %scan3A_780 : i32
        }
        %scan3A_642 = arith.constant 3 : i32
        %mul3A_643 = arith.constant 4 : i32
        %mul3A_644 = arith.muli %scan3A_511, %mul3A_643 : i32
        %add3A_645 = arith.constant 2 : i32
        %add3A_646 = arith.addi %mul3A_644, %add3A_645 : i32
        %dma_wait3A_647 = arith.constant 0 : i32
        %dma_wait3A_648 = arith.constant 0 : i32
        %dma_wait3A_649 = tpu.memref_slice %arg8[%dma_wait3A_647, %dma_wait3A_648] : memref<24x48xi32, #tpu.memory_space<vmem>> -> memref<1x48xi32, #tpu.memory_space<vmem>>
        %dma_wait3A_650 = tpu.memref_squeeze %dma_wait3A_649 : memref<1x48xi32, #tpu.memory_space<vmem>> -> memref<48xi32, #tpu.memory_space<vmem>>
        %dma_wait3A_651 = arith.constant 0 : i32
        %dma_wait3A_652 = arith.constant 0 : i32
        %dma_wait3A_653 = tpu.memref_slice %arg2[%dma_wait3A_651, %dma_wait3A_652] : memref<10000x128xf32, #tpu.memory_space<hbm>> -> memref<10000x128xf32, #tpu.memory_space<hbm>>
        tpu.wait_indirect_dma semaphore(%arg19 : memref<!tpu.dma_semaphore, #tpu.memory_space<semaphore_mem>>) src(%dma_wait3A_653 : memref<10000x128xf32, #tpu.memory_space<hbm>>) dst(%arg14 : memref<48x128xf32, #tpu.memory_space<vmem>>)
        %get3A_654 = arith.index_cast %add3A_646 : i32 to index
        %get3A_655 = arith.constant 0 : index
        %get3A_656 = tpu.vector_load %arg10[%get3A_654, %get3A_655] {strides = array<i32>} : memref<24x48xf32, #tpu.memory_space<vmem>>, vector<16xf32>,
        %scan3A_657 = arith.constant 0 : i32
        %scan3A_658 = arith.constant 0 : i32
        %scan3A_659 = arith.constant 16 : i32
        %scan3A_660 = arith.addi %scan3A_658, %scan3A_659 : i32
        %scan3A_661 = arith.constant 1 : i32
        %scan3A_662 = scf.for %scan3A_773 = %scan3A_658 to %scan3A_660 step %scan3A_661 iter_args(%scan3A_774 = %scan3A_657) -> (i32)  : i32 {
          %broadcast_in_dim3A_775 = vector.broadcast %scan3A_773 : i32 to vector<16xi32>
          %lt3A_776 = arith.constant 0 : i32
          %lt3A_777 = vector.broadcast %lt3A_776 : i32 to vector<16xi32>
          %lt3A_778 = arith.cmpi slt, %broadcast_in_dim3A_775, %lt3A_777 : vector<16xi32>
          %add3A_779 = arith.constant 16 : i32
          %add3A_780 = vector.broadcast %add3A_779 : i32 to vector<16xi32>
          %add3A_781 = arith.addi %broadcast_in_dim3A_775, %add3A_780 : vector<16xi32>
          %select_n3A = arith.select %lt3A_778, %add3A_781, %broadcast_in_dim3A_775 : vector<16xi1>, vector<16xi32>
          %broadcast_in_dim3A_782 = vector.shape_cast %select_n3A : vector<16xi32> to vector<16x1xi32>
          %gather3A = vector.shape_cast %broadcast_in_dim3A_782 : vector<16x1xi32> to vector<16xi32>
          %gather3A_783 = tpu.dynamic_gather %get3A_656[%gather3A] in [0] : vector<16xf32>, vector<16xi32> -> vector<16xf32>
          %add3A_784 = arith.constant 0 : i32
          %add3A_785 = arith.addi %add3A_784, %scan3A_773 : i32
          %get3A_786 = arith.index_cast %add3A_785 : i32 to index
          %get3A_787 = arith.constant 0 : index
          %get3A_788 = tpu.vector_load %arg14[%get3A_786, %get3A_787] {strides = array<i32>} : memref<48x128xf32, #tpu.memory_space<vmem>>, vector<16xf32>,
          %mul3A_789 = arith.mulf %get3A_788, %gather3A_783 : vector<16xf32>
          %swap3A = arith.index_cast %add3A_785 : i32 to index
          %swap3A_790 = arith.constant 0 : index
          %swap3A_791 = tpu.vector_load %arg14[%swap3A, %swap3A_790] {strides = array<i32>} : memref<48x128xf32, #tpu.memory_space<vmem>>, vector<16xf32>,
          tpu.vector_store %arg14[%swap3A, %swap3A_790], %mul3A_789 {strides = array<i32>} : memref<48x128xf32, #tpu.memory_space<vmem>>, vector<16xf32>,
          %get3A_792 = arith.index_cast %add3A_785 : i32 to index
          %get3A_793 = arith.constant 16 : index
          %get3A_794 = tpu.vector_load %arg14[%get3A_792, %get3A_793] {strides = array<i32>} : memref<48x128xf32, #tpu.memory_space<vmem>>, vector<16xf32>,
          %mul3A_795 = arith.mulf %get3A_794, %gather3A_783 : vector<16xf32>
          %swap3A_796 = arith.index_cast %add3A_785 : i32 to index
          %swap3A_797 = arith.constant 16 : index
          %swap3A_798 = tpu.vector_load %arg14[%swap3A_796, %swap3A_797] {strides = array<i32>} : memref<48x128xf32, #tpu.memory_space<vmem>>, vector<16xf32>,
          tpu.vector_store %arg14[%swap3A_796, %swap3A_797], %mul3A_795 {strides = array<i32>} : memref<48x128xf32, #tpu.memory_space<vmem>>, vector<16xf32>,
          %get3A_799 = arith.index_cast %add3A_785 : i32 to index
          %get3A_800 = arith.constant 32 : index
          %get3A_801 = tpu.vector_load %arg14[%get3A_799, %get3A_800] {strides = array<i32>} : memref<48x128xf32, #tpu.memory_space<vmem>>, vector<16xf32>,
          %mul3A_802 = arith.mulf %get3A_801, %gather3A_783 : vector<16xf32>
          %swap3A_803 = arith.index_cast %add3A_785 : i32 to index
          %swap3A_804 = arith.constant 32 : index
          %swap3A_805 = tpu.vector_load %arg14[%swap3A_803, %swap3A_804] {strides = array<i32>} : memref<48x128xf32, #tpu.memory_space<vmem>>, vector<16xf32>,
          tpu.vector_store %arg14[%swap3A_803, %swap3A_804], %mul3A_802 {strides = array<i32>} : memref<48x128xf32, #tpu.memory_space<vmem>>, vector<16xf32>,
          %get3A_806 = arith.index_cast %add3A_785 : i32 to index
          %get3A_807 = arith.constant 48 : index
          %get3A_808 = tpu.vector_load %arg14[%get3A_806, %get3A_807] {strides = array<i32>} : memref<48x128xf32, #tpu.memory_space<vmem>>, vector<16xf32>,
          %mul3A_809 = arith.mulf %get3A_808, %gather3A_783 : vector<16xf32>
          %swap3A_810 = arith.index_cast %add3A_785 : i32 to index
          %swap3A_811 = arith.constant 48 : index
          %swap3A_812 = tpu.vector_load %arg14[%swap3A_810, %swap3A_811] {strides = array<i32>} : memref<48x128xf32, #tpu.memory_space<vmem>>, vector<16xf32>,
          tpu.vector_store %arg14[%swap3A_810, %swap3A_811], %mul3A_809 {strides = array<i32>} : memref<48x128xf32, #tpu.memory_space<vmem>>, vector<16xf32>,
          %get3A_813 = arith.index_cast %add3A_785 : i32 to index
          %get3A_814 = arith.constant 64 : index
          %get3A_815 = tpu.vector_load %arg14[%get3A_813, %get3A_814] {strides = array<i32>} : memref<48x128xf32, #tpu.memory_space<vmem>>, vector<16xf32>,
          %mul3A_816 = arith.mulf %get3A_815, %gather3A_783 : vector<16xf32>
          %swap3A_817 = arith.index_cast %add3A_785 : i32 to index
          %swap3A_818 = arith.constant 64 : index
          %swap3A_819 = tpu.vector_load %arg14[%swap3A_817, %swap3A_818] {strides = array<i32>} : memref<48x128xf32, #tpu.memory_space<vmem>>, vector<16xf32>,
          tpu.vector_store %arg14[%swap3A_817, %swap3A_818], %mul3A_816 {strides = array<i32>} : memref<48x128xf32, #tpu.memory_space<vmem>>, vector<16xf32>,
          %get3A_820 = arith.index_cast %add3A_785 : i32 to index
          %get3A_821 = arith.constant 80 : index
          %get3A_822 = tpu.vector_load %arg14[%get3A_820, %get3A_821] {strides = array<i32>} : memref<48x128xf32, #tpu.memory_space<vmem>>, vector<16xf32>,
          %mul3A_823 = arith.mulf %get3A_822, %gather3A_783 : vector<16xf32>
          %swap3A_824 = arith.index_cast %add3A_785 : i32 to index
          %swap3A_825 = arith.constant 80 : index
          %swap3A_826 = tpu.vector_load %arg14[%swap3A_824, %swap3A_825] {strides = array<i32>} : memref<48x128xf32, #tpu.memory_space<vmem>>, vector<16xf32>,
          tpu.vector_store %arg14[%swap3A_824, %swap3A_825], %mul3A_823 {strides = array<i32>} : memref<48x128xf32, #tpu.memory_space<vmem>>, vector<16xf32>,
          %get3A_827 = arith.index_cast %add3A_785 : i32 to index
          %get3A_828 = arith.constant 96 : index
          %get3A_829 = tpu.vector_load %arg14[%get3A_827, %get3A_828] {strides = array<i32>} : memref<48x128xf32, #tpu.memory_space<vmem>>, vector<16xf32>,
          %mul3A_830 = arith.mulf %get3A_829, %gather3A_783 : vector<16xf32>
          %swap3A_831 = arith.index_cast %add3A_785 : i32 to index
          %swap3A_832 = arith.constant 96 : index
          %swap3A_833 = tpu.vector_load %arg14[%swap3A_831, %swap3A_832] {strides = array<i32>} : memref<48x128xf32, #tpu.memory_space<vmem>>, vector<16xf32>,
          tpu.vector_store %arg14[%swap3A_831, %swap3A_832], %mul3A_830 {strides = array<i32>} : memref<48x128xf32, #tpu.memory_space<vmem>>, vector<16xf32>,
          %get3A_834 = arith.index_cast %add3A_785 : i32 to index
          %get3A_835 = arith.constant 112 : index
          %get3A_836 = tpu.vector_load %arg14[%get3A_834, %get3A_835] {strides = array<i32>} : memref<48x128xf32, #tpu.memory_space<vmem>>, vector<16xf32>,
          %mul3A_837 = arith.mulf %get3A_836, %gather3A_783 : vector<16xf32>
          %swap3A_838 = arith.index_cast %add3A_785 : i32 to index
          %swap3A_839 = arith.constant 112 : index
          %swap3A_840 = tpu.vector_load %arg14[%swap3A_838, %swap3A_839] {strides = array<i32>} : memref<48x128xf32, #tpu.memory_space<vmem>>, vector<16xf32>,
          tpu.vector_store %arg14[%swap3A_838, %swap3A_839], %mul3A_837 {strides = array<i32>} : memref<48x128xf32, #tpu.memory_space<vmem>>, vector<16xf32>,
          %scan3A_841 = arith.constant 0 : i32
          scf.yield %scan3A_841 : i32
        }
        %scan3A_663 = arith.constant 16 : i32
        %get3A_664 = arith.index_cast %add3A_646 : i32 to index
        %get3A_665 = arith.constant 16 : index
        %get3A_666 = tpu.vector_load %arg10[%get3A_664, %get3A_665] {strides = array<i32>} : memref<24x48xf32, #tpu.memory_space<vmem>>, vector<16xf32>,
        %scan3A_667 = arith.constant 0 : i32
        %scan3A_668 = arith.constant 0 : i32
        %scan3A_669 = arith.constant 16 : i32
        %scan3A_670 = arith.addi %scan3A_668, %scan3A_669 : i32
        %scan3A_671 = arith.constant 1 : i32
        %scan3A_672 = scf.for %scan3A_773 = %scan3A_668 to %scan3A_670 step %scan3A_671 iter_args(%scan3A_774 = %scan3A_667) -> (i32)  : i32 {
          %broadcast_in_dim3A_775 = vector.broadcast %scan3A_773 : i32 to vector<16xi32>
          %lt3A_776 = arith.constant 0 : i32
          %lt3A_777 = vector.broadcast %lt3A_776 : i32 to vector<16xi32>
          %lt3A_778 = arith.cmpi slt, %broadcast_in_dim3A_775, %lt3A_777 : vector<16xi32>
          %add3A_779 = arith.constant 16 : i32
          %add3A_780 = vector.broadcast %add3A_779 : i32 to vector<16xi32>
          %add3A_781 = arith.addi %broadcast_in_dim3A_775, %add3A_780 : vector<16xi32>
          %select_n3A = arith.select %lt3A_778, %add3A_781, %broadcast_in_dim3A_775 : vector<16xi1>, vector<16xi32>
          %broadcast_in_dim3A_782 = vector.shape_cast %select_n3A : vector<16xi32> to vector<16x1xi32>
          %gather3A = vector.shape_cast %broadcast_in_dim3A_782 : vector<16x1xi32> to vector<16xi32>
          %gather3A_783 = tpu.dynamic_gather %get3A_666[%gather3A] in [0] : vector<16xf32>, vector<16xi32> -> vector<16xf32>
          %add3A_784 = arith.constant 16 : i32
          %add3A_785 = arith.addi %add3A_784, %scan3A_773 : i32
          %get3A_786 = arith.index_cast %add3A_785 : i32 to index
          %get3A_787 = arith.constant 0 : index
          %get3A_788 = tpu.vector_load %arg14[%get3A_786, %get3A_787] {strides = array<i32>} : memref<48x128xf32, #tpu.memory_space<vmem>>, vector<16xf32>,
          %mul3A_789 = arith.mulf %get3A_788, %gather3A_783 : vector<16xf32>
          %swap3A = arith.index_cast %add3A_785 : i32 to index
          %swap3A_790 = arith.constant 0 : index
          %swap3A_791 = tpu.vector_load %arg14[%swap3A, %swap3A_790] {strides = array<i32>} : memref<48x128xf32, #tpu.memory_space<vmem>>, vector<16xf32>,
          tpu.vector_store %arg14[%swap3A, %swap3A_790], %mul3A_789 {strides = array<i32>} : memref<48x128xf32, #tpu.memory_space<vmem>>, vector<16xf32>,
          %get3A_792 = arith.index_cast %add3A_785 : i32 to index
          %get3A_793 = arith.constant 16 : index
          %get3A_794 = tpu.vector_load %arg14[%get3A_792, %get3A_793] {strides = array<i32>} : memref<48x128xf32, #tpu.memory_space<vmem>>, vector<16xf32>,
          %mul3A_795 = arith.mulf %get3A_794, %gather3A_783 : vector<16xf32>
          %swap3A_796 = arith.index_cast %add3A_785 : i32 to index
          %swap3A_797 = arith.constant 16 : index
          %swap3A_798 = tpu.vector_load %arg14[%swap3A_796, %swap3A_797] {strides = array<i32>} : memref<48x128xf32, #tpu.memory_space<vmem>>, vector<16xf32>,
          tpu.vector_store %arg14[%swap3A_796, %swap3A_797], %mul3A_795 {strides = array<i32>} : memref<48x128xf32, #tpu.memory_space<vmem>>, vector<16xf32>,
          %get3A_799 = arith.index_cast %add3A_785 : i32 to index
          %get3A_800 = arith.constant 32 : index
          %get3A_801 = tpu.vector_load %arg14[%get3A_799, %get3A_800] {strides = array<i32>} : memref<48x128xf32, #tpu.memory_space<vmem>>, vector<16xf32>,
          %mul3A_802 = arith.mulf %get3A_801, %gather3A_783 : vector<16xf32>
          %swap3A_803 = arith.index_cast %add3A_785 : i32 to index
          %swap3A_804 = arith.constant 32 : index
          %swap3A_805 = tpu.vector_load %arg14[%swap3A_803, %swap3A_804] {strides = array<i32>} : memref<48x128xf32, #tpu.memory_space<vmem>>, vector<16xf32>,
          tpu.vector_store %arg14[%swap3A_803, %swap3A_804], %mul3A_802 {strides = array<i32>} : memref<48x128xf32, #tpu.memory_space<vmem>>, vector<16xf32>,
          %get3A_806 = arith.index_cast %add3A_785 : i32 to index
          %get3A_807 = arith.constant 48 : index
          %get3A_808 = tpu.vector_load %arg14[%get3A_806, %get3A_807] {strides = array<i32>} : memref<48x128xf32, #tpu.memory_space<vmem>>, vector<16xf32>,
          %mul3A_809 = arith.mulf %get3A_808, %gather3A_783 : vector<16xf32>
          %swap3A_810 = arith.index_cast %add3A_785 : i32 to index
          %swap3A_811 = arith.constant 48 : index
          %swap3A_812 = tpu.vector_load %arg14[%swap3A_810, %swap3A_811] {strides = array<i32>} : memref<48x128xf32, #tpu.memory_space<vmem>>, vector<16xf32>,
          tpu.vector_store %arg14[%swap3A_810, %swap3A_811], %mul3A_809 {strides = array<i32>} : memref<48x128xf32, #tpu.memory_space<vmem>>, vector<16xf32>,
          %get3A_813 = arith.index_cast %add3A_785 : i32 to index
          %get3A_814 = arith.constant 64 : index
          %get3A_815 = tpu.vector_load %arg14[%get3A_813, %get3A_814] {strides = array<i32>} : memref<48x128xf32, #tpu.memory_space<vmem>>, vector<16xf32>,
          %mul3A_816 = arith.mulf %get3A_815, %gather3A_783 : vector<16xf32>
          %swap3A_817 = arith.index_cast %add3A_785 : i32 to index
          %swap3A_818 = arith.constant 64 : index
          %swap3A_819 = tpu.vector_load %arg14[%swap3A_817, %swap3A_818] {strides = array<i32>} : memref<48x128xf32, #tpu.memory_space<vmem>>, vector<16xf32>,
          tpu.vector_store %arg14[%swap3A_817, %swap3A_818], %mul3A_816 {strides = array<i32>} : memref<48x128xf32, #tpu.memory_space<vmem>>, vector<16xf32>,
          %get3A_820 = arith.index_cast %add3A_785 : i32 to index
          %get3A_821 = arith.constant 80 : index
          %get3A_822 = tpu.vector_load %arg14[%get3A_820, %get3A_821] {strides = array<i32>} : memref<48x128xf32, #tpu.memory_space<vmem>>, vector<16xf32>,
          %mul3A_823 = arith.mulf %get3A_822, %gather3A_783 : vector<16xf32>
          %swap3A_824 = arith.index_cast %add3A_785 : i32 to index
          %swap3A_825 = arith.constant 80 : index
          %swap3A_826 = tpu.vector_load %arg14[%swap3A_824, %swap3A_825] {strides = array<i32>} : memref<48x128xf32, #tpu.memory_space<vmem>>, vector<16xf32>,
          tpu.vector_store %arg14[%swap3A_824, %swap3A_825], %mul3A_823 {strides = array<i32>} : memref<48x128xf32, #tpu.memory_space<vmem>>, vector<16xf32>,
          %get3A_827 = arith.index_cast %add3A_785 : i32 to index
          %get3A_828 = arith.constant 96 : index
          %get3A_829 = tpu.vector_load %arg14[%get3A_827, %get3A_828] {strides = array<i32>} : memref<48x128xf32, #tpu.memory_space<vmem>>, vector<16xf32>,
          %mul3A_830 = arith.mulf %get3A_829, %gather3A_783 : vector<16xf32>
          %swap3A_831 = arith.index_cast %add3A_785 : i32 to index
          %swap3A_832 = arith.constant 96 : index
          %swap3A_833 = tpu.vector_load %arg14[%swap3A_831, %swap3A_832] {strides = array<i32>} : memref<48x128xf32, #tpu.memory_space<vmem>>, vector<16xf32>,
          tpu.vector_store %arg14[%swap3A_831, %swap3A_832], %mul3A_830 {strides = array<i32>} : memref<48x128xf32, #tpu.memory_space<vmem>>, vector<16xf32>,
          %get3A_834 = arith.index_cast %add3A_785 : i32 to index
          %get3A_835 = arith.constant 112 : index
          %get3A_836 = tpu.vector_load %arg14[%get3A_834, %get3A_835] {strides = array<i32>} : memref<48x128xf32, #tpu.memory_space<vmem>>, vector<16xf32>,
          %mul3A_837 = arith.mulf %get3A_836, %gather3A_783 : vector<16xf32>
          %swap3A_838 = arith.index_cast %add3A_785 : i32 to index
          %swap3A_839 = arith.constant 112 : index
          %swap3A_840 = tpu.vector_load %arg14[%swap3A_838, %swap3A_839] {strides = array<i32>} : memref<48x128xf32, #tpu.memory_space<vmem>>, vector<16xf32>,
          tpu.vector_store %arg14[%swap3A_838, %swap3A_839], %mul3A_837 {strides = array<i32>} : memref<48x128xf32, #tpu.memory_space<vmem>>, vector<16xf32>,
          %scan3A_841 = arith.constant 0 : i32
          scf.yield %scan3A_841 : i32
        }
        %scan3A_673 = arith.constant 16 : i32
        %get3A_674 = arith.index_cast %add3A_646 : i32 to index
        %get3A_675 = arith.constant 32 : index
        %get3A_676 = tpu.vector_load %arg10[%get3A_674, %get3A_675] {strides = array<i32>} : memref<24x48xf32, #tpu.memory_space<vmem>>, vector<16xf32>,
        %scan3A_677 = arith.constant 0 : i32
        %scan3A_678 = arith.constant 0 : i32
        %scan3A_679 = arith.constant 16 : i32
        %scan3A_680 = arith.addi %scan3A_678, %scan3A_679 : i32
        %scan3A_681 = arith.constant 1 : i32
        %scan3A_682 = scf.for %scan3A_773 = %scan3A_678 to %scan3A_680 step %scan3A_681 iter_args(%scan3A_774 = %scan3A_677) -> (i32)  : i32 {
          %broadcast_in_dim3A_775 = vector.broadcast %scan3A_773 : i32 to vector<16xi32>
          %lt3A_776 = arith.constant 0 : i32
          %lt3A_777 = vector.broadcast %lt3A_776 : i32 to vector<16xi32>
          %lt3A_778 = arith.cmpi slt, %broadcast_in_dim3A_775, %lt3A_777 : vector<16xi32>
          %add3A_779 = arith.constant 16 : i32
          %add3A_780 = vector.broadcast %add3A_779 : i32 to vector<16xi32>
          %add3A_781 = arith.addi %broadcast_in_dim3A_775, %add3A_780 : vector<16xi32>
          %select_n3A = arith.select %lt3A_778, %add3A_781, %broadcast_in_dim3A_775 : vector<16xi1>, vector<16xi32>
          %broadcast_in_dim3A_782 = vector.shape_cast %select_n3A : vector<16xi32> to vector<16x1xi32>
          %gather3A = vector.shape_cast %broadcast_in_dim3A_782 : vector<16x1xi32> to vector<16xi32>
          %gather3A_783 = tpu.dynamic_gather %get3A_676[%gather3A] in [0] : vector<16xf32>, vector<16xi32> -> vector<16xf32>
          %add3A_784 = arith.constant 32 : i32
          %add3A_785 = arith.addi %add3A_784, %scan3A_773 : i32
          %get3A_786 = arith.index_cast %add3A_785 : i32 to index
          %get3A_787 = arith.constant 0 : index
          %get3A_788 = tpu.vector_load %arg14[%get3A_786, %get3A_787] {strides = array<i32>} : memref<48x128xf32, #tpu.memory_space<vmem>>, vector<16xf32>,
          %mul3A_789 = arith.mulf %get3A_788, %gather3A_783 : vector<16xf32>
          %swap3A = arith.index_cast %add3A_785 : i32 to index
          %swap3A_790 = arith.constant 0 : index
          %swap3A_791 = tpu.vector_load %arg14[%swap3A, %swap3A_790] {strides = array<i32>} : memref<48x128xf32, #tpu.memory_space<vmem>>, vector<16xf32>,
          tpu.vector_store %arg14[%swap3A, %swap3A_790], %mul3A_789 {strides = array<i32>} : memref<48x128xf32, #tpu.memory_space<vmem>>, vector<16xf32>,
          %get3A_792 = arith.index_cast %add3A_785 : i32 to index
          %get3A_793 = arith.constant 16 : index
          %get3A_794 = tpu.vector_load %arg14[%get3A_792, %get3A_793] {strides = array<i32>} : memref<48x128xf32, #tpu.memory_space<vmem>>, vector<16xf32>,
          %mul3A_795 = arith.mulf %get3A_794, %gather3A_783 : vector<16xf32>
          %swap3A_796 = arith.index_cast %add3A_785 : i32 to index
          %swap3A_797 = arith.constant 16 : index
          %swap3A_798 = tpu.vector_load %arg14[%swap3A_796, %swap3A_797] {strides = array<i32>} : memref<48x128xf32, #tpu.memory_space<vmem>>, vector<16xf32>,
          tpu.vector_store %arg14[%swap3A_796, %swap3A_797], %mul3A_795 {strides = array<i32>} : memref<48x128xf32, #tpu.memory_space<vmem>>, vector<16xf32>,
          %get3A_799 = arith.index_cast %add3A_785 : i32 to index
          %get3A_800 = arith.constant 32 : index
          %get3A_801 = tpu.vector_load %arg14[%get3A_799, %get3A_800] {strides = array<i32>} : memref<48x128xf32, #tpu.memory_space<vmem>>, vector<16xf32>,
          %mul3A_802 = arith.mulf %get3A_801, %gather3A_783 : vector<16xf32>
          %swap3A_803 = arith.index_cast %add3A_785 : i32 to index
          %swap3A_804 = arith.constant 32 : index
          %swap3A_805 = tpu.vector_load %arg14[%swap3A_803, %swap3A_804] {strides = array<i32>} : memref<48x128xf32, #tpu.memory_space<vmem>>, vector<16xf32>,
          tpu.vector_store %arg14[%swap3A_803, %swap3A_804], %mul3A_802 {strides = array<i32>} : memref<48x128xf32, #tpu.memory_space<vmem>>, vector<16xf32>,
          %get3A_806 = arith.index_cast %add3A_785 : i32 to index
          %get3A_807 = arith.constant 48 : index
          %get3A_808 = tpu.vector_load %arg14[%get3A_806, %get3A_807] {strides = array<i32>} : memref<48x128xf32, #tpu.memory_space<vmem>>, vector<16xf32>,
          %mul3A_809 = arith.mulf %get3A_808, %gather3A_783 : vector<16xf32>
          %swap3A_810 = arith.index_cast %add3A_785 : i32 to index
          %swap3A_811 = arith.constant 48 : index
          %swap3A_812 = tpu.vector_load %arg14[%swap3A_810, %swap3A_811] {strides = array<i32>} : memref<48x128xf32, #tpu.memory_space<vmem>>, vector<16xf32>,
          tpu.vector_store %arg14[%swap3A_810, %swap3A_811], %mul3A_809 {strides = array<i32>} : memref<48x128xf32, #tpu.memory_space<vmem>>, vector<16xf32>,
          %get3A_813 = arith.index_cast %add3A_785 : i32 to index
          %get3A_814 = arith.constant 64 : index
          %get3A_815 = tpu.vector_load %arg14[%get3A_813, %get3A_814] {strides = array<i32>} : memref<48x128xf32, #tpu.memory_space<vmem>>, vector<16xf32>,
          %mul3A_816 = arith.mulf %get3A_815, %gather3A_783 : vector<16xf32>
          %swap3A_817 = arith.index_cast %add3A_785 : i32 to index
          %swap3A_818 = arith.constant 64 : index
          %swap3A_819 = tpu.vector_load %arg14[%swap3A_817, %swap3A_818] {strides = array<i32>} : memref<48x128xf32, #tpu.memory_space<vmem>>, vector<16xf32>,
          tpu.vector_store %arg14[%swap3A_817, %swap3A_818], %mul3A_816 {strides = array<i32>} : memref<48x128xf32, #tpu.memory_space<vmem>>, vector<16xf32>,
          %get3A_820 = arith.index_cast %add3A_785 : i32 to index
          %get3A_821 = arith.constant 80 : index
          %get3A_822 = tpu.vector_load %arg14[%get3A_820, %get3A_821] {strides = array<i32>} : memref<48x128xf32, #tpu.memory_space<vmem>>, vector<16xf32>,
          %mul3A_823 = arith.mulf %get3A_822, %gather3A_783 : vector<16xf32>
          %swap3A_824 = arith.index_cast %add3A_785 : i32 to index
          %swap3A_825 = arith.constant 80 : index
          %swap3A_826 = tpu.vector_load %arg14[%swap3A_824, %swap3A_825] {strides = array<i32>} : memref<48x128xf32, #tpu.memory_space<vmem>>, vector<16xf32>,
          tpu.vector_store %arg14[%swap3A_824, %swap3A_825], %mul3A_823 {strides = array<i32>} : memref<48x128xf32, #tpu.memory_space<vmem>>, vector<16xf32>,
          %get3A_827 = arith.index_cast %add3A_785 : i32 to index
          %get3A_828 = arith.constant 96 : index
          %get3A_829 = tpu.vector_load %arg14[%get3A_827, %get3A_828] {strides = array<i32>} : memref<48x128xf32, #tpu.memory_space<vmem>>, vector<16xf32>,
          %mul3A_830 = arith.mulf %get3A_829, %gather3A_783 : vector<16xf32>
          %swap3A_831 = arith.index_cast %add3A_785 : i32 to index
          %swap3A_832 = arith.constant 96 : index
          %swap3A_833 = tpu.vector_load %arg14[%swap3A_831, %swap3A_832] {strides = array<i32>} : memref<48x128xf32, #tpu.memory_space<vmem>>, vector<16xf32>,
          tpu.vector_store %arg14[%swap3A_831, %swap3A_832], %mul3A_830 {strides = array<i32>} : memref<48x128xf32, #tpu.memory_space<vmem>>, vector<16xf32>,
          %get3A_834 = arith.index_cast %add3A_785 : i32 to index
          %get3A_835 = arith.constant 112 : index
          %get3A_836 = tpu.vector_load %arg14[%get3A_834, %get3A_835] {strides = array<i32>} : memref<48x128xf32, #tpu.memory_space<vmem>>, vector<16xf32>,
          %mul3A_837 = arith.mulf %get3A_836, %gather3A_783 : vector<16xf32>
          %swap3A_838 = arith.index_cast %add3A_785 : i32 to index
          %swap3A_839 = arith.constant 112 : index
          %swap3A_840 = tpu.vector_load %arg14[%swap3A_838, %swap3A_839] {strides = array<i32>} : memref<48x128xf32, #tpu.memory_space<vmem>>, vector<16xf32>,
          tpu.vector_store %arg14[%swap3A_838, %swap3A_839], %mul3A_837 {strides = array<i32>} : memref<48x128xf32, #tpu.memory_space<vmem>>, vector<16xf32>,
          %scan3A_841 = arith.constant 0 : i32
          scf.yield %scan3A_841 : i32
        }
        %scan3A_683 = arith.constant 16 : i32
        %dma_start3A_684 = arith.constant 0 : i32
        %dma_start3A_685 = tpu.memref_slice %arg9[%add3A_646, %dma_start3A_684] : memref<24x48xi32, #tpu.memory_space<vmem>> -> memref<1x48xi32, #tpu.memory_space<vmem>>
        %dma_start3A_686 = tpu.memref_squeeze %dma_start3A_685 : memref<1x48xi32, #tpu.memory_space<vmem>> -> memref<48xi32, #tpu.memory_space<vmem>>
        %dma_start3A_687 = arith.constant 0 : i32
        %dma_start3A_688 = arith.constant 0 : i32
        %dma_start3A_689 = tpu.memref_slice %arg16[%dma_start3A_687, %dma_start3A_688] : memref<10240x128xf32, #tpu.memory_space<vmem_shared>> -> memref<10240x128xf32, #tpu.memory_space<vmem_shared>>
        tpu.enqueue_indirect_dma source(%arg14 : memref<48x128xf32, #tpu.memory_space<vmem>>) target(%dma_start3A_689 : memref<10240x128xf32, #tpu.memory_space<vmem_shared>>) offsets(%dma_start3A_686 : memref<48xi32, #tpu.memory_space<vmem>>) semaphore(%arg23 : memref<!tpu.dma_semaphore, #tpu.memory_space<semaphore_mem>>) {add = true}
        %dma_wait3A_690 = arith.constant 0 : i32
        %dma_wait3A_691 = tpu.memref_slice %arg9[%add3A_646, %dma_wait3A_690] : memref<24x48xi32, #tpu.memory_space<vmem>> -> memref<1x48xi32, #tpu.memory_space<vmem>>
        %dma_wait3A_692 = tpu.memref_squeeze %dma_wait3A_691 : memref<1x48xi32, #tpu.memory_space<vmem>> -> memref<48xi32, #tpu.memory_space<vmem>>
        %dma_wait3A_693 = arith.constant 0 : i32
        %dma_wait3A_694 = arith.constant 0 : i32
        %dma_wait3A_695 = tpu.memref_slice %arg16[%dma_wait3A_693, %dma_wait3A_694] : memref<10240x128xf32, #tpu.memory_space<vmem_shared>> -> memref<10240x128xf32, #tpu.memory_space<vmem_shared>>
        tpu.wait_indirect_dma semaphore(%arg21 : memref<!tpu.dma_semaphore, #tpu.memory_space<semaphore_mem>>) src(%arg12 : memref<48x128xf32, #tpu.memory_space<vmem>>) dst(%dma_wait3A_695 : memref<10240x128xf32, #tpu.memory_space<vmem_shared>>)
        %lt3A = arith.constant 5 : i32
        %lt3A_696 = arith.cmpi slt, %scan3A_511, %lt3A : i32
        %convert_element_type3A_697 = arith.extui %lt3A_696 : i1 to i32
        %cond3A_698 = arith.constant 0 : i32
        %cond3A_699 = arith.cmpi ne, %convert_element_type3A_697, %cond3A_698 : i32
        scf.if %cond3A_699 {
          %add3A_773 = arith.constant 2 : i32
          %add3A_774 = arith.addi %add3A_646, %add3A_773 : i32
          %dma_start3A_775 = arith.constant 0 : i32
          %dma_start3A_776 = tpu.memref_slice %arg8[%add3A_774, %dma_start3A_775] : memref<24x48xi32, #tpu.memory_space<vmem>> -> memref<1x48xi32, #tpu.memory_space<vmem>>
          %dma_start3A_777 = tpu.memref_squeeze %dma_start3A_776 : memref<1x48xi32, #tpu.memory_space<vmem>> -> memref<48xi32, #tpu.memory_space<vmem>>
          %dma_start3A_778 = arith.constant 0 : i32
          %dma_start3A_779 = arith.constant 0 : i32
          %dma_start3A_780 = tpu.memref_slice %arg2[%dma_start3A_778, %dma_start3A_779] : memref<10000x128xf32, #tpu.memory_space<hbm>> -> memref<10000x128xf32, #tpu.memory_space<hbm>>
          tpu.enqueue_indirect_dma source(%dma_start3A_780 : memref<10000x128xf32, #tpu.memory_space<hbm>>) target(%arg12 : memref<48x128xf32, #tpu.memory_space<vmem>>) offsets(%dma_start3A_777 : memref<48xi32, #tpu.memory_space<vmem>>) semaphore(%arg17 : memref<!tpu.dma_semaphore, #tpu.memory_space<semaphore_mem>>)
        } else {
        }
        %scan3A_700 = arith.constant 0 : i32
        %scan3A_701 = arith.constant 0 : i32
        %scan3A_702 = arith.constant 3 : i32
        %scan3A_703 = arith.addi %scan3A_701, %scan3A_702 : i32
        %scan3A_704 = arith.constant 1 : i32
        %scan3A_705 = scf.for %scan3A_773 = %scan3A_701 to %scan3A_703 step %scan3A_704 iter_args(%scan3A_774 = %scan3A_700) -> (i32)  : i32 {
          %mul3A_775 = arith.constant 16 : i32
          %mul3A_776 = arith.muli %scan3A_773, %mul3A_775 : i32
          %get3A_777 = arith.index_cast %add3A_646 : i32 to index
          %get3A_778 = arith.index_cast %mul3A_776 : i32 to index
          %get3A_779 = tpu.vector_load %arg9[%get3A_777, %get3A_778] {strides = array<i32>} : memref<24x48xi32, #tpu.memory_space<vmem>>, vector<16xi32>,
          tpu.vector_store_idx %arg11[%get3A_779], %broadcast_in_dim3A_460 {add = true} : memref<10240xf32, #tpu.memory_space<vmem>>[vector<16xi32>], vector<16xf32>,
          %scan3A_780 = arith.constant 0 : i32
          scf.yield %scan3A_780 : i32
        }
        %scan3A_706 = arith.constant 3 : i32
        %mul3A_707 = arith.constant 4 : i32
        %mul3A_708 = arith.muli %scan3A_511, %mul3A_707 : i32
        %add3A_709 = arith.constant 3 : i32
        %add3A_710 = arith.addi %mul3A_708, %add3A_709 : i32
        %dma_wait3A_711 = arith.constant 0 : i32
        %dma_wait3A_712 = arith.constant 0 : i32
        %dma_wait3A_713 = tpu.memref_slice %arg8[%dma_wait3A_711, %dma_wait3A_712] : memref<24x48xi32, #tpu.memory_space<vmem>> -> memref<1x48xi32, #tpu.memory_space<vmem>>
        %dma_wait3A_714 = tpu.memref_squeeze %dma_wait3A_713 : memref<1x48xi32, #tpu.memory_space<vmem>> -> memref<48xi32, #tpu.memory_space<vmem>>
        %dma_wait3A_715 = arith.constant 0 : i32
        %dma_wait3A_716 = arith.constant 0 : i32
        %dma_wait3A_717 = tpu.memref_slice %arg2[%dma_wait3A_715, %dma_wait3A_716] : memref<10000x128xf32, #tpu.memory_space<hbm>> -> memref<10000x128xf32, #tpu.memory_space<hbm>>
        tpu.wait_indirect_dma semaphore(%arg20 : memref<!tpu.dma_semaphore, #tpu.memory_space<semaphore_mem>>) src(%dma_wait3A_717 : memref<10000x128xf32, #tpu.memory_space<hbm>>) dst(%arg15 : memref<48x128xf32, #tpu.memory_space<vmem>>)
        %get3A_718 = arith.index_cast %add3A_710 : i32 to index
        %get3A_719 = arith.constant 0 : index
        %get3A_720 = tpu.vector_load %arg10[%get3A_718, %get3A_719] {strides = array<i32>} : memref<24x48xf32, #tpu.memory_space<vmem>>, vector<16xf32>,
        %scan3A_721 = arith.constant 0 : i32
        %scan3A_722 = arith.constant 0 : i32
        %scan3A_723 = arith.constant 16 : i32
        %scan3A_724 = arith.addi %scan3A_722, %scan3A_723 : i32
        %scan3A_725 = arith.constant 1 : i32
        %scan3A_726 = scf.for %scan3A_773 = %scan3A_722 to %scan3A_724 step %scan3A_725 iter_args(%scan3A_774 = %scan3A_721) -> (i32)  : i32 {
          %broadcast_in_dim3A_775 = vector.broadcast %scan3A_773 : i32 to vector<16xi32>
          %lt3A_776 = arith.constant 0 : i32
          %lt3A_777 = vector.broadcast %lt3A_776 : i32 to vector<16xi32>
          %lt3A_778 = arith.cmpi slt, %broadcast_in_dim3A_775, %lt3A_777 : vector<16xi32>
          %add3A_779 = arith.constant 16 : i32
          %add3A_780 = vector.broadcast %add3A_779 : i32 to vector<16xi32>
          %add3A_781 = arith.addi %broadcast_in_dim3A_775, %add3A_780 : vector<16xi32>
          %select_n3A = arith.select %lt3A_778, %add3A_781, %broadcast_in_dim3A_775 : vector<16xi1>, vector<16xi32>
          %broadcast_in_dim3A_782 = vector.shape_cast %select_n3A : vector<16xi32> to vector<16x1xi32>
          %gather3A = vector.shape_cast %broadcast_in_dim3A_782 : vector<16x1xi32> to vector<16xi32>
          %gather3A_783 = tpu.dynamic_gather %get3A_720[%gather3A] in [0] : vector<16xf32>, vector<16xi32> -> vector<16xf32>
          %add3A_784 = arith.constant 0 : i32
          %add3A_785 = arith.addi %add3A_784, %scan3A_773 : i32
          %get3A_786 = arith.index_cast %add3A_785 : i32 to index
          %get3A_787 = arith.constant 0 : index
          %get3A_788 = tpu.vector_load %arg15[%get3A_786, %get3A_787] {strides = array<i32>} : memref<48x128xf32, #tpu.memory_space<vmem>>, vector<16xf32>,
          %mul3A_789 = arith.mulf %get3A_788, %gather3A_783 : vector<16xf32>
          %swap3A = arith.index_cast %add3A_785 : i32 to index
          %swap3A_790 = arith.constant 0 : index
          %swap3A_791 = tpu.vector_load %arg15[%swap3A, %swap3A_790] {strides = array<i32>} : memref<48x128xf32, #tpu.memory_space<vmem>>, vector<16xf32>,
          tpu.vector_store %arg15[%swap3A, %swap3A_790], %mul3A_789 {strides = array<i32>} : memref<48x128xf32, #tpu.memory_space<vmem>>, vector<16xf32>,
          %get3A_792 = arith.index_cast %add3A_785 : i32 to index
          %get3A_793 = arith.constant 16 : index
          %get3A_794 = tpu.vector_load %arg15[%get3A_792, %get3A_793] {strides = array<i32>} : memref<48x128xf32, #tpu.memory_space<vmem>>, vector<16xf32>,
          %mul3A_795 = arith.mulf %get3A_794, %gather3A_783 : vector<16xf32>
          %swap3A_796 = arith.index_cast %add3A_785 : i32 to index
          %swap3A_797 = arith.constant 16 : index
          %swap3A_798 = tpu.vector_load %arg15[%swap3A_796, %swap3A_797] {strides = array<i32>} : memref<48x128xf32, #tpu.memory_space<vmem>>, vector<16xf32>,
          tpu.vector_store %arg15[%swap3A_796, %swap3A_797], %mul3A_795 {strides = array<i32>} : memref<48x128xf32, #tpu.memory_space<vmem>>, vector<16xf32>,
          %get3A_799 = arith.index_cast %add3A_785 : i32 to index
          %get3A_800 = arith.constant 32 : index
          %get3A_801 = tpu.vector_load %arg15[%get3A_799, %get3A_800] {strides = array<i32>} : memref<48x128xf32, #tpu.memory_space<vmem>>, vector<16xf32>,
          %mul3A_802 = arith.mulf %get3A_801, %gather3A_783 : vector<16xf32>
          %swap3A_803 = arith.index_cast %add3A_785 : i32 to index
          %swap3A_804 = arith.constant 32 : index
          %swap3A_805 = tpu.vector_load %arg15[%swap3A_803, %swap3A_804] {strides = array<i32>} : memref<48x128xf32, #tpu.memory_space<vmem>>, vector<16xf32>,
          tpu.vector_store %arg15[%swap3A_803, %swap3A_804], %mul3A_802 {strides = array<i32>} : memref<48x128xf32, #tpu.memory_space<vmem>>, vector<16xf32>,
          %get3A_806 = arith.index_cast %add3A_785 : i32 to index
          %get3A_807 = arith.constant 48 : index
          %get3A_808 = tpu.vector_load %arg15[%get3A_806, %get3A_807] {strides = array<i32>} : memref<48x128xf32, #tpu.memory_space<vmem>>, vector<16xf32>,
          %mul3A_809 = arith.mulf %get3A_808, %gather3A_783 : vector<16xf32>
          %swap3A_810 = arith.index_cast %add3A_785 : i32 to index
          %swap3A_811 = arith.constant 48 : index
          %swap3A_812 = tpu.vector_load %arg15[%swap3A_810, %swap3A_811] {strides = array<i32>} : memref<48x128xf32, #tpu.memory_space<vmem>>, vector<16xf32>,
          tpu.vector_store %arg15[%swap3A_810, %swap3A_811], %mul3A_809 {strides = array<i32>} : memref<48x128xf32, #tpu.memory_space<vmem>>, vector<16xf32>,
          %get3A_813 = arith.index_cast %add3A_785 : i32 to index
          %get3A_814 = arith.constant 64 : index
          %get3A_815 = tpu.vector_load %arg15[%get3A_813, %get3A_814] {strides = array<i32>} : memref<48x128xf32, #tpu.memory_space<vmem>>, vector<16xf32>,
          %mul3A_816 = arith.mulf %get3A_815, %gather3A_783 : vector<16xf32>
          %swap3A_817 = arith.index_cast %add3A_785 : i32 to index
          %swap3A_818 = arith.constant 64 : index
          %swap3A_819 = tpu.vector_load %arg15[%swap3A_817, %swap3A_818] {strides = array<i32>} : memref<48x128xf32, #tpu.memory_space<vmem>>, vector<16xf32>,
          tpu.vector_store %arg15[%swap3A_817, %swap3A_818], %mul3A_816 {strides = array<i32>} : memref<48x128xf32, #tpu.memory_space<vmem>>, vector<16xf32>,
          %get3A_820 = arith.index_cast %add3A_785 : i32 to index
          %get3A_821 = arith.constant 80 : index
          %get3A_822 = tpu.vector_load %arg15[%get3A_820, %get3A_821] {strides = array<i32>} : memref<48x128xf32, #tpu.memory_space<vmem>>, vector<16xf32>,
          %mul3A_823 = arith.mulf %get3A_822, %gather3A_783 : vector<16xf32>
          %swap3A_824 = arith.index_cast %add3A_785 : i32 to index
          %swap3A_825 = arith.constant 80 : index
          %swap3A_826 = tpu.vector_load %arg15[%swap3A_824, %swap3A_825] {strides = array<i32>} : memref<48x128xf32, #tpu.memory_space<vmem>>, vector<16xf32>,
          tpu.vector_store %arg15[%swap3A_824, %swap3A_825], %mul3A_823 {strides = array<i32>} : memref<48x128xf32, #tpu.memory_space<vmem>>, vector<16xf32>,
          %get3A_827 = arith.index_cast %add3A_785 : i32 to index
          %get3A_828 = arith.constant 96 : index
          %get3A_829 = tpu.vector_load %arg15[%get3A_827, %get3A_828] {strides = array<i32>} : memref<48x128xf32, #tpu.memory_space<vmem>>, vector<16xf32>,
          %mul3A_830 = arith.mulf %get3A_829, %gather3A_783 : vector<16xf32>
          %swap3A_831 = arith.index_cast %add3A_785 : i32 to index
          %swap3A_832 = arith.constant 96 : index
          %swap3A_833 = tpu.vector_load %arg15[%swap3A_831, %swap3A_832] {strides = array<i32>} : memref<48x128xf32, #tpu.memory_space<vmem>>, vector<16xf32>,
          tpu.vector_store %arg15[%swap3A_831, %swap3A_832], %mul3A_830 {strides = array<i32>} : memref<48x128xf32, #tpu.memory_space<vmem>>, vector<16xf32>,
          %get3A_834 = arith.index_cast %add3A_785 : i32 to index
          %get3A_835 = arith.constant 112 : index
          %get3A_836 = tpu.vector_load %arg15[%get3A_834, %get3A_835] {strides = array<i32>} : memref<48x128xf32, #tpu.memory_space<vmem>>, vector<16xf32>,
          %mul3A_837 = arith.mulf %get3A_836, %gather3A_783 : vector<16xf32>
          %swap3A_838 = arith.index_cast %add3A_785 : i32 to index
          %swap3A_839 = arith.constant 112 : index
          %swap3A_840 = tpu.vector_load %arg15[%swap3A_838, %swap3A_839] {strides = array<i32>} : memref<48x128xf32, #tpu.memory_space<vmem>>, vector<16xf32>,
          tpu.vector_store %arg15[%swap3A_838, %swap3A_839], %mul3A_837 {strides = array<i32>} : memref<48x128xf32, #tpu.memory_space<vmem>>, vector<16xf32>,
          %scan3A_841 = arith.constant 0 : i32
          scf.yield %scan3A_841 : i32
        }
        %scan3A_727 = arith.constant 16 : i32
        %get3A_728 = arith.index_cast %add3A_710 : i32 to index
        %get3A_729 = arith.constant 16 : index
        %get3A_730 = tpu.vector_load %arg10[%get3A_728, %get3A_729] {strides = array<i32>} : memref<24x48xf32, #tpu.memory_space<vmem>>, vector<16xf32>,
        %scan3A_731 = arith.constant 0 : i32
        %scan3A_732 = arith.constant 0 : i32
        %scan3A_733 = arith.constant 16 : i32
        %scan3A_734 = arith.addi %scan3A_732, %scan3A_733 : i32
        %scan3A_735 = arith.constant 1 : i32
        %scan3A_736 = scf.for %scan3A_773 = %scan3A_732 to %scan3A_734 step %scan3A_735 iter_args(%scan3A_774 = %scan3A_731) -> (i32)  : i32 {
          %broadcast_in_dim3A_775 = vector.broadcast %scan3A_773 : i32 to vector<16xi32>
          %lt3A_776 = arith.constant 0 : i32
          %lt3A_777 = vector.broadcast %lt3A_776 : i32 to vector<16xi32>
          %lt3A_778 = arith.cmpi slt, %broadcast_in_dim3A_775, %lt3A_777 : vector<16xi32>
          %add3A_779 = arith.constant 16 : i32
          %add3A_780 = vector.broadcast %add3A_779 : i32 to vector<16xi32>
          %add3A_781 = arith.addi %broadcast_in_dim3A_775, %add3A_780 : vector<16xi32>
          %select_n3A = arith.select %lt3A_778, %add3A_781, %broadcast_in_dim3A_775 : vector<16xi1>, vector<16xi32>
          %broadcast_in_dim3A_782 = vector.shape_cast %select_n3A : vector<16xi32> to vector<16x1xi32>
          %gather3A = vector.shape_cast %broadcast_in_dim3A_782 : vector<16x1xi32> to vector<16xi32>
          %gather3A_783 = tpu.dynamic_gather %get3A_730[%gather3A] in [0] : vector<16xf32>, vector<16xi32> -> vector<16xf32>
          %add3A_784 = arith.constant 16 : i32
          %add3A_785 = arith.addi %add3A_784, %scan3A_773 : i32
          %get3A_786 = arith.index_cast %add3A_785 : i32 to index
          %get3A_787 = arith.constant 0 : index
          %get3A_788 = tpu.vector_load %arg15[%get3A_786, %get3A_787] {strides = array<i32>} : memref<48x128xf32, #tpu.memory_space<vmem>>, vector<16xf32>,
          %mul3A_789 = arith.mulf %get3A_788, %gather3A_783 : vector<16xf32>
          %swap3A = arith.index_cast %add3A_785 : i32 to index
          %swap3A_790 = arith.constant 0 : index
          %swap3A_791 = tpu.vector_load %arg15[%swap3A, %swap3A_790] {strides = array<i32>} : memref<48x128xf32, #tpu.memory_space<vmem>>, vector<16xf32>,
          tpu.vector_store %arg15[%swap3A, %swap3A_790], %mul3A_789 {strides = array<i32>} : memref<48x128xf32, #tpu.memory_space<vmem>>, vector<16xf32>,
          %get3A_792 = arith.index_cast %add3A_785 : i32 to index
          %get3A_793 = arith.constant 16 : index
          %get3A_794 = tpu.vector_load %arg15[%get3A_792, %get3A_793] {strides = array<i32>} : memref<48x128xf32, #tpu.memory_space<vmem>>, vector<16xf32>,
          %mul3A_795 = arith.mulf %get3A_794, %gather3A_783 : vector<16xf32>
          %swap3A_796 = arith.index_cast %add3A_785 : i32 to index
          %swap3A_797 = arith.constant 16 : index
          %swap3A_798 = tpu.vector_load %arg15[%swap3A_796, %swap3A_797] {strides = array<i32>} : memref<48x128xf32, #tpu.memory_space<vmem>>, vector<16xf32>,
          tpu.vector_store %arg15[%swap3A_796, %swap3A_797], %mul3A_795 {strides = array<i32>} : memref<48x128xf32, #tpu.memory_space<vmem>>, vector<16xf32>,
          %get3A_799 = arith.index_cast %add3A_785 : i32 to index
          %get3A_800 = arith.constant 32 : index
          %get3A_801 = tpu.vector_load %arg15[%get3A_799, %get3A_800] {strides = array<i32>} : memref<48x128xf32, #tpu.memory_space<vmem>>, vector<16xf32>,
          %mul3A_802 = arith.mulf %get3A_801, %gather3A_783 : vector<16xf32>
          %swap3A_803 = arith.index_cast %add3A_785 : i32 to index
          %swap3A_804 = arith.constant 32 : index
          %swap3A_805 = tpu.vector_load %arg15[%swap3A_803, %swap3A_804] {strides = array<i32>} : memref<48x128xf32, #tpu.memory_space<vmem>>, vector<16xf32>,
          tpu.vector_store %arg15[%swap3A_803, %swap3A_804], %mul3A_802 {strides = array<i32>} : memref<48x128xf32, #tpu.memory_space<vmem>>, vector<16xf32>,
          %get3A_806 = arith.index_cast %add3A_785 : i32 to index
          %get3A_807 = arith.constant 48 : index
          %get3A_808 = tpu.vector_load %arg15[%get3A_806, %get3A_807] {strides = array<i32>} : memref<48x128xf32, #tpu.memory_space<vmem>>, vector<16xf32>,
          %mul3A_809 = arith.mulf %get3A_808, %gather3A_783 : vector<16xf32>
          %swap3A_810 = arith.index_cast %add3A_785 : i32 to index
          %swap3A_811 = arith.constant 48 : index
          %swap3A_812 = tpu.vector_load %arg15[%swap3A_810, %swap3A_811] {strides = array<i32>} : memref<48x128xf32, #tpu.memory_space<vmem>>, vector<16xf32>,
          tpu.vector_store %arg15[%swap3A_810, %swap3A_811], %mul3A_809 {strides = array<i32>} : memref<48x128xf32, #tpu.memory_space<vmem>>, vector<16xf32>,
          %get3A_813 = arith.index_cast %add3A_785 : i32 to index
          %get3A_814 = arith.constant 64 : index
          %get3A_815 = tpu.vector_load %arg15[%get3A_813, %get3A_814] {strides = array<i32>} : memref<48x128xf32, #tpu.memory_space<vmem>>, vector<16xf32>,
          %mul3A_816 = arith.mulf %get3A_815, %gather3A_783 : vector<16xf32>
          %swap3A_817 = arith.index_cast %add3A_785 : i32 to index
          %swap3A_818 = arith.constant 64 : index
          %swap3A_819 = tpu.vector_load %arg15[%swap3A_817, %swap3A_818] {strides = array<i32>} : memref<48x128xf32, #tpu.memory_space<vmem>>, vector<16xf32>,
          tpu.vector_store %arg15[%swap3A_817, %swap3A_818], %mul3A_816 {strides = array<i32>} : memref<48x128xf32, #tpu.memory_space<vmem>>, vector<16xf32>,
          %get3A_820 = arith.index_cast %add3A_785 : i32 to index
          %get3A_821 = arith.constant 80 : index
          %get3A_822 = tpu.vector_load %arg15[%get3A_820, %get3A_821] {strides = array<i32>} : memref<48x128xf32, #tpu.memory_space<vmem>>, vector<16xf32>,
          %mul3A_823 = arith.mulf %get3A_822, %gather3A_783 : vector<16xf32>
          %swap3A_824 = arith.index_cast %add3A_785 : i32 to index
          %swap3A_825 = arith.constant 80 : index
          %swap3A_826 = tpu.vector_load %arg15[%swap3A_824, %swap3A_825] {strides = array<i32>} : memref<48x128xf32, #tpu.memory_space<vmem>>, vector<16xf32>,
          tpu.vector_store %arg15[%swap3A_824, %swap3A_825], %mul3A_823 {strides = array<i32>} : memref<48x128xf32, #tpu.memory_space<vmem>>, vector<16xf32>,
          %get3A_827 = arith.index_cast %add3A_785 : i32 to index
          %get3A_828 = arith.constant 96 : index
          %get3A_829 = tpu.vector_load %arg15[%get3A_827, %get3A_828] {strides = array<i32>} : memref<48x128xf32, #tpu.memory_space<vmem>>, vector<16xf32>,
          %mul3A_830 = arith.mulf %get3A_829, %gather3A_783 : vector<16xf32>
          %swap3A_831 = arith.index_cast %add3A_785 : i32 to index
          %swap3A_832 = arith.constant 96 : index
          %swap3A_833 = tpu.vector_load %arg15[%swap3A_831, %swap3A_832] {strides = array<i32>} : memref<48x128xf32, #tpu.memory_space<vmem>>, vector<16xf32>,
          tpu.vector_store %arg15[%swap3A_831, %swap3A_832], %mul3A_830 {strides = array<i32>} : memref<48x128xf32, #tpu.memory_space<vmem>>, vector<16xf32>,
          %get3A_834 = arith.index_cast %add3A_785 : i32 to index
          %get3A_835 = arith.constant 112 : index
          %get3A_836 = tpu.vector_load %arg15[%get3A_834, %get3A_835] {strides = array<i32>} : memref<48x128xf32, #tpu.memory_space<vmem>>, vector<16xf32>,
          %mul3A_837 = arith.mulf %get3A_836, %gather3A_783 : vector<16xf32>
          %swap3A_838 = arith.index_cast %add3A_785 : i32 to index
          %swap3A_839 = arith.constant 112 : index
          %swap3A_840 = tpu.vector_load %arg15[%swap3A_838, %swap3A_839] {strides = array<i32>} : memref<48x128xf32, #tpu.memory_space<vmem>>, vector<16xf32>,
          tpu.vector_store %arg15[%swap3A_838, %swap3A_839], %mul3A_837 {strides = array<i32>} : memref<48x128xf32, #tpu.memory_space<vmem>>, vector<16xf32>,
          %scan3A_841 = arith.constant 0 : i32
          scf.yield %scan3A_841 : i32
        }
        %scan3A_737 = arith.constant 16 : i32
        %get3A_738 = arith.index_cast %add3A_710 : i32 to index
        %get3A_739 = arith.constant 32 : index
        %get3A_740 = tpu.vector_load %arg10[%get3A_738, %get3A_739] {strides = array<i32>} : memref<24x48xf32, #tpu.memory_space<vmem>>, vector<16xf32>,
        %scan3A_741 = arith.constant 0 : i32
        %scan3A_742 = arith.constant 0 : i32
        %scan3A_743 = arith.constant 16 : i32
        %scan3A_744 = arith.addi %scan3A_742, %scan3A_743 : i32
        %scan3A_745 = arith.constant 1 : i32
        %scan3A_746 = scf.for %scan3A_773 = %scan3A_742 to %scan3A_744 step %scan3A_745 iter_args(%scan3A_774 = %scan3A_741) -> (i32)  : i32 {
          %broadcast_in_dim3A_775 = vector.broadcast %scan3A_773 : i32 to vector<16xi32>
          %lt3A_776 = arith.constant 0 : i32
          %lt3A_777 = vector.broadcast %lt3A_776 : i32 to vector<16xi32>
          %lt3A_778 = arith.cmpi slt, %broadcast_in_dim3A_775, %lt3A_777 : vector<16xi32>
          %add3A_779 = arith.constant 16 : i32
          %add3A_780 = vector.broadcast %add3A_779 : i32 to vector<16xi32>
          %add3A_781 = arith.addi %broadcast_in_dim3A_775, %add3A_780 : vector<16xi32>
          %select_n3A = arith.select %lt3A_778, %add3A_781, %broadcast_in_dim3A_775 : vector<16xi1>, vector<16xi32>
          %broadcast_in_dim3A_782 = vector.shape_cast %select_n3A : vector<16xi32> to vector<16x1xi32>
          %gather3A = vector.shape_cast %broadcast_in_dim3A_782 : vector<16x1xi32> to vector<16xi32>
          %gather3A_783 = tpu.dynamic_gather %get3A_740[%gather3A] in [0] : vector<16xf32>, vector<16xi32> -> vector<16xf32>
          %add3A_784 = arith.constant 32 : i32
          %add3A_785 = arith.addi %add3A_784, %scan3A_773 : i32
          %get3A_786 = arith.index_cast %add3A_785 : i32 to index
          %get3A_787 = arith.constant 0 : index
          %get3A_788 = tpu.vector_load %arg15[%get3A_786, %get3A_787] {strides = array<i32>} : memref<48x128xf32, #tpu.memory_space<vmem>>, vector<16xf32>,
          %mul3A_789 = arith.mulf %get3A_788, %gather3A_783 : vector<16xf32>
          %swap3A = arith.index_cast %add3A_785 : i32 to index
          %swap3A_790 = arith.constant 0 : index
          %swap3A_791 = tpu.vector_load %arg15[%swap3A, %swap3A_790] {strides = array<i32>} : memref<48x128xf32, #tpu.memory_space<vmem>>, vector<16xf32>,
          tpu.vector_store %arg15[%swap3A, %swap3A_790], %mul3A_789 {strides = array<i32>} : memref<48x128xf32, #tpu.memory_space<vmem>>, vector<16xf32>,
          %get3A_792 = arith.index_cast %add3A_785 : i32 to index
          %get3A_793 = arith.constant 16 : index
          %get3A_794 = tpu.vector_load %arg15[%get3A_792, %get3A_793] {strides = array<i32>} : memref<48x128xf32, #tpu.memory_space<vmem>>, vector<16xf32>,
          %mul3A_795 = arith.mulf %get3A_794, %gather3A_783 : vector<16xf32>
          %swap3A_796 = arith.index_cast %add3A_785 : i32 to index
          %swap3A_797 = arith.constant 16 : index
          %swap3A_798 = tpu.vector_load %arg15[%swap3A_796, %swap3A_797] {strides = array<i32>} : memref<48x128xf32, #tpu.memory_space<vmem>>, vector<16xf32>,
          tpu.vector_store %arg15[%swap3A_796, %swap3A_797], %mul3A_795 {strides = array<i32>} : memref<48x128xf32, #tpu.memory_space<vmem>>, vector<16xf32>,
          %get3A_799 = arith.index_cast %add3A_785 : i32 to index
          %get3A_800 = arith.constant 32 : index
          %get3A_801 = tpu.vector_load %arg15[%get3A_799, %get3A_800] {strides = array<i32>} : memref<48x128xf32, #tpu.memory_space<vmem>>, vector<16xf32>,
          %mul3A_802 = arith.mulf %get3A_801, %gather3A_783 : vector<16xf32>
          %swap3A_803 = arith.index_cast %add3A_785 : i32 to index
          %swap3A_804 = arith.constant 32 : index
          %swap3A_805 = tpu.vector_load %arg15[%swap3A_803, %swap3A_804] {strides = array<i32>} : memref<48x128xf32, #tpu.memory_space<vmem>>, vector<16xf32>,
          tpu.vector_store %arg15[%swap3A_803, %swap3A_804], %mul3A_802 {strides = array<i32>} : memref<48x128xf32, #tpu.memory_space<vmem>>, vector<16xf32>,
          %get3A_806 = arith.index_cast %add3A_785 : i32 to index
          %get3A_807 = arith.constant 48 : index
          %get3A_808 = tpu.vector_load %arg15[%get3A_806, %get3A_807] {strides = array<i32>} : memref<48x128xf32, #tpu.memory_space<vmem>>, vector<16xf32>,
          %mul3A_809 = arith.mulf %get3A_808, %gather3A_783 : vector<16xf32>
          %swap3A_810 = arith.index_cast %add3A_785 : i32 to index
          %swap3A_811 = arith.constant 48 : index
          %swap3A_812 = tpu.vector_load %arg15[%swap3A_810, %swap3A_811] {strides = array<i32>} : memref<48x128xf32, #tpu.memory_space<vmem>>, vector<16xf32>,
          tpu.vector_store %arg15[%swap3A_810, %swap3A_811], %mul3A_809 {strides = array<i32>} : memref<48x128xf32, #tpu.memory_space<vmem>>, vector<16xf32>,
          %get3A_813 = arith.index_cast %add3A_785 : i32 to index
          %get3A_814 = arith.constant 64 : index
          %get3A_815 = tpu.vector_load %arg15[%get3A_813, %get3A_814] {strides = array<i32>} : memref<48x128xf32, #tpu.memory_space<vmem>>, vector<16xf32>,
          %mul3A_816 = arith.mulf %get3A_815, %gather3A_783 : vector<16xf32>
          %swap3A_817 = arith.index_cast %add3A_785 : i32 to index
          %swap3A_818 = arith.constant 64 : index
          %swap3A_819 = tpu.vector_load %arg15[%swap3A_817, %swap3A_818] {strides = array<i32>} : memref<48x128xf32, #tpu.memory_space<vmem>>, vector<16xf32>,
          tpu.vector_store %arg15[%swap3A_817, %swap3A_818], %mul3A_816 {strides = array<i32>} : memref<48x128xf32, #tpu.memory_space<vmem>>, vector<16xf32>,
          %get3A_820 = arith.index_cast %add3A_785 : i32 to index
          %get3A_821 = arith.constant 80 : index
          %get3A_822 = tpu.vector_load %arg15[%get3A_820, %get3A_821] {strides = array<i32>} : memref<48x128xf32, #tpu.memory_space<vmem>>, vector<16xf32>,
          %mul3A_823 = arith.mulf %get3A_822, %gather3A_783 : vector<16xf32>
          %swap3A_824 = arith.index_cast %add3A_785 : i32 to index
          %swap3A_825 = arith.constant 80 : index
          %swap3A_826 = tpu.vector_load %arg15[%swap3A_824, %swap3A_825] {strides = array<i32>} : memref<48x128xf32, #tpu.memory_space<vmem>>, vector<16xf32>,
          tpu.vector_store %arg15[%swap3A_824, %swap3A_825], %mul3A_823 {strides = array<i32>} : memref<48x128xf32, #tpu.memory_space<vmem>>, vector<16xf32>,
          %get3A_827 = arith.index_cast %add3A_785 : i32 to index
          %get3A_828 = arith.constant 96 : index
          %get3A_829 = tpu.vector_load %arg15[%get3A_827, %get3A_828] {strides = array<i32>} : memref<48x128xf32, #tpu.memory_space<vmem>>, vector<16xf32>,
          %mul3A_830 = arith.mulf %get3A_829, %gather3A_783 : vector<16xf32>
          %swap3A_831 = arith.index_cast %add3A_785 : i32 to index
          %swap3A_832 = arith.constant 96 : index
          %swap3A_833 = tpu.vector_load %arg15[%swap3A_831, %swap3A_832] {strides = array<i32>} : memref<48x128xf32, #tpu.memory_space<vmem>>, vector<16xf32>,
          tpu.vector_store %arg15[%swap3A_831, %swap3A_832], %mul3A_830 {strides = array<i32>} : memref<48x128xf32, #tpu.memory_space<vmem>>, vector<16xf32>,
          %get3A_834 = arith.index_cast %add3A_785 : i32 to index
          %get3A_835 = arith.constant 112 : index
          %get3A_836 = tpu.vector_load %arg15[%get3A_834, %get3A_835] {strides = array<i32>} : memref<48x128xf32, #tpu.memory_space<vmem>>, vector<16xf32>,
          %mul3A_837 = arith.mulf %get3A_836, %gather3A_783 : vector<16xf32>
          %swap3A_838 = arith.index_cast %add3A_785 : i32 to index
          %swap3A_839 = arith.constant 112 : index
          %swap3A_840 = tpu.vector_load %arg15[%swap3A_838, %swap3A_839] {strides = array<i32>} : memref<48x128xf32, #tpu.memory_space<vmem>>, vector<16xf32>,
          tpu.vector_store %arg15[%swap3A_838, %swap3A_839], %mul3A_837 {strides = array<i32>} : memref<48x128xf32, #tpu.memory_space<vmem>>, vector<16xf32>,
          %scan3A_841 = arith.constant 0 : i32
          scf.yield %scan3A_841 : i32
        }
        %scan3A_747 = arith.constant 16 : i32
        %dma_start3A_748 = arith.constant 0 : i32
        %dma_start3A_749 = tpu.memref_slice %arg9[%add3A_710, %dma_start3A_748] : memref<24x48xi32, #tpu.memory_space<vmem>> -> memref<1x48xi32, #tpu.memory_space<vmem>>
        %dma_start3A_750 = tpu.memref_squeeze %dma_start3A_749 : memref<1x48xi32, #tpu.memory_space<vmem>> -> memref<48xi32, #tpu.memory_space<vmem>>
        %dma_start3A_751 = arith.constant 0 : i32
        %dma_start3A_752 = arith.constant 0 : i32
        %dma_start3A_753 = tpu.memref_slice %arg16[%dma_start3A_751, %dma_start3A_752] : memref<10240x128xf32, #tpu.memory_space<vmem_shared>> -> memref<10240x128xf32, #tpu.memory_space<vmem_shared>>
        tpu.enqueue_indirect_dma source(%arg15 : memref<48x128xf32, #tpu.memory_space<vmem>>) target(%dma_start3A_753 : memref<10240x128xf32, #tpu.memory_space<vmem_shared>>) offsets(%dma_start3A_750 : memref<48xi32, #tpu.memory_space<vmem>>) semaphore(%arg24 : memref<!tpu.dma_semaphore, #tpu.memory_space<semaphore_mem>>) {add = true}
        %dma_wait3A_754 = arith.constant 0 : i32
        %dma_wait3A_755 = tpu.memref_slice %arg9[%add3A_710, %dma_wait3A_754] : memref<24x48xi32, #tpu.memory_space<vmem>> -> memref<1x48xi32, #tpu.memory_space<vmem>>
        %dma_wait3A_756 = tpu.memref_squeeze %dma_wait3A_755 : memref<1x48xi32, #tpu.memory_space<vmem>> -> memref<48xi32, #tpu.memory_space<vmem>>
        %dma_wait3A_757 = arith.constant 0 : i32
        %dma_wait3A_758 = arith.constant 0 : i32
        %dma_wait3A_759 = tpu.memref_slice %arg16[%dma_wait3A_757, %dma_wait3A_758] : memref<10240x128xf32, #tpu.memory_space<vmem_shared>> -> memref<10240x128xf32, #tpu.memory_space<vmem_shared>>
        tpu.wait_indirect_dma semaphore(%arg22 : memref<!tpu.dma_semaphore, #tpu.memory_space<semaphore_mem>>) src(%arg13 : memref<48x128xf32, #tpu.memory_space<vmem>>) dst(%dma_wait3A_759 : memref<10240x128xf32, #tpu.memory_space<vmem_shared>>)
        %lt3A_760 = arith.constant 5 : i32
        %lt3A_761 = arith.cmpi slt, %scan3A_511, %lt3A_760 : i32
        %convert_element_type3A_762 = arith.extui %lt3A_761 : i1 to i32
        %cond3A_763 = arith.constant 0 : i32
        %cond3A_764 = arith.cmpi ne, %convert_element_type3A_762, %cond3A_763 : i32
        scf.if %cond3A_764 {
          %add3A_773 = arith.constant 2 : i32
          %add3A_774 = arith.addi %add3A_710, %add3A_773 : i32
          %dma_start3A_775 = arith.constant 0 : i32
          %dma_start3A_776 = tpu.memref_slice %arg8[%add3A_774, %dma_start3A_775] : memref<24x48xi32, #tpu.memory_space<vmem>> -> memref<1x48xi32, #tpu.memory_space<vmem>>
          %dma_start3A_777 = tpu.memref_squeeze %dma_start3A_776 : memref<1x48xi32, #tpu.memory_space<vmem>> -> memref<48xi32, #tpu.memory_space<vmem>>
          %dma_start3A_778 = arith.constant 0 : i32
          %dma_start3A_779 = arith.constant 0 : i32
          %dma_start3A_780 = tpu.memref_slice %arg2[%dma_start3A_778, %dma_start3A_779] : memref<10000x128xf32, #tpu.memory_space<hbm>> -> memref<10000x128xf32, #tpu.memory_space<hbm>>
          tpu.enqueue_indirect_dma source(%dma_start3A_780 : memref<10000x128xf32, #tpu.memory_space<hbm>>) target(%arg13 : memref<48x128xf32, #tpu.memory_space<vmem>>) offsets(%dma_start3A_777 : memref<48xi32, #tpu.memory_space<vmem>>) semaphore(%arg18 : memref<!tpu.dma_semaphore, #tpu.memory_space<semaphore_mem>>)
        } else {
        }
        %scan3A_765 = arith.constant 0 : i32
        %scan3A_766 = arith.constant 0 : i32
        %scan3A_767 = arith.constant 3 : i32
        %scan3A_768 = arith.addi %scan3A_766, %scan3A_767 : i32
        %scan3A_769 = arith.constant 1 : i32
        %scan3A_770 = scf.for %scan3A_773 = %scan3A_766 to %scan3A_768 step %scan3A_769 iter_args(%scan3A_774 = %scan3A_765) -> (i32)  : i32 {
          %mul3A_775 = arith.constant 16 : i32
          %mul3A_776 = arith.muli %scan3A_773, %mul3A_775 : i32
          %get3A_777 = arith.index_cast %add3A_710 : i32 to index
          %get3A_778 = arith.index_cast %mul3A_776 : i32 to index
          %get3A_779 = tpu.vector_load %arg9[%get3A_777, %get3A_778] {strides = array<i32>} : memref<24x48xi32, #tpu.memory_space<vmem>>, vector<16xi32>,
          tpu.vector_store_idx %arg11[%get3A_779], %broadcast_in_dim3A_460 {add = true} : memref<10240xf32, #tpu.memory_space<vmem>>[vector<16xi32>], vector<16xf32>,
          %scan3A_780 = arith.constant 0 : i32
          scf.yield %scan3A_780 : i32
        }
        %scan3A_771 = arith.constant 3 : i32
        %scan3A_772 = arith.constant 0 : i32
        scf.yield %scan3A_772 : i32
      }
      %scan3A_495 = arith.constant 6 : i32
      %dma_wait3A_496 = arith.constant 22 : i32
      %dma_wait3A_497 = arith.constant 0 : i32
      %dma_wait3A_498 = tpu.memref_slice %arg9[%dma_wait3A_496, %dma_wait3A_497] : memref<24x48xi32, #tpu.memory_space<vmem>> -> memref<1x48xi32, #tpu.memory_space<vmem>>
      %dma_wait3A_499 = tpu.memref_squeeze %dma_wait3A_498 : memref<1x48xi32, #tpu.memory_space<vmem>> -> memref<48xi32, #tpu.memory_space<vmem>>
      %dma_wait3A_500 = arith.constant 0 : i32
      %dma_wait3A_501 = arith.constant 0 : i32
      %dma_wait3A_502 = tpu.memref_slice %arg16[%dma_wait3A_500, %dma_wait3A_501] : memref<10240x128xf32, #tpu.memory_space<vmem_shared>> -> memref<10240x128xf32, #tpu.memory_space<vmem_shared>>
      tpu.wait_indirect_dma semaphore(%arg23 : memref<!tpu.dma_semaphore, #tpu.memory_space<semaphore_mem>>) src(%arg14 : memref<48x128xf32, #tpu.memory_space<vmem>>) dst(%dma_wait3A_502 : memref<10240x128xf32, #tpu.memory_space<vmem_shared>>)
      %dma_wait3A_503 = arith.constant 23 : i32
      %dma_wait3A_504 = arith.constant 0 : i32
      %dma_wait3A_505 = tpu.memref_slice %arg9[%dma_wait3A_503, %dma_wait3A_504] : memref<24x48xi32, #tpu.memory_space<vmem>> -> memref<1x48xi32, #tpu.memory_space<vmem>>
      %dma_wait3A_506 = tpu.memref_squeeze %dma_wait3A_505 : memref<1x48xi32, #tpu.memory_space<vmem>> -> memref<48xi32, #tpu.memory_space<vmem>>
      %dma_wait3A_507 = arith.constant 0 : i32
      %dma_wait3A_508 = arith.constant 0 : i32
      %dma_wait3A_509 = tpu.memref_slice %arg16[%dma_wait3A_507, %dma_wait3A_508] : memref<10240x128xf32, #tpu.memory_space<vmem_shared>> -> memref<10240x128xf32, #tpu.memory_space<vmem_shared>>
      tpu.wait_indirect_dma semaphore(%arg24 : memref<!tpu.dma_semaphore, #tpu.memory_space<semaphore_mem>>) src(%arg15 : memref<48x128xf32, #tpu.memory_space<vmem>>) dst(%dma_wait3A_509 : memref<10240x128xf32, #tpu.memory_space<vmem_shared>>)
      %scan3A_510 = arith.constant 0 : i32
      scf.yield %scan3A_510 : i32
    }
    %scan3A_467 = arith.constant 9 : i32
    %barrier3A_468 = arith.constant 0 : index
    tpu.barrier barrier_id(%barrier3A_468)
    %mul3A_469 = arith.constant 640 : i32
    %mul3A_470 = arith.muli %arg1, %mul3A_469 : i32
    %mul3A_471 = arith.constant 640 : i32
    %mul3A_472 = arith.muli %arg1, %mul3A_471 : i32
    "tpu.region"() ({
      %run_scoped3A = tpu.sem_alloc : memref<!tpu.dma_semaphore, #tpu.memory_space<semaphore_mem>>
      %dma_start3A_473 = arith.constant 0 : i32
      %dma_start3A_474 = arith.constant 0 : i32
      %dma_start3A_475 = tpu.memref_slice %arg6[%arg0, %dma_start3A_473, %dma_start3A_474] : memref<2x10240x128xf32, #tpu.memory_space<hbm>> -> memref<1x10240x128xf32, #tpu.memory_space<hbm>>
      %dma_start3A_476 = tpu.memref_squeeze %dma_start3A_475 : memref<1x10240x128xf32, #tpu.memory_space<hbm>> -> memref<10240x128xf32, #tpu.memory_space<hbm>>
      %dma_start3A_477 = arith.constant 0 : i32
      %dma_start3A_478 = tpu.memref_slice %dma_start3A_476[%mul3A_472, %dma_start3A_477] : memref<10240x128xf32, #tpu.memory_space<hbm>> -> memref<640x128xf32, #tpu.memory_space<hbm>>
      %dma_start3A_479 = arith.constant 0 : i32
      %dma_start3A_480 = tpu.memref_slice %arg16[%mul3A_470, %dma_start3A_479] : memref<10240x128xf32, #tpu.memory_space<vmem_shared>> -> memref<640x128xf32, #tpu.memory_space<vmem_shared>>
      tpu.enqueue_dma source(%dma_start3A_480 : memref<640x128xf32, #tpu.memory_space<vmem_shared>>) target(%dma_start3A_478 : memref<640x128xf32, #tpu.memory_space<hbm>>) target_semaphore(%run_scoped3A : memref<!tpu.dma_semaphore, #tpu.memory_space<semaphore_mem>>)
      %dma_wait3A_481 = arith.constant 0 : i32
      %dma_wait3A_482 = arith.constant 0 : i32
      %dma_wait3A_483 = tpu.memref_slice %arg6[%arg0, %dma_wait3A_481, %dma_wait3A_482] : memref<2x10240x128xf32, #tpu.memory_space<hbm>> -> memref<1x10240x128xf32, #tpu.memory_space<hbm>>
      %dma_wait3A_484 = tpu.memref_squeeze %dma_wait3A_483 : memref<1x10240x128xf32, #tpu.memory_space<hbm>> -> memref<10240x128xf32, #tpu.memory_space<hbm>>
      %dma_wait3A_485 = arith.constant 0 : i32
      %dma_wait3A_486 = tpu.memref_slice %dma_wait3A_484[%mul3A_472, %dma_wait3A_485] : memref<10240x128xf32, #tpu.memory_space<hbm>> -> memref<640x128xf32, #tpu.memory_space<hbm>>
      %dma_wait3A_487 = arith.constant 0 : i32
      %dma_wait3A_488 = tpu.memref_slice %arg16[%mul3A_470, %dma_wait3A_487] : memref<10240x128xf32, #tpu.memory_space<vmem_shared>> -> memref<640x128xf32, #tpu.memory_space<vmem_shared>>
      tpu.wait_dma2 semaphore(%run_scoped3A : memref<!tpu.dma_semaphore, #tpu.memory_space<semaphore_mem>>) src(%dma_wait3A_488 : memref<640x128xf32, #tpu.memory_space<vmem_shared>>) dst(%dma_wait3A_486 : memref<640x128xf32, #tpu.memory_space<hbm>>)
      tpu.yield
    }) : () -> ()
    "tpu.region"() ({
      %run_scoped3A = tpu.sem_alloc : memref<!tpu.dma_semaphore, #tpu.memory_space<semaphore_mem>>
      %dma_start3A_473 = arith.constant 0 : i32
      %dma_start3A_474 = tpu.memref_slice %arg7[%add3A, %dma_start3A_473] : memref<32x10240xf32, #tpu.memory_space<hbm>> -> memref<1x10240xf32, #tpu.memory_space<hbm>>
      %dma_start3A_475 = tpu.memref_squeeze %dma_start3A_474 : memref<1x10240xf32, #tpu.memory_space<hbm>> -> memref<10240xf32, #tpu.memory_space<hbm>>
      %dma_start3A_476 = arith.constant 0 : i32
      %dma_start3A_477 = tpu.memref_slice %arg7[%add3A, %dma_start3A_476] : memref<32x10240xf32, #tpu.memory_space<hbm>> -> memref<1x10240xf32, #tpu.memory_space<hbm>>
      %dma_start3A_478 = tpu.memref_squeeze %dma_start3A_477 : memref<1x10240xf32, #tpu.memory_space<hbm>> -> memref<10240xf32, #tpu.memory_space<hbm>>
      tpu.enqueue_dma source(%arg11 : memref<10240xf32, #tpu.memory_space<vmem>>) target(%dma_start3A_478 : memref<10240xf32, #tpu.memory_space<hbm>>) target_semaphore(%run_scoped3A : memref<!tpu.dma_semaphore, #tpu.memory_space<semaphore_mem>>)
      %dma_wait3A_479 = arith.constant 0 : i32
      %dma_wait3A_480 = tpu.memref_slice %arg7[%add3A, %dma_wait3A_479] : memref<32x10240xf32, #tpu.memory_space<hbm>> -> memref<1x10240xf32, #tpu.memory_space<hbm>>
      %dma_wait3A_481 = tpu.memref_squeeze %dma_wait3A_480 : memref<1x10240xf32, #tpu.memory_space<hbm>> -> memref<10240xf32, #tpu.memory_space<hbm>>
      %dma_wait3A_482 = arith.constant 0 : i32
      %dma_wait3A_483 = tpu.memref_slice %arg7[%add3A, %dma_wait3A_482] : memref<32x10240xf32, #tpu.memory_space<hbm>> -> memref<1x10240xf32, #tpu.memory_space<hbm>>
      %dma_wait3A_484 = tpu.memref_squeeze %dma_wait3A_483 : memref<1x10240xf32, #tpu.memory_space<hbm>> -> memref<10240xf32, #tpu.memory_space<hbm>>
      tpu.wait_dma2 semaphore(%run_scoped3A : memref<!tpu.dma_semaphore, #tpu.memory_space<semaphore_mem>>) src(%arg11 : memref<10240xf32, #tpu.memory_space<vmem>>) dst(%dma_wait3A_484 : memref<10240xf32, #tpu.memory_space<hbm>>)
      tpu.yield
    }) : () -> ()
    return
  }
}

module attributes {stable_mosaic.version = 14 : i64} {
  func.func @_tc_body(%arg0: i32, %arg1: memref<2x2048x128xf32, #tpu.memory_space<vmem>>, %arg2: memref<32x2048xf32, #tpu.memory_space<vmem>>, %arg3: memref<2048x128xf32, #tpu.memory_space<vmem>>, %arg4: memref<128x128xf32, #tpu.memory_space<vmem>>, %arg5: memref<1x128xf32, #tpu.memory_space<vmem>>, %arg6: memref<1x128xf32, #tpu.memory_space<vmem>>, %arg7: memref<1x128xf32, #tpu.memory_space<vmem>>, %arg8: memref<2048x128xf32, #tpu.memory_space<vmem>>) attributes {dimension_semantics = [#tpu.dimension_semantics<arbitrary>], iteration_bounds = array<i64: 5>, scalar_prefetch = 0 : i64, scratch_operands = 0 : i64, tpu.core_type = #tpu.core_type<tc>, window_params = [{transform_indices = @transform_0, window_bounds = array<i64: 2, 2048, 128>}, {transform_indices = @transform_1, window_bounds = array<i64: 32, 2048>}, {transform_indices = @transform_2, window_bounds = array<i64: 2048, 128>}, {pipeline_mode = #tpu.pipeline_mode<synchronous>, transform_indices = @transform_3, window_bounds = array<i64: 128, 128>}, {pipeline_mode = #tpu.pipeline_mode<synchronous>, transform_indices = @transform_4, window_bounds = array<i64: 1, 128>}, {pipeline_mode = #tpu.pipeline_mode<synchronous>, transform_indices = @transform_5, window_bounds = array<i64: 1, 128>}, {pipeline_mode = #tpu.pipeline_mode<synchronous>, transform_indices = @transform_6, window_bounds = array<i64: 1, 128>}, {transform_indices = @transform_7, window_bounds = array<i64: 2048, 128>}]} {
    %get3A = arith.constant 0 : index
    %get3A_0 = arith.constant 0 : index
    %get3A_1 = arith.constant 0 : index
    %get3A_2 = vector.load %arg1[%get3A, %get3A_0, %get3A_1] : memref<2x2048x128xf32, #tpu.memory_space<vmem>>, vector<1x2048x128xf32>
    %get3A_3 = vector.shape_cast %get3A_2 : vector<1x2048x128xf32> to vector<2048x128xf32>
    %get3A_4 = arith.constant 1 : index
    %get3A_5 = arith.constant 0 : index
    %get3A_6 = arith.constant 0 : index
    %get3A_7 = vector.load %arg1[%get3A_4, %get3A_5, %get3A_6] : memref<2x2048x128xf32, #tpu.memory_space<vmem>>, vector<1x2048x128xf32>
    %get3A_8 = vector.shape_cast %get3A_7 : vector<1x2048x128xf32> to vector<2048x128xf32>
    %add3A = arith.addf %get3A_3, %get3A_8 : vector<2048x128xf32>
    %get3A_9 = arith.constant 0 : index
    %get3A_10 = arith.constant 0 : index
    %get3A_11 = vector.load %arg2[%get3A_9, %get3A_10] : memref<32x2048xf32, #tpu.memory_space<vmem>>, vector<32x2048xf32>
    %reduce_sum3A = arith.constant dense<0.000000e+00> : vector<2048xf32>
    %reduce_sum3A_12 = vector.multi_reduction <add>, %get3A_11, %reduce_sum3A [0] : vector<32x2048xf32> to vector<2048xf32>
    %broadcast_in_dim3A = vector.shape_cast %reduce_sum3A_12 : vector<2048xf32> to vector<1x2048xf32>
    %get3A_13 = arith.constant 0 : index
    %get3A_14 = arith.constant 0 : index
    %get3A_15 = vector.load %arg3[%get3A_13, %get3A_14] : memref<2048x128xf32, #tpu.memory_space<vmem>>, vector<2048x128xf32>
    %add3A_16 = arith.addf %add3A, %get3A_15 : vector<2048x128xf32>
    %transpose3A = tpu.transpose %broadcast_in_dim3A, [1, 0] : vector<1x2048xf32> -> vector<2048x1xf32>
    %add3A_17 = arith.constant 1.000000e+00 : f32
    %add3A_18 = vector.broadcast %add3A_17 : f32 to vector<2048x1xf32>
    %add3A_19 = arith.addf %transpose3A, %add3A_18 : vector<2048x1xf32>
    %div3A = vector.broadcast %add3A_19 : vector<2048x1xf32> to vector<2048x128xf32>
    %div3A_20 = arith.divf %add3A_16, %div3A : vector<2048x128xf32>
    %get3A_21 = arith.constant 0 : index
    %get3A_22 = arith.constant 0 : index
    %get3A_23 = vector.load %arg4[%get3A_21, %get3A_22] : memref<128x128xf32, #tpu.memory_space<vmem>>, vector<128x128xf32>
    %dot_general3A = arith.constant dense<0.000000e+00> : vector<2048x128xf32>
    %dot_general3A_24 = tpu.matmul %div3A_20, %get3A_23, %dot_general3A {dimension_numbers = #tpu.dot_dimension_numbers<[1], [1], [0], [0], [0, 0, 1, 0], [], []>, transpose_lhs_hint = false} : vector<2048x128xf32>, vector<128x128xf32>, vector<2048x128xf32> -> vector<2048x128xf32>
    %get3A_25 = arith.constant 0 : index
    %get3A_26 = arith.constant 0 : index
    %get3A_27 = vector.load %arg5[%get3A_25, %get3A_26] : memref<1x128xf32, #tpu.memory_space<vmem>>, vector<1x128xf32>
    %add3A_28 = vector.broadcast %get3A_27 : vector<1x128xf32> to vector<2048x128xf32>
    %add3A_29 = arith.addf %dot_general3A_24, %add3A_28 : vector<2048x128xf32>
    %reduce_sum3A_30 = arith.constant dense<0.000000e+00> : vector<2048xf32>
    %reduce_sum3A_31 = vector.multi_reduction <add>, %add3A_29, %reduce_sum3A_30 [1] : vector<2048x128xf32> to vector<2048xf32>
    %broadcast_in_dim3A_32 = vector.shape_cast %reduce_sum3A_31 : vector<2048xf32> to vector<2048x1xf32>
    %div3A_33 = arith.constant 1.280000e+02 : f32
    %div3A_34 = vector.broadcast %div3A_33 : f32 to vector<2048x1xf32>
    %div3A_35 = arith.divf %broadcast_in_dim3A_32, %div3A_34 : vector<2048x1xf32>
    %sub3A = vector.broadcast %div3A_35 : vector<2048x1xf32> to vector<2048x128xf32>
    %sub3A_36 = arith.subf %add3A_29, %sub3A : vector<2048x128xf32>
    %mul3A = arith.mulf %sub3A_36, %sub3A_36 : vector<2048x128xf32>
    %reduce_sum3A_37 = arith.constant dense<0.000000e+00> : vector<2048xf32>
    %reduce_sum3A_38 = vector.multi_reduction <add>, %mul3A, %reduce_sum3A_37 [1] : vector<2048x128xf32> to vector<2048xf32>
    %broadcast_in_dim3A_39 = vector.shape_cast %reduce_sum3A_38 : vector<2048xf32> to vector<2048x1xf32>
    %div3A_40 = arith.constant 1.280000e+02 : f32
    %div3A_41 = vector.broadcast %div3A_40 : f32 to vector<2048x1xf32>
    %div3A_42 = arith.divf %broadcast_in_dim3A_39, %div3A_41 : vector<2048x1xf32>
    %add3A_43 = arith.constant 9.99999974E-6 : f32
    %add3A_44 = vector.broadcast %add3A_43 : f32 to vector<2048x1xf32>
    %add3A_45 = arith.addf %div3A_42, %add3A_44 : vector<2048x1xf32>
    %rsqrt3A = math.rsqrt %add3A_45 : vector<2048x1xf32>
    %mul3A_46 = vector.broadcast %rsqrt3A : vector<2048x1xf32> to vector<2048x128xf32>
    %mul3A_47 = arith.mulf %sub3A_36, %mul3A_46 : vector<2048x128xf32>
    %get3A_48 = arith.constant 0 : index
    %get3A_49 = arith.constant 0 : index
    %get3A_50 = vector.load %arg6[%get3A_48, %get3A_49] : memref<1x128xf32, #tpu.memory_space<vmem>>, vector<1x128xf32>
    %mul3A_51 = vector.broadcast %get3A_50 : vector<1x128xf32> to vector<2048x128xf32>
    %mul3A_52 = arith.mulf %mul3A_47, %mul3A_51 : vector<2048x128xf32>
    %get3A_53 = arith.constant 0 : index
    %get3A_54 = arith.constant 0 : index
    %get3A_55 = vector.load %arg7[%get3A_53, %get3A_54] : memref<1x128xf32, #tpu.memory_space<vmem>>, vector<1x128xf32>
    %add3A_56 = vector.broadcast %get3A_55 : vector<1x128xf32> to vector<2048x128xf32>
    %add3A_57 = arith.addf %mul3A_52, %add3A_56 : vector<2048x128xf32>
    %max3A = arith.constant 0.000000e+00 : f32
    %max3A_58 = vector.broadcast %max3A : f32 to vector<2048x128xf32>
    %max3A_59 = arith.maximumf %add3A_57, %max3A_58 : vector<2048x128xf32>
    %swap3A = arith.constant 0 : index
    %swap3A_60 = arith.constant 0 : index
    %swap3A_61 = vector.load %arg8[%swap3A, %swap3A_60] : memref<2048x128xf32, #tpu.memory_space<vmem>>, vector<2048x128xf32>
    tpu.vector_store %arg8[%swap3A, %swap3A_60], %max3A_59 {strides = array<i32>} : memref<2048x128xf32, #tpu.memory_space<vmem>>, vector<2048x128xf32>,
    return
  }
  func.func @transform_0(%arg0: i32) -> (i32, i32, i32) {
    %c0_i32 = arith.constant 0 : i32
    %c0_i32_0 = arith.constant 0 : i32
    %c0_i32_1 = arith.constant 0 : i32
    return %c0_i32, %arg0, %c0_i32_0 : i32, i32, i32
  }
  func.func @transform_1(%arg0: i32) -> (i32, i32) {
    %c0_i32 = arith.constant 0 : i32
    %c0_i32_0 = arith.constant 0 : i32
    return %c0_i32, %arg0 : i32, i32
  }
  func.func @transform_2(%arg0: i32) -> (i32, i32) {
    %c0_i32 = arith.constant 0 : i32
    %c0_i32_0 = arith.constant 0 : i32
    return %arg0, %c0_i32 : i32, i32
  }
  func.func @transform_3(%arg0: i32) -> (i32, i32) {
    %c0_i32 = arith.constant 0 : i32
    %c0_i32_0 = arith.constant 0 : i32
    %c0_i32_1 = arith.constant 0 : i32
    return %c0_i32, %c0_i32_0 : i32, i32
  }
  func.func @transform_4(%arg0: i32) -> (i32, i32) {
    %c0_i32 = arith.constant 0 : i32
    %c0_i32_0 = arith.constant 0 : i32
    %c0_i32_1 = arith.constant 0 : i32
    return %c0_i32, %c0_i32_0 : i32, i32
  }
  func.func @transform_5(%arg0: i32) -> (i32, i32) {
    %c0_i32 = arith.constant 0 : i32
    %c0_i32_0 = arith.constant 0 : i32
    %c0_i32_1 = arith.constant 0 : i32
    return %c0_i32, %c0_i32_0 : i32, i32
  }
  func.func @transform_6(%arg0: i32) -> (i32, i32) {
    %c0_i32 = arith.constant 0 : i32
    %c0_i32_0 = arith.constant 0 : i32
    %c0_i32_1 = arith.constant 0 : i32
    return %c0_i32, %c0_i32_0 : i32, i32
  }
  func.func @transform_7(%arg0: i32) -> (i32, i32) {
    %c0_i32 = arith.constant 0 : i32
    %c0_i32_0 = arith.constant 0 : i32
    return %arg0, %c0_i32 : i32, i32
  }
}

</mosaic_0001>

<sc_bundles>
// kernel: kernel.4.cloned.1.call-start
scs
__scs_entry_jumppad:
0x0: {  	(pc) =	sbr.rel $0x88, $3  }
0x1: {  	(tag) =	ssettag $0x0;
	lr =	simm.s32 $0x1  }
0x2: {  	[smem:$0x3F9A] =	sst lr;
	_ =	strace $0xD0000000  }
0x3: {  	_ = 	snop  }
0x4: {  	_ = 	snop  }
0x5: {  	_ = 	snop  }
0x6: {  	_ = 	snop  }
0x7: {  	_ = 	snop  }
__scs_overlays_trampoline_lowered:
0x8: {  	[smem:$0x3FA9] =	sst s0  }
0x9: {  	[smem:$0x3FAA] =	sst s1  }
0xa: {  	[smem:$0x3FAB] =	sst s2  }
0xb: {  	[smem:$0x3FAC] =	sst s3  }
0xc: {  	[smem:$0x3FAD] =	sst s4  }
0xd: {  	[smem:$0x3FAE] =	sst s5  }
0xe: {  	[smem:$0x3FAF] =	sst s6  }
0xf: {  	[smem:$0x3FB0] =	sst s7  }
0x10: {  	[smem:$0x3FB1] =	sst s8  }
0x11: {  	[smem:$0x3FB2] =	sst s9;
	s0 =	simm.s32 @!p0 $0x0  }
0x12: {  	s1 =	sld [smem:$0x3F98];
	s0 =	simm.s32 @p0 $0x1  }
0x13: {  	[smem:$0x3FB3] =	sst s0;
	s0 =	simm.s32 @!p1 $0x0  }
0x14: {  	s2 =	sld [smem:$0x3F97];
	s0 =	simm.s32 @p1 $0x1  }
0x15: {  	[smem:$0x3FB4] =	sst s0;
	s0 =	simm.s32 @!p2 $0x0  }
0x16: {  	s3 =	sld [smem:$0x3FDB];
	s0 =	simm.s32 @p2 $0x1  }
0x17: {  	s4 =	simm.s32 $0x1BF5;
	[smem:$0x3FB6] =	sst s0  }
0x18: {  	s0 =	sld [smem:$0x3F99];
	_ =	swait.ge [sflag:s4], $0x0  }
0x19: {  	s7 =	sld [smem:$0x3F9A]  }
0x1a: {  	s8 =	sadd.s32 $0xFFFFE003, lr  }
0x1b: {  	s9 =	sadd.s32 $0xFFFFFEF7, lr;
	s5 =	simm.s32 $0xFFFFFFFF;
	p2 =	slt.u32 s8, $0xFFFFF086  }
0x1c: {  	p1 =	slt.u32 s9, $0xF7A;
	s5 =	simm.s32 @!p2 $0x0  }
0x1d: {  	s5 =	simm.s32 @p1 $0x1;
	p0 =	seq.s32 s7, s2  }
0x1e: {  	s7 =	smul.u32 @!p0 $0xF7A, s2;
	p2 =	seq.s32 @!p0 s5, $0x0  }
0x1f: {  	s9 =	smul.u32 $0xF7A, s1;
	s8 =	simm.s32 @!p0 $0x1BF5;
	p2 =	por !p2, p0  }
0x20: {  	[sflag:s8] =	ssyncset.s32 @!p0 $0xFFFFF086;
	s6 =	sadd.s32 @!p0 s3, s7;
	s7 =	simm.s32 @!p0 $0x108  }
0x21: {  	s3 =	sadd.s32 s3, s9;
	s6 =	sadd.s32 @!p0 $0x88, s6;
	s7 =	simm.s32 @p2 $0x1082  }
0x22: {  	[simem:s7], [sflag:s8] =	dma.local @!p0 [hbm:s6], $0xF7A  }
0x23: {  	s9 =	sor.u32 $0xD0000000, s2;
	s6 =	simm.s32 $0x108;
	_ =	swait.ge @!p0 [sflag:s8], $0x0  }
0x24: {  	s3 =	sadd.s32 $0x88, s3;
	s6 =	simm.s32 @!p1 $0x1082;
	[sflag:s4] =	ssyncset.s32 $0xFFFFF086  }
0x25: {  	[simem:s6], [sflag:s4] =	dma.local [hbm:s3], $0xF7A  }
0x26: {  	[smem:$0x3F9A] =	sst s1;
	(tag) =	ssettag s2;
	_ =	strace s9  }
0x27: {  	s1 =	sld [smem:$0x3FAA]  }
0x28: {  	s2 =	sld [smem:$0x3FAB]  }
0x29: {  	s4 =	sld [smem:$0x3FAD]  }
0x2a: {  	p0 =	seq.s32 s5, $0x0;
	s5 =	sld [smem:$0x3FAE]  }
0x2b: {  	s6 =	sld [smem:$0x3FAF]  }
0x2c: {  	s7 =	sld [smem:$0x3FB0]  }
0x2d: {  	s3 =	simm.s32 $0x108;
	s8 =	sld [smem:$0x3FB1]  }
0x2e: {  	s3 =	simm.s32 @!p0 $0x1082;
	s9 =	sld [smem:$0x3FB2]  }
0x2f: {  	lr =	sadd.s32 s0, s3;
	s0 =	sld [smem:$0x3FA9]  }
0x30: {  	s3 =	sld [smem:$0x3FAC]  }
0x31: {  	[smem:$0x3FB5] =	sst s10  }
0x32: {  	s10 =	sld [smem:$0x3FB3];
	_ =	sdelay $0x3  }
0x33: {  	p0 =	seq.s32 s10, $0x1;
	s10 =	sld [smem:$0x3FB5];
	_ =	sdelay $0x3  }
0x34: {  	[smem:$0x3FB5] =	sst s10  }
0x35: {  	s10 =	sld [smem:$0x3FB4];
	_ =	sdelay $0x3  }
0x36: {  	p1 =	seq.s32 s10, $0x1;
	s10 =	sld [smem:$0x3FB5];
	_ =	sdelay $0x3  }
0x37: {  	[smem:$0x3FB5] =	sst s10  }
0x38: {  	s10 =	sld [smem:$0x3FB6]  }
0x39: {  	_ = 	snop;
	(pc) =	sbr.ind lr, $3  }
0x3a: {  	_ = 	snop  }
0x3b: {  	_ = 	snop  }
0x3c: {  	p2 =	seq.s32 s10, $0x1;
	s10 =	sld [smem:$0x3FB5]  }
0x3d: {  	_ =	shalt  }
0x3e: {  	_ =	shalt  }
0x3f: {  	_ =	shalt  }
0x40: {  	_ =	shalt  }
0x41: {  	_ =	shalt  }
0x42: {  	_ =	shalt  }
0x43: {  	_ =	shalt  }
0x44: {  	_ =	shalt  }
0x45: {  	_ =	shalt  }
0x46: {  	_ =	shalt  }
0x47: {  	_ =	shalt  }
0x48: {  	_ =	shalt  }
0x49: {  	_ =	shalt  }
0x4a: {  	_ =	shalt  }
0x4b: {  	_ =	shalt  }
0x4c: {  	_ =	shalt  }
0x4d: {  	_ =	shalt  }
0x4e: {  	_ =	shalt  }
0x4f: {  	_ =	shalt  }
0x50: {  	_ =	shalt  }
0x51: {  	_ =	shalt  }
0x52: {  	_ =	shalt  }
0x53: {  	_ =	shalt  }
0x54: {  	_ =	shalt  }
0x55: {  	_ =	shalt  }
0x56: {  	_ =	shalt  }
0x57: {  	_ =	shalt  }
0x58: {  	_ =	shalt  }
0x59: {  	_ =	shalt  }
0x5a: {  	_ =	shalt  }
0x5b: {  	_ =	shalt  }
0x5c: {  	_ =	shalt  }
0x5d: {  	_ =	shalt  }
0x5e: {  	_ =	shalt  }
0x5f: {  	_ =	shalt  }
0x60: {  	_ =	shalt  }
0x61: {  	_ =	shalt  }
0x62: {  	_ =	shalt  }
0x63: {  	_ =	shalt  }
0x64: {  	_ =	shalt  }
0x65: {  	_ =	shalt  }
0x66: {  	_ =	shalt  }
0x67: {  	_ =	shalt  }
0x68: {  	_ =	shalt  }
0x69: {  	_ =	shalt  }
0x6a: {  	_ =	shalt  }
0x6b: {  	_ =	shalt  }
0x6c: {  	_ =	shalt  }
0x6d: {  	_ =	shalt  }
0x6e: {  	_ =	shalt  }
0x6f: {  	_ =	shalt  }
0x70: {  	_ =	shalt  }
0x71: {  	_ =	shalt  }
0x72: {  	_ =	shalt  }
0x73: {  	_ =	shalt  }
0x74: {  	_ =	shalt  }
0x75: {  	_ =	shalt  }
0x76: {  	_ =	shalt  }
0x77: {  	_ =	shalt  }
0x78: {  	_ =	shalt  }
0x79: {  	_ =	shalt  }
0x7a: {  	_ =	shalt  }
0x7b: {  	_ =	shalt  }
0x7c: {  	_ =	shalt  }
0x7d: {  	_ =	shalt  }
0x7e: {  	_ =	shalt  }
0x7f: {  	_ =	shalt  }
0x80: {  	_ =	shalt  }
0x81: {  	_ =	shalt  }
0x82: {  	_ =	shalt  }
0x83: {  	_ =	shalt  }
0x84: {  	_ =	shalt  }
0x85: {  	_ =	shalt  }
0x86: {  	_ =	shalt  }
0x87: {  	_ =	shalt  }
.Lfunc_end0:
.L_simem_size_0:
called_computation_lowered:
.L_overlay_start_0:
0x88: {  	s2 =	sld [smem:$0x3FD9]  }
0x89: {  	s3 =	sld [smem:$0x3FFE];
	_ =	sdelay $0x1  }
0x8a: {  	s1 =	srdreg.scid  }
0x8b: {  	s0 =	sand.u32 $0x1, s1  }
0x8c: {  	s17 =	sshll.u32 s0, $0xA;
	s2 =	sadd.s32 s3, s2  }
0x8d: {  	s2 =	sadd.s32 s2, s17  }
0x8e: {  	[smem:$0x3FC1] =	sst s2  }
0x8f: {  	_ = 	snop  }
0x90: {  	s2 =	sld [smem:$0x3FC9]  }
0x91: {  	s18 =	sld [smem:$0x3FD0];
	(tm) =	ssettm $0x1  }
0x92: {  	s4 =	sld [smem:$0x3FFB];
	_ =	sdelay $0x3  }
0x93: {  	_ =	strace s4  }
0x94: {  	s4 =	sld [smem:$0x3FFC];
	_ =	sdelay $0x3  }
0x95: {  	_ =	strace s4  }
0x96: {  	s4 =	sld [smem:$0x3FFD];
	_ =	sdelay $0x3  }
0x97: {  	_ =	strace s4  }
0x98: {  	_ =	strace $0x8FFFFFFF  }
0x99: {  	s19 =	sld [smem:$0x3FDB];
	_ =	sdelay $0x1  }
0x9a: {  	s5 =	simm.s32 $_scs_section_size  }
0x9b: {  	s6 =	simm.s32 $_size__tile_overlayer_lowered;
	s7 =	simm.s32 $_tile_overlayer_lowered  }
0x9c: {  	s22 =	simm.s32 $0x1BFF;
	s21 =	sshll.u32 s7, $0x1;
	s4 =	sadd.s32 s5, s19  }
0x9d: {  	s8 =	simm.s32 $0x0;
	s20 =	sshll.u32 s6, $0x1;
	s6 =	sadd.s32 s21, s4  }
0x9e: {  	[timem:s8], [sflag:s22] =	dma.local [hbm:s6], s20  }
0x9f: {  	_ =	swait.ge [sflag:s22], s20  }
0xa0: {  	s5 =	ssub.s32 $0x0, s20;
	[sflag:s22] =	ssyncset.done $0x0  }
0xa1: {  	[sflag:s22] =	ssyncadd.s32 s5;
	_ =	sdelay $0x1  }
0xa2: {  	s23 =	simm.s32 $0x1B8B  }
0xa3: {  	_ =	swait.ge [sflag:s23], $0x1  }
0xa4: {  	[sflag:s23] =	ssyncset.done $0x0  }
0xa5: {  	s25 =	simm.s32 $0x1B8E;
	s24 =	sld [smem:$0x3FFE];
	[sflag:s23] =	ssyncadd.s32 $0xFFFFFFFF  }
0xa6: {  	s26 =	simm.s32 $execute0_lowered;
	[smem:$0x3FD2] =	sst s25  }
0xa7: {  	s6 =	sshll.u32 s26, $0x1;
	_ =	strace $0x80000046;
	[dreg:$0x1] =	wrdreg $0xFFFFFFFF  }
0xa8: {  	s28 =	simm.s32 $_size_execute0_lowered;
	s4 =	sadd.s32 s4, s6;
	[dreg:$0x0] =	wrdreg $0x0  }
0xa9: {  	s6 =	sshll.u32 s28, $0x1;
	[dreg:$0x2] =	wrdreg s4  }
0xaa: {  	[dreg:$0x3] =	wrdreg s6  }
0xab: {  	[dreg:$0x4] =	wrdreg $0xC0  }
0xac: {  	_ =	task [dreg:s8], $0x5FFFF  }
0xad: {  	[dreg:$0x1] =	wrdreg $0xFFFFFFFF  }
0xae: {  	[dreg:$0x0] =	wrdreg $0x60  }
0xaf: {  	[dreg:$0x2] =	wrdreg s2  }
0xb0: {  	[dreg:$0x3] =	wrdreg s18  }
0xb1: {  	[dreg:$0x4] =	wrdreg s24  }
0xb2: {  	[dreg:$0x5] =	wrdreg $0xAC000  }
0xb3: {  	[dreg:$0x6] =	wrdreg $0x9  }
0xb4: {  	_ =	task.clear_ibuf [dreg:s8], $0x7FFFF;
	_ =	strace $0x90000046  }
0xb5: {  	s29 =	simm.s32 $0x9;
	_ =	strace $0x80000048  }
0xb6: {  	_ =	swait.ge [sflag:s29], $0x1  }
0xb7: {  	[sflag:s29] =	ssyncadd.s32 $0xFFFFFFFF  }
0xb8: {  	_ =	strace $0x90000048  }
0xb9: {  	_ =	sfence  }
0xba: {  	s30 =	sld [smem:$0x0];
	_ =	sdelay $0x2  }
0xbb: {  	s31 =	sshll.u32 s1, $0xD;
	s1 =	sshrl.u32 s1, $0x2  }
0xbc: {  	s3 =	sand.u32 $0x4000, s31;
	s1 =	sadd.s32 s1, s30  }
0xbd: {  	s0 =	sor.u32 s3, s0;
	s1 =	sshll.u32 s1, $0x11  }
0xbe: {  	s0 =	sor.u32 s1, s0  }
0xbf: {  	s0 =	sadd.s32 $0x8F2B, s0  }
0xc0: {  	[sflag:s0] =	ssyncadd.remote.s32 $0x1  }
0xc1: {  	_ =	sfence.sel $0xFFFF  }
0xc2: {  	[dreg:$0x0] =	wrdreg $0xFFFFFFFF;
	(pc) =	sbr.abs _section_cstart, $3  }
0xc3: {  	[dreg:$0x1] =	wrdreg $0xFFFFFFFF  }
0xc4: {  	_ =	task.clear_ibuf [dreg:s8], $0x2FFFF;
	_ =	strace $0x9FFFFFFF  }
0xc5: {  	(tm) =	ssettm $0x7FFFFFFF  }
tec
execute0_lowered:
.L_overlay_start_1:
0x0: {  	(tag) =	ssettag $0x1  }
0x1: {  	s0 =	rddreg [dreg:$0x0]  }
0x2: {  	s2 =	rddreg [dreg:$0x1]  }
0x3: {  	s1 =	srdreg.scid;
	s4 =	rddreg [dreg:$0x2]  }
0x4: {  	s11 =	stileid.u32;
	s3 =	rddreg [dreg:$0x3]  }
0x5: {  	s18 =	simm.s32 $0x0;
	s28 =	simm.s32 $0x4C00;
	s29 =	simm.s32 $0x6400  }
0x6: {  	s30 =	simm.s32 $0x7C00;
	s31 =	simm.s32 $0x9400;
	s10 =	smul.u32 $0x50000, s11  }
0x7: {  	s1 =	sand.u32 $0x1, s1;
	[smem:$0x7FF] =	sst s18;
	s8 =	sshll.u32 s11, $0x7  }
0x8: {  	s20 =	smul.u32 $0x2800, s11;
	s5 =	sshll.u32 s1, $0x4;
	s10 =	sshrl.u32 s10, $0x2  }
0x9: {  	s7 =	smul.u32 $0x28000, s1;
	_ =	strace $0x80000047;
	s10 =	sadd.s32 s10, s3  }
0xa: {  	s8 =	sand.u32 $0x380, s8;
	s24 =	sadd.s32 $0x1400, s10;
	[dreg:$0x6] =	wrdreg s10  }
0xb: {  	s1 =	ssub.s32 $0x2, s1;
	s25 =	sadd.s32 $0x2800, s10;
	[dreg:$0x7] =	wrdreg s24  }
0xc: {  	s5 =	sor.u32 s11, s5;
	s26 =	sadd.s32 $0x3C00, s10;
	[dreg:$0x8] =	wrdreg s25  }
0xd: {  	s23 =	sshrl.u32 s1, $0x1;
	s12 =	sadd.s32 $0x6400, s10;
	[dreg:$0x9] =	wrdreg s26  }
0xe: {  	s11 =	simm.s32 $0x30;
	s13 =	sadd.s32 $0x7800, s10;
	[dreg:$0xb] =	wrdreg s12  }
0xf: {  	s6 =	smul.u32 $0xD80, s5;
	s14 =	sadd.s32 $0x8C00, s10;
	[dreg:$0xc] =	wrdreg s13  }
0x10: {  	s5 =	sshrl.u32 s5, $0x3;
	s15 =	sadd.s32 $0xA000, s10;
	[dreg:$0xd] =	wrdreg s14  }
0x11: {  	s7 =	sadd.s32 s7, s4;
	s16 =	sadd.s32 $0xB400, s10;
	[dreg:$0xe] =	wrdreg s15  }
0x12: {  	s1 =	ssub.s32 s1, s23;
	s17 =	sadd.s32 $0xC800, s10;
	[dreg:$0xf] =	wrdreg s16  }
0x13: {  	s5 =	smul.u32 $0x14000, s5;
	s19 =	sadd.s32 $0xDC00, s10;
	[dreg:$0x10] =	wrdreg s17  }
0x14: {  	s21 =	sadd.s32 $0xF000, s10;
	s22 =	sadd.s32 $0x10400, s10;
	[dreg:$0x11] =	wrdreg s19  }
0x15: {  	s7 =	sadd.s32 $0x37600, s7;
	s23 =	sadd.s32 $0x11800, s10;
	[dreg:$0x12] =	wrdreg s21  }
0x16: {  	s1 =	smax.u32 s1, $0x1;
	s9 =	sadd.s32 s6, s4;
	[dreg:$0x13] =	wrdreg s22  }
0x17: {  	s19 =	sadd.s32 s2, s6;
	[dreg:$0x14] =	wrdreg s23;
	s24 =	sadd.s32 s20, s7  }
0x18: {  	[dreg:$0x17] =	wrdreg s1;
	s26 =	sadd.s32 $0x12C00, s10;
	s2 =	simm.s32 $0x1  }
0x19: {  	s1 =	simm.s32 $0x2;
	s6 =	simm.s32 $0x3;
	s7 =	simm.s32 $0x4  }
0x1a: {  	s12 =	simm.s32 $0x80;
	s13 =	simm.s32 $0x2400;
	s14 =	simm.s32 $0x5  }
0x1b: {  	s15 =	simm.s32 $0x6;
	s16 =	simm.s32 $0x7;
	s5 =	sor.u32 s8, s5  }
0x1c: {  	s17 =	simm.s32 $0x8;
	[dreg:$0x15] =	wrdreg s24;
	s5 =	sshrl.u32 s5, $0x3  }
0x1d: {  	s8 =	sadd.s32 $0x5000, s10;
	[dreg:$0x18] =	wrdreg s26;
	s4 =	sadd.s32 s5, s4  }
0x1e: {  	s22 =	sadd.s32 $0x1600, s9;
	[dreg:$0xa] =	wrdreg s8;
	s25 =	sadd.s32 $0x87600, s4  }
0x1f: {  	v0 =	vimm.f32 $0.0e+00;
	v1 =	vimm.f32 $1.000000000e+00;
	s23 =	sadd.s32 $0x1C600, s9;
	s8 =	simm.s32 $0x9;
	[dreg:$0x16] =	wrdreg s25  }
.LBB2_1:
0x20: {  	s4 =	simm.s32 $0x0  }
.LBB2_2:
0x21: {  	p0 =	sne.s32 s4, $0x5FC0  }
.Ltmp0:
0x22: {  	s5 =	sshra.s32 s4, $0x2;
	(pc) =	sbr.rel @p0 .LBB2_2-.Ltmp0, $4  }
0x23: {  	[tilespmem:s5+$0x4C00] =	vst v0  }
0x24: {  	[tilespmem:s5+$0x6400] =	vst v0  }
0x25: {  	[tilespmem:s5+$0x7C00] =	vst v0  }
0x26: {  	s4 =	sadd.s32 $0x40, s4;
	[tilespmem:s5+$0x9400] =	vst v0  }
0x27: {  	[dreg:$0x5] =	wrdreg s18;
	s4 =	simm.s32 $0x40;
	s5 =	simm.s32 $0x0  }
.LBB2_4:
0x28: {  	p0 =	sne.s32 s4, $0x9FC0;
	[tilespmem:s5+$0x2400] =	vst v0;
	s5 =	smov.u32 s4;
	s4 =	sadd.s32 $0x40, s4  }
.Ltmp1:
0x29: {  	(pc) =	sbr.rel @p0 .LBB2_4-.Ltmp1, $2  }
0x2a: {  	_ =	sdelay $0x2  }
0x2b: {  	s5 =	sshra.s32 s5, $0x2  }
0x2c: {  	[tilespmem:s5+$0x2400] =	vst v0  }
0x2d: {  	[spmem:s10] =	stream.linear.scatter [tilespmem:s28], [sflag:$0x1], $0x1400, $0x38;
	[tilespmem:$0x1EC00] =	vst v63  }
0x2e: {  	s4 =	rddreg [dreg:$0x7]  }
0x2f: {  	[spmem:s4] =	stream.linear.scatter [tilespmem:s29], [sflag:$0x2], $0x1400, $0x38;
	[tilespmem:$0x1EC00] =	vst v63  }
0x30: {  	s20 =	rddreg [dreg:$0x8]  }
0x31: {  	[spmem:s20] =	stream.linear.scatter [tilespmem:s30], [sflag:$0x3], $0x1400, $0x38;
	[tilespmem:$0x1EC00] =	vst v63  }
0x32: {  	s21 =	rddreg [dreg:$0x9]  }
0x33: {  	[spmem:s21] =	stream.linear.scatter [tilespmem:s31], [sflag:$0x4], $0x1400, $0x38;
	[tilespmem:$0x1EC00] =	vst v63  }
0x34: {  	s24 =	rddreg [dreg:$0xa]  }
0x35: {  	[spmem:s24] =	stream.linear.scatter [tilespmem:s28], [sflag:$0x1], $0x1400, $0x38;
	[tilespmem:$0x1EC00] =	vst v63  }
0x36: {  	s25 =	rddreg [dreg:$0xb]  }
0x37: {  	[spmem:s25] =	stream.linear.scatter [tilespmem:s29], [sflag:$0x2], $0x1400, $0x38;
	[tilespmem:$0x1EC00] =	vst v63  }
0x38: {  	s26 =	rddreg [dreg:$0xc]  }
0x39: {  	[spmem:s26] =	stream.linear.scatter [tilespmem:s30], [sflag:$0x3], $0x1400, $0x38;
	[tilespmem:$0x1EC00] =	vst v63  }
0x3a: {  	s5 =	rddreg [dreg:$0xd]  }
0x3b: {  	[spmem:s5] =	stream.linear.scatter [tilespmem:s31], [sflag:$0x4], $0x1400, $0x38;
	[tilespmem:$0x1EC00] =	vst v63  }
0x3c: {  	s9 =	rddreg [dreg:$0xe]  }
0x3d: {  	[spmem:s9] =	stream.linear.scatter [tilespmem:s28], [sflag:$0x1], $0x1400, $0x38;
	[tilespmem:$0x1EC00] =	vst v63  }
0x3e: {  	s10 =	rddreg [dreg:$0xf]  }
0x3f: {  	[spmem:s10] =	stream.linear.scatter [tilespmem:s29], [sflag:$0x2], $0x1400, $0x38;
	[tilespmem:$0x1EC00] =	vst v63  }
0x40: {  	s18 =	rddreg [dreg:$0x10]  }
0x41: {  	[spmem:s18] =	stream.linear.scatter [tilespmem:s30], [sflag:$0x3], $0x1400, $0x38;
	[tilespmem:$0x1EC00] =	vst v63  }
0x42: {  	s20 =	rddreg [dreg:$0x11]  }
0x43: {  	[spmem:s20] =	stream.linear.scatter [tilespmem:s31], [sflag:$0x4], $0x1400, $0x38;
	[tilespmem:$0x1EC00] =	vst v63  }
0x44: {  	s21 =	rddreg [dreg:$0x12]  }
0x45: {  	[spmem:s21] =	stream.linear.scatter [tilespmem:s28], [sflag:$0x1], $0x1400, $0x38;
	[tilespmem:$0x1EC00] =	vst v63  }
0x46: {  	s24 =	rddreg [dreg:$0x13]  }
0x47: {  	[spmem:s24] =	stream.linear.scatter [tilespmem:s29], [sflag:$0x2], $0x1400, $0x38;
	[tilespmem:$0x1EC00] =	vst v63  }
0x48: {  	s25 =	rddreg [dreg:$0x14]  }
0x49: {  	[spmem:s25] =	stream.linear.scatter [tilespmem:s30], [sflag:$0x3], $0x1400, $0x38;
	[tilespmem:$0x1EC00] =	vst v63  }
0x4a: {  	s26 =	rddreg [dreg:$0x18]  }
0x4b: {  	[spmem:s26] =	stream.linear.scatter [tilespmem:s31], [sflag:$0x4], $0x1400, $0x38;
	[tilespmem:$0x1EC00] =	vst v63  }
0x4c: {  	_ =	swait.ge [sflag:s2], $0x1400  }
0x4d: {  	[sflag:s2] =	ssyncset.done $0x0  }
0x4e: {  	[sflag:s2] =	ssyncadd.s32 $0xFFFFEC00  }
0x4f: {  	_ =	swait.ge [sflag:s1], $0x1400  }
0x50: {  	[sflag:s1] =	ssyncset.done $0x0  }
0x51: {  	[sflag:s1] =	ssyncadd.s32 $0xFFFFEC00  }
0x52: {  	_ =	swait.ge [sflag:s6], $0x1400  }
0x53: {  	[sflag:s6] =	ssyncset.done $0x0  }
0x54: {  	[sflag:s6] =	ssyncadd.s32 $0xFFFFEC00  }
0x55: {  	_ =	swait.ge [sflag:s7], $0x1400  }
0x56: {  	[sflag:s7] =	ssyncset.done $0x0  }
0x57: {  	[sflag:s7] =	ssyncadd.s32 $0xFFFFEC00  }
0x58: {  	_ =	swait.ge [sflag:s2], $0x1400  }
0x59: {  	[sflag:s2] =	ssyncset.done $0x0  }
0x5a: {  	[sflag:s2] =	ssyncadd.s32 $0xFFFFEC00  }
0x5b: {  	_ =	swait.ge [sflag:s1], $0x1400  }
0x5c: {  	[sflag:s1] =	ssyncset.done $0x0  }
0x5d: {  	[sflag:s1] =	ssyncadd.s32 $0xFFFFEC00  }
0x5e: {  	_ =	swait.ge [sflag:s6], $0x1400  }
0x5f: {  	[sflag:s6] =	ssyncset.done $0x0  }
0x60: {  	[sflag:s6] =	ssyncadd.s32 $0xFFFFEC00  }
0x61: {  	_ =	swait.ge [sflag:s7], $0x1400  }
0x62: {  	[sflag:s7] =	ssyncset.done $0x0  }
0x63: {  	[sflag:s7] =	ssyncadd.s32 $0xFFFFEC00  }
0x64: {  	_ =	swait.ge [sflag:s2], $0x1400  }
0x65: {  	[sflag:s2] =	ssyncset.done $0x0  }
0x66: {  	[sflag:s2] =	ssyncadd.s32 $0xFFFFEC00  }
0x67: {  	_ =	swait.ge [sflag:s1], $0x1400  }
0x68: {  	[sflag:s1] =	ssyncset.done $0x0  }
0x69: {  	[sflag:s1] =	ssyncadd.s32 $0xFFFFEC00  }
0x6a: {  	_ =	swait.ge [sflag:s6], $0x1400  }
0x6b: {  	[sflag:s6] =	ssyncset.done $0x0  }
0x6c: {  	[sflag:s6] =	ssyncadd.s32 $0xFFFFEC00  }
0x6d: {  	_ =	swait.ge [sflag:s7], $0x1400  }
0x6e: {  	[sflag:s7] =	ssyncset.done $0x0  }
0x6f: {  	[sflag:s7] =	ssyncadd.s32 $0xFFFFEC00  }
0x70: {  	_ =	swait.ge [sflag:s2], $0x1400  }
0x71: {  	[sflag:s2] =	ssyncset.done $0x0  }
0x72: {  	[sflag:s2] =	ssyncadd.s32 $0xFFFFEC00  }
0x73: {  	_ =	swait.ge [sflag:s1], $0x1400  }
0x74: {  	[sflag:s1] =	ssyncset.done $0x0  }
0x75: {  	[sflag:s1] =	ssyncadd.s32 $0xFFFFEC00  }
0x76: {  	_ =	swait.ge [sflag:s6], $0x1400  }
0x77: {  	[sflag:s6] =	ssyncset.done $0x0  }
0x78: {  	[sflag:s6] =	ssyncadd.s32 $0xFFFFEC00  }
0x79: {  	_ =	swait.ge [sflag:s7], $0x1400  }
0x7a: {  	[sflag:s7] =	ssyncset.done $0x0  }
0x7b: {  	[sflag:s7] =	ssyncadd.s32 $0xFFFFEC00  }
0x7c: {  	s18 =	simm.s32 $0x0;
	s20 =	simm.s32 $0x0;
	[bflag:$0x0] =	sbarrier.arrive $0xFFFF  }
.LBB2_6:
0x7d: {  	s4 =	smul.u32 $0x180, s20;
	_ =	sdelay $0x1  }
0x7e: {  	s5 =	sadd.s32 s4, s19  }
0x7f: {  	[tilespmem:s18], [sflag:$0x9] =	stream.linear.gather [hbm4b:s5+s18], $0xC00, $0x38;
	[tilespmem:$0x1EC00] =	vst v63  }
0x80: {  	_ =	swait.ge [sflag:s8], $0xC00  }
0x81: {  	[sflag:s8] =	ssyncset.done $0x0  }
0x82: {  	s9 =	simm.s32 $0xC00;
	s25 =	sadd.s32 s4, s22;
	[sflag:s8] =	ssyncadd.s32 $0xFFFFF400  }
0x83: {  	[tilespmem:s9], [sflag:$0x9] =	stream.linear.gather [hbm4b:s25+s18], $0xC00, $0x38;
	[tilespmem:$0x1EC00] =	vst v63  }
0x84: {  	_ =	swait.ge [sflag:s8], $0xC00  }
0x85: {  	[sflag:s8] =	ssyncset.done $0x0  }
0x86: {  	s26 =	simm.s32 $0x1800;
	s4 =	sadd.s32 s4, s23;
	[sflag:s8] =	ssyncadd.s32 $0xFFFFF400  }
0x87: {  	[tilespmem:s26], [sflag:$0x9] =	stream.linear.gather [hbm4b:s4+s18], $0xC00, $0x38;
	[tilespmem:$0x1EC00] =	vst v63  }
0x88: {  	_ =	swait.ge [sflag:s8], $0xC00  }
0x89: {  	[sflag:s8] =	ssyncset.done $0x0  }
0x8a: {  	[sflag:s8] =	ssyncadd.s32 $0xFFFFF400  }
0x8b: {  	[tilespmem:s28], [sflag:$0x1] =	stream.indirect.gather [hbm4b:s0+s11], $0x80, s18, s11, $0xb8;
	[tilespmem:$0x1EC00] =	vst v63  }
0x8c: {  	s21 =	simm.s32 $0x0  }
0x8d: {  	[tilespmem:s29], [sflag:$0x2] =	stream.indirect.gather [hbm4b:s0+s11], $0x80, s12, s11, $0xb8;
	[tilespmem:$0x1EC00] =	vst v63  }
.LBB2_7:
0x8e: {  	_ =	swait.ge [sflag:s2], $0x1800  }
0x8f: {  	[sflag:s2] =	ssyncset.done $0x0  }
0x90: {  	s24 =	sshll.u32 s21, $0x9;
	[sflag:s2] =	ssyncadd.s32 $0xFFFFE800  }
0x91: {  	v2 =	vld [tilespmem:s24+$0x1800]  }
0x92: {  	s5 =	simm.s32 $0x4C40  }
0x93: {  	v7 =	vld [tilespmem:s5+$0xFFFFFFC0]  }
0x94: {  	s4 =	simm.s32 $0x0;
	v9 =	vld [tilespmem:s5+$0xFFFFFFD0]  }
0x95: {  	v3 =	vmov s4;
	v8 =	vld [tilespmem:s5+$0xFFFFFFE0]  }
0x96: {  	v5 =	vld [tilespmem:s5+$0x0];
	v3 =	vperm.xlane v2, v3  }
0x97: {  	v6 =	vld [tilespmem:s5+$0x10]  }
0x98: {  	v4 =	vld [tilespmem:s5+$0x20];
	v10 =	vmul.f32 v7, v3  }
0x99: {  	s25 =	simm.s32 $0x1;
	s4 =	simm.s32 $0x4C40;
	v9 =	vmul.f32 v9, v3;
	v7 =	vld [tilespmem:s5+$0x30]  }
.LBB2_8:
0x9a: {  	p0 =	sne.s32 s25, $0xF;
	[tilespmem:s5+$0xFFFFFFC0] =	vst v10;
	v8 =	vmul.f32 v8, v3;
	v10 =	vld [tilespmem:s5+$0xFFFFFFF0];
	s4 =	sadd.s32 $0x80, s4  }
0x9b: {  	v11 =	vld [tilespmem:s4+$0xFFFFFFC0];
	[tilespmem:s5+$0xFFFFFFD0] =	vst v9;
	v5 =	vmul.f32 v5, v3  }
0x9c: {  	v9 =	vld [tilespmem:s4+$0xFFFFFFD0];
	[tilespmem:s5+$0xFFFFFFE0] =	vst v8;
	v6 =	vmul.f32 v6, v3  }
.Ltmp2:
0x9d: {  	v12 =	vmov s25;
	v8 =	vld [tilespmem:s4+$0xFFFFFFE0];
	[tilespmem:s5+$0x0] =	vst v5;
	v4 =	vmul.f32 v4, v3;
	(pc) =	sbr.rel @p0 .LBB2_8-.Ltmp2, $4  }
0x9e: {  	v12 =	vperm.xlane v2, v12;
	v5 =	vld [tilespmem:s4+$0x0];
	[tilespmem:s5+$0x10] =	vst v6;
	v7 =	vmul.f32 v7, v3  }
0x9f: {  	v6 =	vld [tilespmem:s4+$0x10];
	v13 =	vmul.f32 v10, v3;
	[tilespmem:s5+$0x20] =	vst v4  }
0xa0: {  	v3 =	vmov v12;
	v10 =	vmul.f32 v11, v12;
	v4 =	vld [tilespmem:s4+$0x20];
	[tilespmem:s5+$0x30] =	vst v7  }
0xa1: {  	s25 =	sadd.s32 $0x1, s25;
	v9 =	vmul.f32 v9, v3;
	v7 =	vld [tilespmem:s4+$0x30];
	[tilespmem:s5+$0xFFFFFFF0] =	vst v13;
	s5 =	smov.u32 s4  }
0xa2: {  	[tilespmem:s5+$0xFFFFFFC0] =	vst v10;
	v2 =	vmul.f32 v8, v3;
	v8 =	vld [tilespmem:s5+$0xFFFFFFF0]  }
0xa3: {  	[tilespmem:s5+$0xFFFFFFD0] =	vst v9;
	v5 =	vmul.f32 v5, v3  }
0xa4: {  	[tilespmem:s5+$0xFFFFFFE0] =	vst v2;
	v2 =	vmul.f32 v6, v3  }
0xa5: {  	[tilespmem:s5+$0x0] =	vst v5;
	v4 =	vmul.f32 v4, v3  }
0xa6: {  	[tilespmem:s5+$0x10] =	vst v2;
	v2 =	vmul.f32 v7, v3  }
0xa7: {  	v3 =	vmul.f32 v8, v3;
	[tilespmem:s5+$0x20] =	vst v4  }
0xa8: {  	[tilespmem:s5+$0x30] =	vst v2  }
0xa9: {  	[tilespmem:s5+$0xFFFFFFF0] =	vst v3  }
0xaa: {  	v3 =	vld [tilespmem:s24+$0x1810]  }
0xab: {  	s5 =	simm.s32 $0x5470  }
0xac: {  	v7 =	vld [tilespmem:s5+$0xFFFFFF90]  }
0xad: {  	s4 =	simm.s32 $0x0;
	v9 =	vld [tilespmem:s5+$0xFFFFFFA0]  }
0xae: {  	v2 =	vmov s4;
	v8 =	vld [tilespmem:s5+$0xFFFFFFB0]  }
0xaf: {  	v5 =	vld [tilespmem:s5+$0xFFFFFFC0];
	v2 =	vperm.xlane v3, v2  }
0xb0: {  	v6 =	vld [tilespmem:s5+$0xFFFFFFD0]  }
0xb1: {  	v4 =	vld [tilespmem:s5+$0xFFFFFFE0];
	v10 =	vmul.f32 v7, v2  }
0xb2: {  	s25 =	simm.s32 $0x1;
	s4 =	simm.s32 $0x5470;
	v9 =	vmul.f32 v9, v2;
	v7 =	vld [tilespmem:s5+$0x0]  }
.LBB2_10:
0xb3: {  	p0 =	sne.s32 s25, $0xF;
	[tilespmem:s5+$0xFFFFFF90] =	vst v10;
	v8 =	vmul.f32 v8, v2;
	v10 =	vld [tilespmem:s5+$0xFFFFFFF0];
	s4 =	sadd.s32 $0x80, s4  }
0xb4: {  	v11 =	vld [tilespmem:s4+$0xFFFFFF90];
	[tilespmem:s5+$0xFFFFFFA0] =	vst v9;
	v5 =	vmul.f32 v5, v2  }
0xb5: {  	v9 =	vld [tilespmem:s4+$0xFFFFFFA0];
	[tilespmem:s5+$0xFFFFFFB0] =	vst v8;
	v6 =	vmul.f32 v6, v2  }
.Ltmp3:
0xb6: {  	v12 =	vmov s25;
	v8 =	vld [tilespmem:s4+$0xFFFFFFB0];
	[tilespmem:s5+$0xFFFFFFC0] =	vst v5;
	v4 =	vmul.f32 v4, v2;
	(pc) =	sbr.rel @p0 .LBB2_10-.Ltmp3, $4  }
0xb7: {  	v12 =	vperm.xlane v3, v12;
	v5 =	vld [tilespmem:s4+$0xFFFFFFC0];
	[tilespmem:s5+$0xFFFFFFD0] =	vst v6;
	v7 =	vmul.f32 v7, v2  }
0xb8: {  	v6 =	vld [tilespmem:s4+$0xFFFFFFD0];
	[tilespmem:s5+$0xFFFFFFE0] =	vst v4;
	v13 =	vmul.f32 v10, v2  }
0xb9: {  	v2 =	vmov v12;
	v10 =	vmul.f32 v11, v12;
	v4 =	vld [tilespmem:s4+$0xFFFFFFE0];
	[tilespmem:s5+$0x0] =	vst v7  }
0xba: {  	s25 =	sadd.s32 $0x1, s25;
	v9 =	vmul.f32 v9, v2;
	v7 =	vld [tilespmem:s4+$0x0];
	[tilespmem:s5+$0xFFFFFFF0] =	vst v13;
	s5 =	smov.u32 s4  }
0xbb: {  	[tilespmem:s5+$0xFFFFFF90] =	vst v10;
	v3 =	vmul.f32 v8, v2;
	v8 =	vld [tilespmem:s5+$0xFFFFFFF0]  }
0xbc: {  	[tilespmem:s5+$0xFFFFFFA0] =	vst v9;
	v5 =	vmul.f32 v5, v2  }
0xbd: {  	[tilespmem:s5+$0xFFFFFFB0] =	vst v3;
	v3 =	vmul.f32 v6, v2  }
0xbe: {  	[tilespmem:s5+$0xFFFFFFC0] =	vst v5;
	v4 =	vmul.f32 v4, v2  }
0xbf: {  	[tilespmem:s5+$0xFFFFFFD0] =	vst v3;
	v3 =	vmul.f32 v7, v2  }
0xc0: {  	[tilespmem:s5+$0xFFFFFFE0] =	vst v4;
	v2 =	vmul.f32 v8, v2  }
0xc1: {  	[tilespmem:s5+$0x0] =	vst v3  }
0xc2: {  	[tilespmem:s5+$0xFFFFFFF0] =	vst v2  }
0xc3: {  	v3 =	vld [tilespmem:s24+$0x1820]  }
0xc4: {  	s5 =	simm.s32 $0x5C70  }
0xc5: {  	v7 =	vld [tilespmem:s5+$0xFFFFFF90]  }
0xc6: {  	s4 =	simm.s32 $0x0;
	v9 =	vld [tilespmem:s5+$0xFFFFFFA0]  }
0xc7: {  	v2 =	vmov s4;
	v8 =	vld [tilespmem:s5+$0xFFFFFFB0]  }
0xc8: {  	v5 =	vld [tilespmem:s5+$0xFFFFFFC0];
	v2 =	vperm.xlane v3, v2  }
0xc9: {  	v6 =	vld [tilespmem:s5+$0xFFFFFFD0]  }
0xca: {  	v4 =	vld [tilespmem:s5+$0xFFFFFFE0];
	v10 =	vmul.f32 v7, v2  }
0xcb: {  	s25 =	simm.s32 $0x1;
	s4 =	simm.s32 $0x5C70;
	v9 =	vmul.f32 v9, v2;
	v7 =	vld [tilespmem:s5+$0x0]  }
.LBB2_12:
0xcc: {  	p0 =	sne.s32 s25, $0xF;
	[tilespmem:s5+$0xFFFFFF90] =	vst v10;
	v8 =	vmul.f32 v8, v2;
	v10 =	vld [tilespmem:s5+$0xFFFFFFF0];
	s4 =	sadd.s32 $0x80, s4  }
0xcd: {  	v11 =	vld [tilespmem:s4+$0xFFFFFF90];
	[tilespmem:s5+$0xFFFFFFA0] =	vst v9;
	v5 =	vmul.f32 v5, v2  }
0xce: {  	v9 =	vld [tilespmem:s4+$0xFFFFFFA0];
	[tilespmem:s5+$0xFFFFFFB0] =	vst v8;
	v6 =	vmul.f32 v6, v2  }
.Ltmp4:
0xcf: {  	v12 =	vmov s25;
	v8 =	vld [tilespmem:s4+$0xFFFFFFB0];
	[tilespmem:s5+$0xFFFFFFC0] =	vst v5;
	v4 =	vmul.f32 v4, v2;
	(pc) =	sbr.rel @p0 .LBB2_12-.Ltmp4, $4  }
0xd0: {  	v12 =	vperm.xlane v3, v12;
	v5 =	vld [tilespmem:s4+$0xFFFFFFC0];
	[tilespmem:s5+$0xFFFFFFD0] =	vst v6;
	v7 =	vmul.f32 v7, v2  }
0xd1: {  	v6 =	vld [tilespmem:s4+$0xFFFFFFD0];
	[tilespmem:s5+$0xFFFFFFE0] =	vst v4;
	v13 =	vmul.f32 v10, v2  }
0xd2: {  	v2 =	vmov v12;
	v10 =	vmul.f32 v11, v12;
	v4 =	vld [tilespmem:s4+$0xFFFFFFE0];
	[tilespmem:s5+$0x0] =	vst v7  }
0xd3: {  	s25 =	sadd.s32 $0x1, s25;
	v9 =	vmul.f32 v9, v2;
	v7 =	vld [tilespmem:s4+$0x0];
	[tilespmem:s5+$0xFFFFFFF0] =	vst v13;
	s5 =	smov.u32 s4  }
0xd4: {  	[tilespmem:s5+$0xFFFFFF90] =	vst v10;
	v3 =	vmul.f32 v8, v2;
	v8 =	vld [tilespmem:s5+$0xFFFFFFF0]  }
0xd5: {  	[tilespmem:s5+$0xFFFFFFA0] =	vst v9;
	v5 =	vmul.f32 v5, v2  }
0xd6: {  	[tilespmem:s5+$0xFFFFFFB0] =	vst v3;
	v3 =	vmul.f32 v6, v2  }
0xd7: {  	[tilespmem:s5+$0xFFFFFFC0] =	vst v5;
	v4 =	vmul.f32 v4, v2  }
0xd8: {  	[tilespmem:s5+$0xFFFFFFD0] =	vst v3;
	v3 =	vmul.f32 v7, v2  }
0xd9: {  	[tilespmem:s5+$0xFFFFFFE0] =	vst v4;
	v2 =	vmul.f32 v8, v2  }
0xda: {  	[tilespmem:s5+$0x0] =	vst v3  }
0xdb: {  	s4 =	sadd.s32 $0xC00, s24;
	p0 =	seq.s32 s21, $0x0;
	[tilespmem:s5+$0xFFFFFFF0] =	vst v2  }
0xdc: {  	[spmem:s3] =	stream.indirect.scatter.add.f32 [tilespmem:s28], [sflag:$0x5], $0x80, s4, s11, $0xb8;
	[tilespmem:$0x1EC00] =	vst v63  }
0xdd: {  	s4 =	simm.s32 @!p0 $0x7  }
0xde: {  	_ =	swait.ge @!p0 [sflag:s4], $0x1800  }
0xdf: {  	[sflag:s4] =	ssyncset.done @!p0 $0x0  }
0xe0: {  	s25 =	sor.u32 $0x100, s24;
	[sflag:s4] =	ssyncadd.s32 @!p0 $0xFFFFE800  }
0xe1: {  	[tilespmem:s30], [sflag:$0x3] =	stream.indirect.gather [hbm4b:s0+s11], $0x80, s25, s11, $0xb8;
	[tilespmem:$0x1EC00] =	vst v63  }
0xe2: {  	v2 =	vld [tilespmem:s24+$0xC00];
	_ =	sdelay $0x7  }
0xe3: {  	[tilespmem:v2+s13+$0x0] =	vst.idx.add.f32.msk $0xffff, v1  }
0xe4: {  	v2 =	vld [tilespmem:s24+$0xC10];
	_ =	sdelay $0x7  }
0xe5: {  	[tilespmem:v2+s13+$0x0] =	vst.idx.add.f32.msk $0xffff, v1  }
0xe6: {  	v2 =	vld [tilespmem:s24+$0xC20];
	_ =	sdelay $0x7  }
0xe7: {  	[tilespmem:v2+s13+$0x0] =	vst.idx.add.f32.msk $0xffff, v1  }
0xe8: {  	_ =	swait.ge [sflag:s1], $0x1800  }
0xe9: {  	[sflag:s1] =	ssyncset.done $0x0  }
0xea: {  	[sflag:s1] =	ssyncadd.s32 $0xFFFFE800  }
0xeb: {  	v2 =	vld [tilespmem:s24+$0x1880]  }
0xec: {  	s26 =	simm.s32 $0x6440  }
0xed: {  	v7 =	vld [tilespmem:s26+$0xFFFFFFC0]  }
0xee: {  	s10 =	simm.s32 $0x0;
	v9 =	vld [tilespmem:s26+$0xFFFFFFD0]  }
0xef: {  	v3 =	vmov s10;
	v8 =	vld [tilespmem:s26+$0xFFFFFFE0]  }
0xf0: {  	v5 =	vld [tilespmem:s26+$0x0];
	v3 =	vperm.xlane v2, v3  }
0xf1: {  	v6 =	vld [tilespmem:s26+$0x10]  }
0xf2: {  	v4 =	vld [tilespmem:s26+$0x20];
	v10 =	vmul.f32 v7, v3  }
0xf3: {  	s9 =	simm.s32 $0x6440;
	s5 =	sor.u32 $0x80, s24;
	s4 =	simm.s32 $0x1;
	v9 =	vmul.f32 v9, v3;
	v7 =	vld [tilespmem:s26+$0x30]  }
.LBB2_14:
0xf4: {  	p1 =	sne.s32 s4, $0xF;
	[tilespmem:s26+$0xFFFFFFC0] =	vst v10;
	v8 =	vmul.f32 v8, v3;
	v10 =	vld [tilespmem:s26+$0xFFFFFFF0];
	s9 =	sadd.s32 $0x80, s9  }
0xf5: {  	v11 =	vld [tilespmem:s9+$0xFFFFFFC0];
	[tilespmem:s26+$0xFFFFFFD0] =	vst v9;
	v5 =	vmul.f32 v5, v3  }
0xf6: {  	v9 =	vld [tilespmem:s9+$0xFFFFFFD0];
	[tilespmem:s26+$0xFFFFFFE0] =	vst v8;
	v6 =	vmul.f32 v6, v3  }
.Ltmp5:
0xf7: {  	v12 =	vmov s4;
	v8 =	vld [tilespmem:s9+$0xFFFFFFE0];
	[tilespmem:s26+$0x0] =	vst v5;
	v4 =	vmul.f32 v4, v3;
	(pc) =	sbr.rel @p1 .LBB2_14-.Ltmp5, $4  }
0xf8: {  	v12 =	vperm.xlane v2, v12;
	v5 =	vld [tilespmem:s9+$0x0];
	[tilespmem:s26+$0x10] =	vst v6;
	v7 =	vmul.f32 v7, v3  }
0xf9: {  	v6 =	vld [tilespmem:s9+$0x10];
	v13 =	vmul.f32 v10, v3;
	[tilespmem:s26+$0x20] =	vst v4  }
0xfa: {  	v3 =	vmov v12;
	v10 =	vmul.f32 v11, v12;
	v4 =	vld [tilespmem:s9+$0x20];
	[tilespmem:s26+$0x30] =	vst v7  }
0xfb: {  	s4 =	sadd.s32 $0x1, s4;
	v9 =	vmul.f32 v9, v3;
	v7 =	vld [tilespmem:s9+$0x30];
	[tilespmem:s26+$0xFFFFFFF0] =	vst v13;
	s26 =	smov.u32 s9  }
0xfc: {  	[tilespmem:s26+$0xFFFFFFC0] =	vst v10;
	v2 =	vmul.f32 v8, v3;
	v8 =	vld [tilespmem:s26+$0xFFFFFFF0]  }
0xfd: {  	[tilespmem:s26+$0xFFFFFFD0] =	vst v9;
	v5 =	vmul.f32 v5, v3  }
0xfe: {  	[tilespmem:s26+$0xFFFFFFE0] =	vst v2;
	v2 =	vmul.f32 v6, v3  }
0xff: {  	[tilespmem:s26+$0x0] =	vst v5;
	v4 =	vmul.f32 v4, v3  }
0x100: {  	[tilespmem:s26+$0x10] =	vst v2;
	v2 =	vmul.f32 v7, v3  }
0x101: {  	v3 =	vmul.f32 v8, v3;
	[tilespmem:s26+$0x20] =	vst v4  }
0x102: {  	[tilespmem:s26+$0x30] =	vst v2  }
0x103: {  	[tilespmem:s26+$0xFFFFFFF0] =	vst v3  }
0x104: {  	v3 =	vld [tilespmem:s24+$0x1890]  }
0x105: {  	s26 =	simm.s32 $0x6C70  }
0x106: {  	v7 =	vld [tilespmem:s26+$0xFFFFFF90]  }
0x107: {  	s4 =	simm.s32 $0x0;
	v9 =	vld [tilespmem:s26+$0xFFFFFFA0]  }
0x108: {  	v2 =	vmov s4;
	v8 =	vld [tilespmem:s26+$0xFFFFFFB0]  }
0x109: {  	v5 =	vld [tilespmem:s26+$0xFFFFFFC0];
	v2 =	vperm.xlane v3, v2  }
0x10a: {  	v6 =	vld [tilespmem:s26+$0xFFFFFFD0]  }
0x10b: {  	v4 =	vld [tilespmem:s26+$0xFFFFFFE0];
	v10 =	vmul.f32 v7, v2  }
0x10c: {  	s9 =	simm.s32 $0x6C70;
	s4 =	simm.s32 $0x1;
	v9 =	vmul.f32 v9, v2;
	v7 =	vld [tilespmem:s26+$0x0]  }
.LBB2_16:
0x10d: {  	p1 =	sne.s32 s4, $0xF;
	[tilespmem:s26+$0xFFFFFF90] =	vst v10;
	v8 =	vmul.f32 v8, v2;
	v10 =	vld [tilespmem:s26+$0xFFFFFFF0];
	s9 =	sadd.s32 $0x80, s9  }
0x10e: {  	v11 =	vld [tilespmem:s9+$0xFFFFFF90];
	[tilespmem:s26+$0xFFFFFFA0] =	vst v9;
	v5 =	vmul.f32 v5, v2  }
0x10f: {  	v9 =	vld [tilespmem:s9+$0xFFFFFFA0];
	[tilespmem:s26+$0xFFFFFFB0] =	vst v8;
	v6 =	vmul.f32 v6, v2  }
.Ltmp6:
0x110: {  	v12 =	vmov s4;
	v8 =	vld [tilespmem:s9+$0xFFFFFFB0];
	[tilespmem:s26+$0xFFFFFFC0] =	vst v5;
	v4 =	vmul.f32 v4, v2;
	(pc) =	sbr.rel @p1 .LBB2_16-.Ltmp6, $4  }
0x111: {  	v12 =	vperm.xlane v3, v12;
	v5 =	vld [tilespmem:s9+$0xFFFFFFC0];
	[tilespmem:s26+$0xFFFFFFD0] =	vst v6;
	v7 =	vmul.f32 v7, v2  }
0x112: {  	v6 =	vld [tilespmem:s9+$0xFFFFFFD0];
	[tilespmem:s26+$0xFFFFFFE0] =	vst v4;
	v13 =	vmul.f32 v10, v2  }
0x113: {  	v2 =	vmov v12;
	v10 =	vmul.f32 v11, v12;
	v4 =	vld [tilespmem:s9+$0xFFFFFFE0];
	[tilespmem:s26+$0x0] =	vst v7  }
0x114: {  	s4 =	sadd.s32 $0x1, s4;
	v9 =	vmul.f32 v9, v2;
	v7 =	vld [tilespmem:s9+$0x0];
	[tilespmem:s26+$0xFFFFFFF0] =	vst v13;
	s26 =	smov.u32 s9  }
0x115: {  	[tilespmem:s26+$0xFFFFFF90] =	vst v10;
	v3 =	vmul.f32 v8, v2;
	v8 =	vld [tilespmem:s26+$0xFFFFFFF0]  }
0x116: {  	[tilespmem:s26+$0xFFFFFFA0] =	vst v9;
	v5 =	vmul.f32 v5, v2  }
0x117: {  	[tilespmem:s26+$0xFFFFFFB0] =	vst v3;
	v3 =	vmul.f32 v6, v2  }
0x118: {  	[tilespmem:s26+$0xFFFFFFC0] =	vst v5;
	v4 =	vmul.f32 v4, v2  }
0x119: {  	[tilespmem:s26+$0xFFFFFFD0] =	vst v3;
	v3 =	vmul.f32 v7, v2  }
0x11a: {  	[tilespmem:s26+$0xFFFFFFE0] =	vst v4;
	v2 =	vmul.f32 v8, v2  }
0x11b: {  	[tilespmem:s26+$0x0] =	vst v3  }
0x11c: {  	[tilespmem:s26+$0xFFFFFFF0] =	vst v2  }
0x11d: {  	v3 =	vld [tilespmem:s24+$0x18A0]  }
0x11e: {  	s26 =	simm.s32 $0x7470  }
0x11f: {  	v7 =	vld [tilespmem:s26+$0xFFFFFF90]  }
0x120: {  	s4 =	simm.s32 $0x0;
	v9 =	vld [tilespmem:s26+$0xFFFFFFA0]  }
0x121: {  	v2 =	vmov s4;
	v8 =	vld [tilespmem:s26+$0xFFFFFFB0]  }
0x122: {  	v5 =	vld [tilespmem:s26+$0xFFFFFFC0];
	v2 =	vperm.xlane v3, v2  }
0x123: {  	v6 =	vld [tilespmem:s26+$0xFFFFFFD0]  }
0x124: {  	v4 =	vld [tilespmem:s26+$0xFFFFFFE0];
	v10 =	vmul.f32 v7, v2  }
0x125: {  	s9 =	simm.s32 $0x7470;
	s4 =	simm.s32 $0x1;
	v9 =	vmul.f32 v9, v2;
	v7 =	vld [tilespmem:s26+$0x0]  }
.LBB2_18:
0x126: {  	p1 =	sne.s32 s4, $0xF;
	[tilespmem:s26+$0xFFFFFF90] =	vst v10;
	v8 =	vmul.f32 v8, v2;
	v10 =	vld [tilespmem:s26+$0xFFFFFFF0];
	s9 =	sadd.s32 $0x80, s9  }
0x127: {  	v11 =	vld [tilespmem:s9+$0xFFFFFF90];
	[tilespmem:s26+$0xFFFFFFA0] =	vst v9;
	v5 =	vmul.f32 v5, v2  }
0x128: {  	v9 =	vld [tilespmem:s9+$0xFFFFFFA0];
	[tilespmem:s26+$0xFFFFFFB0] =	vst v8;
	v6 =	vmul.f32 v6, v2  }
.Ltmp7:
0x129: {  	v12 =	vmov s4;
	v8 =	vld [tilespmem:s9+$0xFFFFFFB0];
	[tilespmem:s26+$0xFFFFFFC0] =	vst v5;
	v4 =	vmul.f32 v4, v2;
	(pc) =	sbr.rel @p1 .LBB2_18-.Ltmp7, $4  }
0x12a: {  	v12 =	vperm.xlane v3, v12;
	v5 =	vld [tilespmem:s9+$0xFFFFFFC0];
	[tilespmem:s26+$0xFFFFFFD0] =	vst v6;
	v7 =	vmul.f32 v7, v2  }
0x12b: {  	v6 =	vld [tilespmem:s9+$0xFFFFFFD0];
	[tilespmem:s26+$0xFFFFFFE0] =	vst v4;
	v13 =	vmul.f32 v10, v2  }
0x12c: {  	v2 =	vmov v12;
	v10 =	vmul.f32 v11, v12;
	v4 =	vld [tilespmem:s9+$0xFFFFFFE0];
	[tilespmem:s26+$0x0] =	vst v7  }
0x12d: {  	s4 =	sadd.s32 $0x1, s4;
	v9 =	vmul.f32 v9, v2;
	v7 =	vld [tilespmem:s9+$0x0];
	[tilespmem:s26+$0xFFFFFFF0] =	vst v13;
	s26 =	smov.u32 s9  }
0x12e: {  	[tilespmem:s26+$0xFFFFFF90] =	vst v10;
	v3 =	vmul.f32 v8, v2;
	v8 =	vld [tilespmem:s26+$0xFFFFFFF0]  }
0x12f: {  	[tilespmem:s26+$0xFFFFFFA0] =	vst v9;
	v5 =	vmul.f32 v5, v2  }
0x130: {  	[tilespmem:s26+$0xFFFFFFB0] =	vst v3;
	v3 =	vmul.f32 v6, v2  }
0x131: {  	[tilespmem:s26+$0xFFFFFFC0] =	vst v5;
	v4 =	vmul.f32 v4, v2  }
0x132: {  	[tilespmem:s26+$0xFFFFFFD0] =	vst v3;
	v3 =	vmul.f32 v7, v2  }
0x133: {  	[tilespmem:s26+$0xFFFFFFE0] =	vst v4;
	v2 =	vmul.f32 v8, v2  }
0x134: {  	[tilespmem:s26+$0x0] =	vst v3  }
0x135: {  	s4 =	sadd.s32 $0xC00, s5;
	[tilespmem:s26+$0xFFFFFFF0] =	vst v2  }
0x136: {  	[spmem:s3] =	stream.indirect.scatter.add.f32 [tilespmem:s29], [sflag:$0x6], $0x80, s4, s11, $0xb8;
	[tilespmem:$0x1EC00] =	vst v63  }
0x137: {  	s4 =	simm.s32 @!p0 $0x8  }
0x138: {  	_ =	swait.ge @!p0 [sflag:s4], $0x1800  }
0x139: {  	[sflag:s4] =	ssyncset.done @!p0 $0x0  }
0x13a: {  	s26 =	sor.u32 $0x180, s24;
	[sflag:s4] =	ssyncadd.s32 @!p0 $0xFFFFE800  }
0x13b: {  	[tilespmem:s31], [sflag:$0x4] =	stream.indirect.gather [hbm4b:s0+s11], $0x80, s26, s11, $0xb8;
	[tilespmem:$0x1EC00] =	vst v63  }
0x13c: {  	v2 =	vld [tilespmem:s5+$0xC00];
	_ =	sdelay $0x7  }
0x13d: {  	[tilespmem:v2+s13+$0x0] =	vst.idx.add.f32.msk $0xffff, v1  }
0x13e: {  	v2 =	vld [tilespmem:s5+$0xC10];
	_ =	sdelay $0x7  }
0x13f: {  	[tilespmem:v2+s13+$0x0] =	vst.idx.add.f32.msk $0xffff, v1  }
0x140: {  	v2 =	vld [tilespmem:s5+$0xC20];
	_ =	sdelay $0x7  }
0x141: {  	[tilespmem:v2+s13+$0x0] =	vst.idx.add.f32.msk $0xffff, v1  }
0x142: {  	_ =	swait.ge [sflag:s6], $0x1800  }
0x143: {  	[sflag:s6] =	ssyncset.done $0x0  }
0x144: {  	[sflag:s6] =	ssyncadd.s32 $0xFFFFE800  }
0x145: {  	v2 =	vld [tilespmem:s25+$0x1800]  }
0x146: {  	s5 =	simm.s32 $0x7C40  }
0x147: {  	v7 =	vld [tilespmem:s5+$0xFFFFFFC0]  }
0x148: {  	s10 =	simm.s32 $0x0;
	v9 =	vld [tilespmem:s5+$0xFFFFFFD0]  }
0x149: {  	v3 =	vmov s10;
	v8 =	vld [tilespmem:s5+$0xFFFFFFE0]  }
0x14a: {  	v5 =	vld [tilespmem:s5+$0x0];
	v3 =	vperm.xlane v2, v3  }
0x14b: {  	v6 =	vld [tilespmem:s5+$0x10]  }
0x14c: {  	v4 =	vld [tilespmem:s5+$0x20];
	v10 =	vmul.f32 v7, v3  }
0x14d: {  	s9 =	simm.s32 $0x7C40;
	s4 =	simm.s32 $0x1;
	v9 =	vmul.f32 v9, v3;
	v7 =	vld [tilespmem:s5+$0x30]  }
.LBB2_20:
0x14e: {  	p0 =	sne.s32 s4, $0xF;
	[tilespmem:s5+$0xFFFFFFC0] =	vst v10;
	v8 =	vmul.f32 v8, v3;
	v10 =	vld [tilespmem:s5+$0xFFFFFFF0];
	s9 =	sadd.s32 $0x80, s9  }
0x14f: {  	v11 =	vld [tilespmem:s9+$0xFFFFFFC0];
	[tilespmem:s5+$0xFFFFFFD0] =	vst v9;
	v5 =	vmul.f32 v5, v3  }
0x150: {  	v9 =	vld [tilespmem:s9+$0xFFFFFFD0];
	[tilespmem:s5+$0xFFFFFFE0] =	vst v8;
	v6 =	vmul.f32 v6, v3  }
.Ltmp8:
0x151: {  	v12 =	vmov s4;
	v8 =	vld [tilespmem:s9+$0xFFFFFFE0];
	[tilespmem:s5+$0x0] =	vst v5;
	v4 =	vmul.f32 v4, v3;
	(pc) =	sbr.rel @p0 .LBB2_20-.Ltmp8, $4  }
0x152: {  	v12 =	vperm.xlane v2, v12;
	v5 =	vld [tilespmem:s9+$0x0];
	[tilespmem:s5+$0x10] =	vst v6;
	v7 =	vmul.f32 v7, v3  }
0x153: {  	v6 =	vld [tilespmem:s9+$0x10];
	v13 =	vmul.f32 v10, v3;
	[tilespmem:s5+$0x20] =	vst v4  }
0x154: {  	v3 =	vmov v12;
	v10 =	vmul.f32 v11, v12;
	v4 =	vld [tilespmem:s9+$0x20];
	[tilespmem:s5+$0x30] =	vst v7  }
0x155: {  	s4 =	sadd.s32 $0x1, s4;
	v9 =	vmul.f32 v9, v3;
	v7 =	vld [tilespmem:s9+$0x30];
	[tilespmem:s5+$0xFFFFFFF0] =	vst v13;
	s5 =	smov.u32 s9  }
0x156: {  	[tilespmem:s5+$0xFFFFFFC0] =	vst v10;
	v2 =	vmul.f32 v8, v3;
	v8 =	vld [tilespmem:s5+$0xFFFFFFF0]  }
0x157: {  	[tilespmem:s5+$0xFFFFFFD0] =	vst v9;
	v5 =	vmul.f32 v5, v3  }
0x158: {  	[tilespmem:s5+$0xFFFFFFE0] =	vst v2;
	v2 =	vmul.f32 v6, v3  }
0x159: {  	[tilespmem:s5+$0x0] =	vst v5;
	v4 =	vmul.f32 v4, v3  }
0x15a: {  	[tilespmem:s5+$0x10] =	vst v2;
	v2 =	vmul.f32 v7, v3  }
0x15b: {  	v3 =	vmul.f32 v8, v3;
	[tilespmem:s5+$0x20] =	vst v4  }
0x15c: {  	[tilespmem:s5+$0x30] =	vst v2  }
0x15d: {  	[tilespmem:s5+$0xFFFFFFF0] =	vst v3  }
0x15e: {  	v3 =	vld [tilespmem:s24+$0x1910]  }
0x15f: {  	s5 =	simm.s32 $0x8470  }
0x160: {  	v7 =	vld [tilespmem:s5+$0xFFFFFF90]  }
0x161: {  	s4 =	simm.s32 $0x0;
	v9 =	vld [tilespmem:s5+$0xFFFFFFA0]  }
0x162: {  	v2 =	vmov s4;
	v8 =	vld [tilespmem:s5+$0xFFFFFFB0]  }
0x163: {  	v5 =	vld [tilespmem:s5+$0xFFFFFFC0];
	v2 =	vperm.xlane v3, v2  }
0x164: {  	v6 =	vld [tilespmem:s5+$0xFFFFFFD0]  }
0x165: {  	v4 =	vld [tilespmem:s5+$0xFFFFFFE0];
	v10 =	vmul.f32 v7, v2  }
0x166: {  	s9 =	simm.s32 $0x8470;
	s4 =	simm.s32 $0x1;
	v9 =	vmul.f32 v9, v2;
	v7 =	vld [tilespmem:s5+$0x0]  }
.LBB2_22:
0x167: {  	p0 =	sne.s32 s4, $0xF;
	[tilespmem:s5+$0xFFFFFF90] =	vst v10;
	v8 =	vmul.f32 v8, v2;
	v10 =	vld [tilespmem:s5+$0xFFFFFFF0];
	s9 =	sadd.s32 $0x80, s9  }
0x168: {  	v11 =	vld [tilespmem:s9+$0xFFFFFF90];
	[tilespmem:s5+$0xFFFFFFA0] =	vst v9;
	v5 =	vmul.f32 v5, v2  }
0x169: {  	v9 =	vld [tilespmem:s9+$0xFFFFFFA0];
	[tilespmem:s5+$0xFFFFFFB0] =	vst v8;
	v6 =	vmul.f32 v6, v2  }
.Ltmp9:
0x16a: {  	v12 =	vmov s4;
	v8 =	vld [tilespmem:s9+$0xFFFFFFB0];
	[tilespmem:s5+$0xFFFFFFC0] =	vst v5;
	v4 =	vmul.f32 v4, v2;
	(pc) =	sbr.rel @p0 .LBB2_22-.Ltmp9, $4  }
0x16b: {  	v12 =	vperm.xlane v3, v12;
	v5 =	vld [tilespmem:s9+$0xFFFFFFC0];
	[tilespmem:s5+$0xFFFFFFD0] =	vst v6;
	v7 =	vmul.f32 v7, v2  }
0x16c: {  	v6 =	vld [tilespmem:s9+$0xFFFFFFD0];
	[tilespmem:s5+$0xFFFFFFE0] =	vst v4;
	v13 =	vmul.f32 v10, v2  }
0x16d: {  	v2 =	vmov v12;
	v10 =	vmul.f32 v11, v12;
	v4 =	vld [tilespmem:s9+$0xFFFFFFE0];
	[tilespmem:s5+$0x0] =	vst v7  }
0x16e: {  	s4 =	sadd.s32 $0x1, s4;
	v9 =	vmul.f32 v9, v2;
	v7 =	vld [tilespmem:s9+$0x0];
	[tilespmem:s5+$0xFFFFFFF0] =	vst v13;
	s5 =	smov.u32 s9  }
0x16f: {  	[tilespmem:s5+$0xFFFFFF90] =	vst v10;
	v3 =	vmul.f32 v8, v2;
	v8 =	vld [tilespmem:s5+$0xFFFFFFF0]  }
0x170: {  	[tilespmem:s5+$0xFFFFFFA0] =	vst v9;
	v5 =	vmul.f32 v5, v2  }
0x171: {  	[tilespmem:s5+$0xFFFFFFB0] =	vst v3;
	v3 =	vmul.f32 v6, v2  }
0x172: {  	[tilespmem:s5+$0xFFFFFFC0] =	vst v5;
	v4 =	vmul.f32 v4, v2  }
0x173: {  	[tilespmem:s5+$0xFFFFFFD0] =	vst v3;
	v3 =	vmul.f32 v7, v2  }
0x174: {  	[tilespmem:s5+$0xFFFFFFE0] =	vst v4;
	v2 =	vmul.f32 v8, v2  }
0x175: {  	[tilespmem:s5+$0x0] =	vst v3  }
0x176: {  	[tilespmem:s5+$0xFFFFFFF0] =	vst v2  }
0x177: {  	v3 =	vld [tilespmem:s24+$0x1920]  }
0x178: {  	s5 =	simm.s32 $0x8C70  }
0x179: {  	v7 =	vld [tilespmem:s5+$0xFFFFFF90]  }
0x17a: {  	s4 =	simm.s32 $0x0;
	v9 =	vld [tilespmem:s5+$0xFFFFFFA0]  }
0x17b: {  	v2 =	vmov s4;
	v8 =	vld [tilespmem:s5+$0xFFFFFFB0]  }
0x17c: {  	v5 =	vld [tilespmem:s5+$0xFFFFFFC0];
	v2 =	vperm.xlane v3, v2  }
0x17d: {  	v6 =	vld [tilespmem:s5+$0xFFFFFFD0]  }
0x17e: {  	v4 =	vld [tilespmem:s5+$0xFFFFFFE0];
	v10 =	vmul.f32 v7, v2  }
0x17f: {  	s9 =	simm.s32 $0x8C70;
	s4 =	simm.s32 $0x1;
	v9 =	vmul.f32 v9, v2;
	v7 =	vld [tilespmem:s5+$0x0]  }
.LBB2_24:
0x180: {  	p0 =	sne.s32 s4, $0xF;
	[tilespmem:s5+$0xFFFFFF90] =	vst v10;
	v8 =	vmul.f32 v8, v2;
	v10 =	vld [tilespmem:s5+$0xFFFFFFF0];
	s9 =	sadd.s32 $0x80, s9  }
0x181: {  	v11 =	vld [tilespmem:s9+$0xFFFFFF90];
	[tilespmem:s5+$0xFFFFFFA0] =	vst v9;
	v5 =	vmul.f32 v5, v2  }
0x182: {  	v9 =	vld [tilespmem:s9+$0xFFFFFFA0];
	[tilespmem:s5+$0xFFFFFFB0] =	vst v8;
	v6 =	vmul.f32 v6, v2  }
.Ltmp10:
0x183: {  	v12 =	vmov s4;
	v8 =	vld [tilespmem:s9+$0xFFFFFFB0];
	[tilespmem:s5+$0xFFFFFFC0] =	vst v5;
	v4 =	vmul.f32 v4, v2;
	(pc) =	sbr.rel @p0 .LBB2_24-.Ltmp10, $4  }
0x184: {  	v12 =	vperm.xlane v3, v12;
	v5 =	vld [tilespmem:s9+$0xFFFFFFC0];
	[tilespmem:s5+$0xFFFFFFD0] =	vst v6;
	v7 =	vmul.f32 v7, v2  }
0x185: {  	v6 =	vld [tilespmem:s9+$0xFFFFFFD0];
	[tilespmem:s5+$0xFFFFFFE0] =	vst v4;
	v13 =	vmul.f32 v10, v2  }
0x186: {  	v2 =	vmov v12;
	v10 =	vmul.f32 v11, v12;
	v4 =	vld [tilespmem:s9+$0xFFFFFFE0];
	[tilespmem:s5+$0x0] =	vst v7  }
0x187: {  	s4 =	sadd.s32 $0x1, s4;
	v9 =	vmul.f32 v9, v2;
	v7 =	vld [tilespmem:s9+$0x0];
	[tilespmem:s5+$0xFFFFFFF0] =	vst v13;
	s5 =	smov.u32 s9  }
0x188: {  	[tilespmem:s5+$0xFFFFFF90] =	vst v10;
	v3 =	vmul.f32 v8, v2;
	v8 =	vld [tilespmem:s5+$0xFFFFFFF0]  }
0x189: {  	[tilespmem:s5+$0xFFFFFFA0] =	vst v9;
	v5 =	vmul.f32 v5, v2  }
0x18a: {  	[tilespmem:s5+$0xFFFFFFB0] =	vst v3;
	v3 =	vmul.f32 v6, v2  }
0x18b: {  	[tilespmem:s5+$0xFFFFFFC0] =	vst v5;
	v4 =	vmul.f32 v4, v2  }
0x18c: {  	[tilespmem:s5+$0xFFFFFFD0] =	vst v3;
	v3 =	vmul.f32 v7, v2  }
0x18d: {  	[tilespmem:s5+$0xFFFFFFE0] =	vst v4;
	v2 =	vmul.f32 v8, v2  }
0x18e: {  	[tilespmem:s5+$0x0] =	vst v3  }
0x18f: {  	s4 =	sadd.s32 $0xC00, s25;
	p0 =	seq.s32 s21, $0x5;
	[tilespmem:s5+$0xFFFFFFF0] =	vst v2  }
0x190: {  	[spmem:s3] =	stream.indirect.scatter.add.f32 [tilespmem:s30], [sflag:$0x7], $0x80, s4, s11, $0xb8;
	[tilespmem:$0x1EC00] =	vst v63  }
0x191: {  	s4 =	sshll.u32 @!p0 s21, $0x9;
	_ =	swait.ge [sflag:s14], $0x1800  }
0x192: {  	s9 =	simm.s32 @!p0 $0x30;
	s5 =	sand.u32 @!p0 $0x3FFFFE00, s4;
	[sflag:s14] =	ssyncset.done $0x0  }
0x193: {  	s10 =	simm.s32 @!p0 $0x4C00;
	s4 =	sadd.s32 @!p0 $0x200, s5;
	[sflag:s14] =	ssyncadd.s32 $0xFFFFE800  }
0x194: {  	[tilespmem:s10], [sflag:$0x1] =	stream.indirect.gather @!p0 [hbm4b:s0+s9], $0x80, s4, s9, $0xb8;
	[tilespmem:$0x1EC00] =	vst v63  }
0x195: {  	v2 =	vld [tilespmem:s25+$0xC00];
	_ =	sdelay $0x7  }
0x196: {  	[tilespmem:v2+s13+$0x0] =	vst.idx.add.f32.msk $0xffff, v1  }
0x197: {  	v2 =	vld [tilespmem:s25+$0xC10];
	_ =	sdelay $0x7  }
0x198: {  	[tilespmem:v2+s13+$0x0] =	vst.idx.add.f32.msk $0xffff, v1  }
0x199: {  	v2 =	vld [tilespmem:s25+$0xC20];
	_ =	sdelay $0x7  }
0x19a: {  	[tilespmem:v2+s13+$0x0] =	vst.idx.add.f32.msk $0xffff, v1  }
0x19b: {  	_ =	swait.ge [sflag:s7], $0x1800  }
0x19c: {  	[sflag:s7] =	ssyncset.done $0x0  }
0x19d: {  	[sflag:s7] =	ssyncadd.s32 $0xFFFFE800  }
0x19e: {  	v2 =	vld [tilespmem:s26+$0x1800]  }
0x19f: {  	s25 =	simm.s32 $0x9440  }
0x1a0: {  	v7 =	vld [tilespmem:s25+$0xFFFFFFC0]  }
0x1a1: {  	s10 =	simm.s32 $0x0;
	v9 =	vld [tilespmem:s25+$0xFFFFFFD0]  }
0x1a2: {  	v3 =	vmov s10;
	v8 =	vld [tilespmem:s25+$0xFFFFFFE0]  }
0x1a3: {  	v5 =	vld [tilespmem:s25+$0x0];
	v3 =	vperm.xlane v2, v3  }
0x1a4: {  	v6 =	vld [tilespmem:s25+$0x10]  }
0x1a5: {  	v4 =	vld [tilespmem:s25+$0x20];
	v10 =	vmul.f32 v7, v3  }
0x1a6: {  	s4 =	simm.s32 $0x1;
	s9 =	simm.s32 $0x9440;
	v9 =	vmul.f32 v9, v3;
	v7 =	vld [tilespmem:s25+$0x30]  }
.LBB2_26:
0x1a7: {  	p1 =	sne.s32 s4, $0xF;
	[tilespmem:s25+$0xFFFFFFC0] =	vst v10;
	v8 =	vmul.f32 v8, v3;
	v10 =	vld [tilespmem:s25+$0xFFFFFFF0];
	s9 =	sadd.s32 $0x80, s9  }
0x1a8: {  	v11 =	vld [tilespmem:s9+$0xFFFFFFC0];
	[tilespmem:s25+$0xFFFFFFD0] =	vst v9;
	v5 =	vmul.f32 v5, v3  }
0x1a9: {  	v9 =	vld [tilespmem:s9+$0xFFFFFFD0];
	[tilespmem:s25+$0xFFFFFFE0] =	vst v8;
	v6 =	vmul.f32 v6, v3  }
.Ltmp11:
0x1aa: {  	v12 =	vmov s4;
	v8 =	vld [tilespmem:s9+$0xFFFFFFE0];
	[tilespmem:s25+$0x0] =	vst v5;
	v4 =	vmul.f32 v4, v3;
	(pc) =	sbr.rel @p1 .LBB2_26-.Ltmp11, $4  }
0x1ab: {  	v12 =	vperm.xlane v2, v12;
	v5 =	vld [tilespmem:s9+$0x0];
	[tilespmem:s25+$0x10] =	vst v6;
	v7 =	vmul.f32 v7, v3  }
0x1ac: {  	v6 =	vld [tilespmem:s9+$0x10];
	v13 =	vmul.f32 v10, v3;
	[tilespmem:s25+$0x20] =	vst v4  }
0x1ad: {  	v3 =	vmov v12;
	v10 =	vmul.f32 v11, v12;
	v4 =	vld [tilespmem:s9+$0x20];
	[tilespmem:s25+$0x30] =	vst v7  }
0x1ae: {  	s4 =	sadd.s32 $0x1, s4;
	v9 =	vmul.f32 v9, v3;
	v7 =	vld [tilespmem:s9+$0x30];
	[tilespmem:s25+$0xFFFFFFF0] =	vst v13;
	s25 =	smov.u32 s9  }
0x1af: {  	[tilespmem:s25+$0xFFFFFFC0] =	vst v10;
	v2 =	vmul.f32 v8, v3;
	v8 =	vld [tilespmem:s25+$0xFFFFFFF0]  }
0x1b0: {  	[tilespmem:s25+$0xFFFFFFD0] =	vst v9;
	v5 =	vmul.f32 v5, v3  }
0x1b1: {  	[tilespmem:s25+$0xFFFFFFE0] =	vst v2;
	v2 =	vmul.f32 v6, v3  }
0x1b2: {  	[tilespmem:s25+$0x0] =	vst v5;
	v4 =	vmul.f32 v4, v3  }
0x1b3: {  	[tilespmem:s25+$0x10] =	vst v2;
	v2 =	vmul.f32 v7, v3  }
0x1b4: {  	v3 =	vmul.f32 v8, v3;
	[tilespmem:s25+$0x20] =	vst v4  }
0x1b5: {  	[tilespmem:s25+$0x30] =	vst v2  }
0x1b6: {  	[tilespmem:s25+$0xFFFFFFF0] =	vst v3  }
0x1b7: {  	v3 =	vld [tilespmem:s24+$0x1990]  }
0x1b8: {  	s25 =	simm.s32 $0x9C70  }
0x1b9: {  	v7 =	vld [tilespmem:s25+$0xFFFFFF90]  }
0x1ba: {  	s4 =	simm.s32 $0x0;
	v9 =	vld [tilespmem:s25+$0xFFFFFFA0]  }
0x1bb: {  	v2 =	vmov s4;
	v8 =	vld [tilespmem:s25+$0xFFFFFFB0]  }
0x1bc: {  	v5 =	vld [tilespmem:s25+$0xFFFFFFC0];
	v2 =	vperm.xlane v3, v2  }
0x1bd: {  	v6 =	vld [tilespmem:s25+$0xFFFFFFD0]  }
0x1be: {  	v4 =	vld [tilespmem:s25+$0xFFFFFFE0];
	v10 =	vmul.f32 v7, v2  }
0x1bf: {  	s9 =	simm.s32 $0x9C70;
	s4 =	simm.s32 $0x1;
	v9 =	vmul.f32 v9, v2;
	v7 =	vld [tilespmem:s25+$0x0]  }
.LBB2_28:
0x1c0: {  	p1 =	sne.s32 s4, $0xF;
	[tilespmem:s25+$0xFFFFFF90] =	vst v10;
	v8 =	vmul.f32 v8, v2;
	v10 =	vld [tilespmem:s25+$0xFFFFFFF0];
	s9 =	sadd.s32 $0x80, s9  }
0x1c1: {  	v11 =	vld [tilespmem:s9+$0xFFFFFF90];
	[tilespmem:s25+$0xFFFFFFA0] =	vst v9;
	v5 =	vmul.f32 v5, v2  }
0x1c2: {  	v9 =	vld [tilespmem:s9+$0xFFFFFFA0];
	[tilespmem:s25+$0xFFFFFFB0] =	vst v8;
	v6 =	vmul.f32 v6, v2  }
.Ltmp12:
0x1c3: {  	v12 =	vmov s4;
	v8 =	vld [tilespmem:s9+$0xFFFFFFB0];
	[tilespmem:s25+$0xFFFFFFC0] =	vst v5;
	v4 =	vmul.f32 v4, v2;
	(pc) =	sbr.rel @p1 .LBB2_28-.Ltmp12, $4  }
0x1c4: {  	v12 =	vperm.xlane v3, v12;
	v5 =	vld [tilespmem:s9+$0xFFFFFFC0];
	[tilespmem:s25+$0xFFFFFFD0] =	vst v6;
	v7 =	vmul.f32 v7, v2  }
0x1c5: {  	v6 =	vld [tilespmem:s9+$0xFFFFFFD0];
	[tilespmem:s25+$0xFFFFFFE0] =	vst v4;
	v13 =	vmul.f32 v10, v2  }
0x1c6: {  	v2 =	vmov v12;
	v10 =	vmul.f32 v11, v12;
	v4 =	vld [tilespmem:s9+$0xFFFFFFE0];
	[tilespmem:s25+$0x0] =	vst v7  }
0x1c7: {  	s4 =	sadd.s32 $0x1, s4;
	v9 =	vmul.f32 v9, v2;
	v7 =	vld [tilespmem:s9+$0x0];
	[tilespmem:s25+$0xFFFFFFF0] =	vst v13;
	s25 =	smov.u32 s9  }
0x1c8: {  	[tilespmem:s25+$0xFFFFFF90] =	vst v10;
	v3 =	vmul.f32 v8, v2;
	v8 =	vld [tilespmem:s25+$0xFFFFFFF0]  }
0x1c9: {  	[tilespmem:s25+$0xFFFFFFA0] =	vst v9;
	v5 =	vmul.f32 v5, v2  }
0x1ca: {  	[tilespmem:s25+$0xFFFFFFB0] =	vst v3;
	v3 =	vmul.f32 v6, v2  }
0x1cb: {  	[tilespmem:s25+$0xFFFFFFC0] =	vst v5;
	v4 =	vmul.f32 v4, v2  }
0x1cc: {  	[tilespmem:s25+$0xFFFFFFD0] =	vst v3;
	v3 =	vmul.f32 v7, v2  }
0x1cd: {  	[tilespmem:s25+$0xFFFFFFE0] =	vst v4;
	v2 =	vmul.f32 v8, v2  }
0x1ce: {  	[tilespmem:s25+$0x0] =	vst v3  }
0x1cf: {  	[tilespmem:s25+$0xFFFFFFF0] =	vst v2  }
0x1d0: {  	v3 =	vld [tilespmem:s24+$0x19A0]  }
0x1d1: {  	s24 =	simm.s32 $0xA470  }
0x1d2: {  	v7 =	vld [tilespmem:s24+$0xFFFFFF90]  }
0x1d3: {  	s4 =	simm.s32 $0x0;
	v9 =	vld [tilespmem:s24+$0xFFFFFFA0]  }
0x1d4: {  	v2 =	vmov s4;
	v8 =	vld [tilespmem:s24+$0xFFFFFFB0]  }
0x1d5: {  	v5 =	vld [tilespmem:s24+$0xFFFFFFC0];
	v2 =	vperm.xlane v3, v2  }
0x1d6: {  	v6 =	vld [tilespmem:s24+$0xFFFFFFD0]  }
0x1d7: {  	v4 =	vld [tilespmem:s24+$0xFFFFFFE0];
	v10 =	vmul.f32 v7, v2  }
0x1d8: {  	s9 =	simm.s32 $0xA470;
	s4 =	simm.s32 $0x1;
	v9 =	vmul.f32 v9, v2;
	v7 =	vld [tilespmem:s24+$0x0]  }
.LBB2_30:
0x1d9: {  	p1 =	sne.s32 s4, $0xF;
	[tilespmem:s24+$0xFFFFFF90] =	vst v10;
	v8 =	vmul.f32 v8, v2;
	v10 =	vld [tilespmem:s24+$0xFFFFFFF0];
	s9 =	sadd.s32 $0x80, s9  }
0x1da: {  	v11 =	vld [tilespmem:s9+$0xFFFFFF90];
	[tilespmem:s24+$0xFFFFFFA0] =	vst v9;
	v5 =	vmul.f32 v5, v2  }
0x1db: {  	v9 =	vld [tilespmem:s9+$0xFFFFFFA0];
	[tilespmem:s24+$0xFFFFFFB0] =	vst v8;
	v6 =	vmul.f32 v6, v2  }
.Ltmp13:
0x1dc: {  	v12 =	vmov s4;
	v8 =	vld [tilespmem:s9+$0xFFFFFFB0];
	[tilespmem:s24+$0xFFFFFFC0] =	vst v5;
	v4 =	vmul.f32 v4, v2;
	(pc) =	sbr.rel @p1 .LBB2_30-.Ltmp13, $4  }
0x1dd: {  	v12 =	vperm.xlane v3, v12;
	v5 =	vld [tilespmem:s9+$0xFFFFFFC0];
	[tilespmem:s24+$0xFFFFFFD0] =	vst v6;
	v7 =	vmul.f32 v7, v2  }
0x1de: {  	v6 =	vld [tilespmem:s9+$0xFFFFFFD0];
	[tilespmem:s24+$0xFFFFFFE0] =	vst v4;
	v13 =	vmul.f32 v10, v2  }
0x1df: {  	v2 =	vmov v12;
	v10 =	vmul.f32 v11, v12;
	v4 =	vld [tilespmem:s9+$0xFFFFFFE0];
	[tilespmem:s24+$0x0] =	vst v7  }
0x1e0: {  	s4 =	sadd.s32 $0x1, s4;
	v9 =	vmul.f32 v9, v2;
	v7 =	vld [tilespmem:s9+$0x0];
	[tilespmem:s24+$0xFFFFFFF0] =	vst v13;
	s24 =	smov.u32 s9  }
0x1e1: {  	[tilespmem:s24+$0xFFFFFF90] =	vst v10;
	v3 =	vmul.f32 v8, v2;
	v63 =	vld [tilespmem:s24+$0xFFFFFFF0]  }
0x1e2: {  	[tilespmem:s24+$0xFFFFFFA0] =	vst v9;
	v5 =	vmul.f32 v5, v2  }
0x1e3: {  	[tilespmem:s24+$0xFFFFFFB0] =	vst v3;
	v3 =	vmul.f32 v6, v2  }
0x1e4: {  	[tilespmem:s24+$0xFFFFFFC0] =	vst v5;
	v4 =	vmul.f32 v4, v2  }
0x1e5: {  	[tilespmem:s24+$0xFFFFFFD0] =	vst v3;
	v3 =	vmul.f32 v7, v2  }
0x1e6: {  	[tilespmem:s24+$0xFFFFFFE0] =	vst v4;
	v2 =	vmul.f32 v63, v2  }
0x1e7: {  	[tilespmem:s24+$0x0] =	vst v3  }
0x1e8: {  	s4 =	sadd.s32 $0xC00, s26;
	[tilespmem:s24+$0xFFFFFFF0] =	vst v2  }
0x1e9: {  	[spmem:s3] =	stream.indirect.scatter.add.f32 [tilespmem:s31], [sflag:$0x8], $0x80, s4, s11, $0xb8;
	[tilespmem:$0x1EC00] =	vst v63  }
0x1ea: {  	_ =	swait.ge [sflag:s15], $0x1800  }
0x1eb: {  	s9 =	simm.s32 @!p0 $0x6400;
	[sflag:s15] =	ssyncset.done $0x0  }
0x1ec: {  	s4 =	sadd.s32 @!p0 $0x280, s5;
	s5 =	simm.s32 @!p0 $0x30;
	[sflag:s15] =	ssyncadd.s32 $0xFFFFE800  }
0x1ed: {  	[tilespmem:s9], [sflag:$0x2] =	stream.indirect.gather @!p0 [hbm4b:s0+s5], $0x80, s4, s5, $0xb8;
	[tilespmem:$0x1EC00] =	vst v63  }
0x1ee: {  	v2 =	vld [tilespmem:s26+$0xC00];
	_ =	sdelay $0x7  }
0x1ef: {  	[tilespmem:v2+s13+$0x0] =	vst.idx.add.f32.msk $0xffff, v1  }
0x1f0: {  	v2 =	vld [tilespmem:s26+$0xC10];
	_ =	sdelay $0x7  }
0x1f1: {  	[tilespmem:v2+s13+$0x0] =	vst.idx.add.f32.msk $0xffff, v1  }
0x1f2: {  	v2 =	vld [tilespmem:s26+$0xC20];
	_ =	sdelay $0x1  }
0x1f3: {  	s21 =	sadd.s32 $0x1, s21  }
0x1f4: {  	p0 =	sne.s32 s21, $0x6  }
.Ltmp14:
0x1f5: {  	_ = 	snop;
	(pc) =	sbr.rel @p0 .LBB2_7-.Ltmp14, $2  }
0x1f6: {  	_ =	sdelay $0x2  }
0x1f7: {  	[tilespmem:v2+s13+$0x0] =	vst.idx.add.f32.msk $0xffff, v1  }
0x1f8: {  	s20 =	sadd.s32 $0x1, s20  }
0x1f9: {  	_ =	swait.ge [sflag:s16], $0x1800;
	p0 =	sne.s32 s20, $0x9  }
.Ltmp15:
0x1fa: {  	[sflag:s16] =	ssyncset.done $0x0;
	(pc) =	sbr.rel @p0 .LBB2_6-.Ltmp15, $4  }
0x1fb: {  	[sflag:s16] =	ssyncadd.s32 $0xFFFFE800  }
0x1fc: {  	_ =	swait.ge [sflag:s17], $0x1800  }
0x1fd: {  	[sflag:s17] =	ssyncset.done $0x0  }
0x1fe: {  	[sflag:s17] =	ssyncadd.s32 $0xFFFFE800  }
0x1ff: {  	s4 =	stileid.u32;
	[bflag:$0x0] =	sbarrier.arrive $0xFFFF  }
0x200: {  	s4 =	sshll.u32 s4, $0x6;
	s10 =	rddreg [dreg:$0x6]  }
0x201: {  	s9 =	rddreg [dreg:$0x15];
	s4 =	sor.u32 $0x1C09, s4;
	s5 =	sshrl.u32 s10, $0x3  }
0x202: {  	[hbm:s9], [sflag:s4] =	dma.local [spmem:s5], $0x2800  }
0x203: {  	_ =	swait.ge [sflag:s8], $0x2800  }
0x204: {  	[sflag:s8] =	ssyncset.done $0x0  }
0x205: {  	s25 =	simm.s32 $0x400;
	s24 =	rddreg [dreg:$0x16];
	[sflag:s8] =	ssyncadd.s32 $0xFFFFD800  }
0x206: {  	[hbm4b:s24+s12] =	stream.strided.scatter [tilespmem:s13], [sflag:$0x9], $0x2800, s25, s12, $0x38;
	[tilespmem:$0x1EC00] =	vst v63  }
0x207: {  	_ =	swait.ge [sflag:s8], $0x2800  }
0x208: {  	s18 =	rddreg [dreg:$0x5]  }
0x209: {  	s26 =	rddreg [dreg:$0x17];
	s18 =	sadd.s32 $0x1, s18  }
0x20a: {  	p0 =	sne.s32 s18, s26  }
.Ltmp16:
0x20b: {  	_ = 	snop;
	(pc) =	sbr.rel @p0 .LBB2_1-.Ltmp16, $3  }
0x20c: {  	_ =	sdelay $0x1  }
0x20d: {  	[sflag:s8] =	ssyncset.done $0x0  }
0x20e: {  	[sflag:s8] =	ssyncadd.s32 $0xFFFFD800  }
0x20f: {  	_ =	sfence.sel $0x180000  }
0x210: {  	[bflag:$0x0] =	sbarrier.arrive $0xFFFF  }
0x211: {  	_ =	strace $0x90000047  }
0x212: {  	s0 =	stileid.u32;
	[bflag:$0x2] =	sbarrier.arrive $0xFFFF  }
0x213: {  	p0 =	sne.s32 s0, $0x0;
	s0 =	rddreg [dreg:$0x4]  }
0x214: {  	s0 =	sadd.s32 @!p0 $0x100000, s0  }
0x215: {  	[sflag:s0] =	ssyncadd.tile.s32 @!p0 $0x1;
	_ =	shalt  }
.Lfunc_end2:
_tile_overlayer_lowered:
.L_overlay_start_2:
0x216: {  	(tag) =	ssettag $0x2  }
0x217: {  	s0 =	rddreg [dreg:$0x0];
	s2 =	stileid.u32  }
0x218: {  	s1 =	rddreg [dreg:$0x1];
	p0 =	sne.s32 s2, $0x0  }
0x219: {  	s3 =	rddreg [dreg:$0x2];
	[bflag:$0x3] =	sbarrier.arrive $0xFFFF;
	s2 =	simm.s32 @!p0 $0x1C09  }
0x21a: {  	[timem:s3], [sflag:s2] =	dma.local @!p0 [hbm:s0], s1  }
0x21b: {  	s0 =	simm.s32 @!p0 $0x9  }
0x21c: {  	_ =	swait.ge @!p0 [sflag:s0], s1  }
0x21d: {  	s1 =	ssub.s32 @!p0 $0x0, s1;
	[sflag:s0] =	ssyncset.done @!p0 $0x0  }
0x21e: {  	[sflag:s0] =	ssyncadd.s32 @!p0 s1  }
0x21f: {  	[bflag:$0x3] =	sbarrier.arrive $0xFFFF  }
0x220: {  	_ =	shalt  }

</sc_bundles>
